<compile_context>
chip_gen: v7x
topology: tpu7x:2x2x1
jax: 0.10.2.dev20260603
libtpu: 0.0.44.dev20260713+nightly
codegen_flags: <defaults>
</compile_context>

<pallas_src>
import jax
import jax.numpy as jnp
from jax import lax
from jax.experimental import pallas as pl
from jax.experimental.pallas import tpu as pltpu
from jax.experimental.pallas import tpu_sc as plsc

NUM_SEG = 256
N_NODES = 100000
N_EDGES = 6400000

NC = 2
NS = 16
L = 16
NW = NC * NS

EDGES_PER_TILE = N_EDGES // NW
ECHUNK = 10000
N_EPAIR = EDGES_PER_TILE // (2 * ECHUNK)
EUNROLL = 5
EVEC_ITERS = ECHUNK // (L * EUNROLL)

NODES_PAD = 102400
NODES_PER_TILE = NODES_PAD // NW
NUNROLL = 4
NVEC_ITERS = NODES_PER_TILE // (L * NUNROLL)

TAB_ROWS = 264
TAB_WORDS = TAB_ROWS * L


def _reduce_table(tab, n_phase, partials, base):
    lane = lax.iota(jnp.int32, L)

    @plsc.parallel_loop(0, NUM_SEG // L)
    def _group(g):
        vec = jnp.zeros((L,), jnp.float32)
        for s2 in range(L):
            row = tab[pl.ds((g * L + s2) * L, L)]
            for p in range(1, n_phase):
                row = row + tab[pl.ds(p * TAB_WORDS + (g * L + s2) * L, L)]
            vec = jnp.where(lane == s2, jnp.sum(row), vec)
        partials[pl.ds(base + g * L, L)] = vec


def _sc_body(qg_hbm, qt_hbm, es_hbm, xg_hbm, xt_hbm, ns_hbm, out_hbm,
             qg_buf, qt_buf, es_buf, xg_buf, xt_buf, ns_buf,
             etab, ntab, ctab, partials,
             esem0, esem1, nsem):
    wid = lax.axis_index("s") * NC + lax.axis_index("c")
    lane = lax.iota(jnp.int32, L)
    ones = jnp.ones((L,), jnp.float32)

    ebase = wid * EDGES_PER_TILE
    esems = (esem0, esem1)

    def estart(ch, b):
        sl = pl.ds(ebase + ch * ECHUNK, ECHUNK)
        dsl = pl.ds(b * ECHUNK, ECHUNK)
        pltpu.async_copy(qg_hbm.at[sl], qg_buf.at[dsl], esems[b])
        pltpu.async_copy(qt_hbm.at[sl], qt_buf.at[dsl], esems[b])
        pltpu.async_copy(es_hbm.at[sl], es_buf.at[dsl], esems[b])

    def ewait(ch, b):
        sl = pl.ds(ebase + ch * ECHUNK, ECHUNK)
        dsl = pl.ds(b * ECHUNK, ECHUNK)
        pltpu.make_async_copy(qg_hbm.at[sl], qg_buf.at[dsl], esems[b]).wait()
        pltpu.make_async_copy(qt_hbm.at[sl], qt_buf.at[dsl], esems[b]).wait()
        pltpu.make_async_copy(es_hbm.at[sl], es_buf.at[dsl], esems[b]).wait()

    nbase = wid * NODES_PER_TILE
    nsl = pl.ds(nbase, NODES_PER_TILE)
    pltpu.async_copy(xg_hbm.at[:, nsl], xg_buf, nsem)
    pltpu.async_copy(xt_hbm.at[:, nsl], xt_buf, nsem)
    pltpu.async_copy(ns_hbm.at[nsl], ns_buf, nsem)
    estart(0, 0)
    estart(1, 1)

    @plsc.parallel_loop(0, TAB_ROWS)
    def _z_edge(r):
        etab[pl.ds(r * L, L)] = jnp.zeros((L,), jnp.float32)

    @plsc.parallel_loop(0, TAB_ROWS)
    def _z_node(r):
        z = jnp.zeros((L,), jnp.float32)
        ntab[pl.ds(r * L, L)] = z
        ctab[pl.ds(r * L, L)] = z

    pltpu.make_async_copy(xg_hbm.at[:, nsl], xg_buf, nsem).wait()
    pltpu.make_async_copy(xt_hbm.at[:, nsl], xt_buf, nsem).wait()
    pltpu.make_async_copy(ns_hbm.at[nsl], ns_buf, nsem).wait()

    @plsc.parallel_loop(0, NVEC_ITERS)
    def _node(k):
        for u in range(NUNROLL):
            sl = pl.ds((k * NUNROLL + u) * L, L)
            dx = xg_buf[0, sl] - xt_buf[0, sl]
            dy = xg_buf[1, sl] - xt_buf[1, sl]
            dz = xg_buf[2, sl] - xt_buf[2, sl]
            err = dx * dx + dy * dy + dz * dz
            idx = ns_buf[sl] * L + lane
            plsc.addupdate_scatter(ntab, [idx], err)
            plsc.addupdate_scatter(ctab, [idx], ones)

    def pair_body(k, carry):
        ch = k * 2

        def compute(b):
            @plsc.parallel_loop(0, EVEC_ITERS)
            def _vec(j):
                for u in range(EUNROLL):
                    sl = pl.ds(b * ECHUNK + (j * EUNROLL + u) * L, L)
                    d = qg_buf[sl] - qt_buf[sl]
                    idx = es_buf[sl] * L + lane
                    plsc.addupdate_scatter(etab, [idx], d * d)

        ewait(ch, 0)
        compute(0)

        @pl.when(k < N_EPAIR - 1)
        def _():
            estart(ch + 2, 0)

        ewait(ch + 1, 1)
        compute(1)

        @pl.when(k < N_EPAIR - 1)
        def _():
            estart(ch + 3, 1)

        return carry

    lax.fori_loop(0, N_EPAIR, pair_body, 0)

    _reduce_table(etab, 1, partials, 0)
    _reduce_table(ntab, 1, partials, NUM_SEG)
    _reduce_table(ctab, 1, partials, 2 * NUM_SEG)

    pltpu.sync_copy(partials, out_hbm.at[wid])


_SC_SCRATCH = [
    pltpu.VMEM((2 * ECHUNK,), jnp.float32),
    pltpu.VMEM((2 * ECHUNK,), jnp.float32),
    pltpu.VMEM((2 * ECHUNK,), jnp.int32),
    pltpu.VMEM((3, NODES_PER_TILE), jnp.float32),
    pltpu.VMEM((3, NODES_PER_TILE), jnp.float32),
    pltpu.VMEM((NODES_PER_TILE,), jnp.int32),
    pltpu.VMEM((TAB_WORDS,), jnp.float32),
    pltpu.VMEM((TAB_WORDS,), jnp.float32),
    pltpu.VMEM((TAB_WORDS,), jnp.float32),
    pltpu.VMEM((3 * NUM_SEG,), jnp.float32),
    pltpu.SemaphoreType.DMA,
    pltpu.SemaphoreType.DMA,
    pltpu.SemaphoreType.DMA,
]

_sc_partials = pl.kernel(
    _sc_body,
    out_type=jax.ShapeDtypeStruct((NW, 3 * NUM_SEG), jnp.float32),
    mesh=plsc.VectorSubcoreMesh(core_axis_name="c", subcore_axis_name="s"),
    scratch_types=_SC_SCRATCH,
    compiler_params=pltpu.CompilerParams(needs_layout_passes=False),
)


def _fin_body(p_ref, o_ref):
    p = p_ref[...]
    col = jnp.sum(p, axis=0, keepdims=True)
    e = col[:, 0:NUM_SEG]
    n = col[:, NUM_SEG:2 * NUM_SEG]
    c = col[:, 2 * NUM_SEG:3 * NUM_SEG]
    rmsd_m = jnp.sum(jnp.sqrt(n / jnp.maximum(c, 1.0))) / NUM_SEG
    norm_m = jnp.sum(jnp.sqrt(e)) / NUM_SEG
    lanes = lax.broadcasted_iota(jnp.int32, (1, 128), 1)
    o_ref[...] = jnp.where(lanes == 0, rmsd_m,
                           jnp.where(lanes == 1, norm_m, 0.0))


_finalize = pl.pallas_call(
    _fin_body,
    out_shape=jax.ShapeDtypeStruct((1, 128), jnp.float32),
)


@jax.jit
def kernel(x_gen, x_true, node_seg, q_gen, q_true, edge_seg):
    es = edge_seg.astype(jnp.int32)
    ns = node_seg.astype(jnp.int32)
    pad = NODES_PAD - N_NODES
    xg = jnp.pad(x_gen.T, ((0, 0), (0, pad)))
    xt = jnp.pad(x_true.T, ((0, 0), (0, pad)))
    nsp = jnp.pad(ns, (0, pad), constant_values=NUM_SEG)
    partials = _sc_partials(q_gen, q_true, es, xg, xt, nsp)
    out = _finalize(partials)
    return out[0, :2]

# --- scband reference (transcript-rebuilt; emitter-appended) ---
"""Pipeline reference for scband-sampling-metrics-45157286150872 (READ-ONLY COPY).

The authoritative reference and input builder live on the scoring server;
editing this copy changes nothing except your own understanding.
"""

import jax, jax.numpy as jnp
import numpy as np

NUM_SEGMENTS = 256
N_NODES = 100000
N_EDGES = 6400000

def setup_inputs(seed: int = 0) -> dict:
    key = jax.random.key(seed)
    k1, k2, k3, k4, k5, k6 = jax.random.split(key, 6)
    x_gen = jax.random.normal(k1, (N_NODES, 3), dtype=jnp.float32)
    x_true = jax.random.normal(k2, (N_NODES, 3), dtype=jnp.float32)
    node_seg = jnp.sort(jax.random.randint(k3, (N_NODES,), 0, NUM_SEGMENTS, dtype=jnp.int64))
    q_gen = jax.random.normal(k4, (N_EDGES,), dtype=jnp.float32)
    q_true = jax.random.normal(k5, (N_EDGES,), dtype=jnp.float32)
    edge_seg = jnp.sort(jax.random.randint(k6, (N_EDGES,), 0, NUM_SEGMENTS, dtype=jnp.int64))
    return {"x_gen": x_gen, "x_true": x_true, "node_seg": node_seg, "q_gen": q_gen, "q_true": q_true, "edge_seg": edge_seg}

def reference(x_gen, x_true, node_seg, q_gen, q_true, edge_seg):
    # MetricRMSD.update: per-atom squared error summed over xyz, scatter_mean over batch index, sqrt
    square_err_node = jnp.sum((x_gen - x_true) ** 2, axis=-1)  # (N,)
    seg_sum = jax.ops.segment_sum(square_err_node, node_seg, num_segments=NUM_SEGMENTS)
    seg_cnt = jax.ops.segment_sum(jnp.ones_like(square_err_node), node_seg, num_segments=NUM_SEGMENTS)
    rmsd = jnp.sqrt(seg_sum / jnp.maximum(seg_cnt, 1.0))  # scatter_mean then sqrt
    total_rmsd = jnp.sum(rmsd)
    rmsd_metric = total_rmsd / rmsd.size  # compute()

    # MetricNorm.update: per-edge squared error, scatter_sum over batch index, sqrt
    square_err_edge = (q_gen - q_true) ** 2  # (E,)
    norm = jnp.sqrt(jax.ops.segment_sum(square_err_edge, edge_seg, num_segments=NUM_SEGMENTS))
    total_norm = jnp.sum(norm)
    norm_metric = total_norm / norm.size  # compute()

    return jnp.stack([rmsd_metric, norm_metric])

if __name__ == "__main__":
    import jax
    _d = setup_inputs()
    print(jax.jit(kernel)(*tuple(_d.values())))

</pallas_src>

<mosaic_0001>
#map = affine_map<(d0, d1) -> (0)>
#map1 = affine_map<(d0, d1) -> (0, 0)>
module attributes {stable_mosaic.version = 14 : i64} {
  func.func @_sc_body(%arg0: i32, %arg1: i32, %arg2: memref<6400000xf32, #tpu.memory_space<hbm>>, %arg3: memref<6400000xf32, #tpu.memory_space<hbm>>, %arg4: memref<6400000xi32, #tpu.memory_space<hbm>>, %arg5: memref<3x102400xf32, #tpu.memory_space<hbm>>, %arg6: memref<3x102400xf32, #tpu.memory_space<hbm>>, %arg7: memref<102400xi32, #tpu.memory_space<hbm>>, %arg8: memref<32x768xf32, #tpu.memory_space<hbm>>, %arg9: memref<20000xf32, #tpu.memory_space<vmem>>, %arg10: memref<20000xf32, #tpu.memory_space<vmem>>, %arg11: memref<20000xi32, #tpu.memory_space<vmem>>, %arg12: memref<3x3200xf32, #tpu.memory_space<vmem>>, %arg13: memref<3x3200xf32, #tpu.memory_space<vmem>>, %arg14: memref<3200xi32, #tpu.memory_space<vmem>>, %arg15: memref<4224xf32, #tpu.memory_space<vmem>>, %arg16: memref<4224xf32, #tpu.memory_space<vmem>>, %arg17: memref<4224xf32, #tpu.memory_space<vmem>>, %arg18: memref<768xf32, #tpu.memory_space<vmem>>, %arg19: memref<!tpu.dma_semaphore, #tpu.memory_space<semaphore_mem>>, %arg20: memref<!tpu.dma_semaphore, #tpu.memory_space<semaphore_mem>>, %arg21: memref<!tpu.dma_semaphore, #tpu.memory_space<semaphore_mem>>) attributes {dimension_semantics = [#tpu.dimension_semantics<core_parallel>, #tpu.dimension_semantics<subcore_parallel>], iteration_bounds = array<i64: 2, 16>, scalar_prefetch = 0 : i64, scratch_operands = 13 : i64, tpu.core_type = #tpu.core_type<sc_vector_subcore>, window_params = [{transform_indices = #map}, {transform_indices = #map}, {transform_indices = #map}, {transform_indices = #map1}, {transform_indices = #map1}, {transform_indices = #map}, {transform_indices = #map1}]} {
    %mul3A = arith.constant 2 : i32
    %mul3A_0 = arith.muli %arg1, %mul3A : i32
    %add3A = arith.addi %mul3A_0, %arg0 : i32
    %iota3A = tpu.iota {dimensions = array<i32: 0>} : vector<16xi32>
    %broadcast_in_dim3A = arith.constant 1.000000e+00 : f32
    %broadcast_in_dim3A_1 = vector.broadcast %broadcast_in_dim3A : f32 to vector<16xf32>
    %mul3A_2 = arith.constant 200000 : i32
    %mul3A_3 = arith.muli %add3A, %mul3A_2 : i32
    %mul3A_4 = arith.constant 3200 : i32
    %mul3A_5 = arith.muli %add3A, %mul3A_4 : i32
    %dma_start3A = arith.constant 0 : i32
    %dma_start3A_6 = tpu.memref_slice %arg5[%dma_start3A, %mul3A_5] : memref<3x102400xf32, #tpu.memory_space<hbm>> -> memref<3x3200xf32, #tpu.memory_space<hbm>>
    %dma_start3A_7 = arith.constant 0 : i32
    %dma_start3A_8 = tpu.memref_slice %arg5[%dma_start3A_7, %mul3A_5] : memref<3x102400xf32, #tpu.memory_space<hbm>> -> memref<3x3200xf32, #tpu.memory_space<hbm>>
    tpu.enqueue_dma source(%dma_start3A_8 : memref<3x3200xf32, #tpu.memory_space<hbm>>) target(%arg12 : memref<3x3200xf32, #tpu.memory_space<vmem>>) target_semaphore(%arg21 : memref<!tpu.dma_semaphore, #tpu.memory_space<semaphore_mem>>)
    %dma_start3A_9 = arith.constant 0 : i32
    %dma_start3A_10 = tpu.memref_slice %arg6[%dma_start3A_9, %mul3A_5] : memref<3x102400xf32, #tpu.memory_space<hbm>> -> memref<3x3200xf32, #tpu.memory_space<hbm>>
    %dma_start3A_11 = arith.constant 0 : i32
    %dma_start3A_12 = tpu.memref_slice %arg6[%dma_start3A_11, %mul3A_5] : memref<3x102400xf32, #tpu.memory_space<hbm>> -> memref<3x3200xf32, #tpu.memory_space<hbm>>
    tpu.enqueue_dma source(%dma_start3A_12 : memref<3x3200xf32, #tpu.memory_space<hbm>>) target(%arg13 : memref<3x3200xf32, #tpu.memory_space<vmem>>) target_semaphore(%arg21 : memref<!tpu.dma_semaphore, #tpu.memory_space<semaphore_mem>>)
    %dma_start3A_13 = tpu.memref_slice %arg7[%mul3A_5] : memref<102400xi32, #tpu.memory_space<hbm>> -> memref<3200xi32, #tpu.memory_space<hbm>>
    %dma_start3A_14 = tpu.memref_slice %arg7[%mul3A_5] : memref<102400xi32, #tpu.memory_space<hbm>> -> memref<3200xi32, #tpu.memory_space<hbm>>
    tpu.enqueue_dma source(%dma_start3A_14 : memref<3200xi32, #tpu.memory_space<hbm>>) target(%arg14 : memref<3200xi32, #tpu.memory_space<vmem>>) target_semaphore(%arg21 : memref<!tpu.dma_semaphore, #tpu.memory_space<semaphore_mem>>)
    %add3A_15 = arith.constant 0 : i32
    %add3A_16 = arith.addi %mul3A_3, %add3A_15 : i32
    %dma_start3A_17 = arith.constant 0 : i32
    %dma_start3A_18 = tpu.memref_slice %arg9[%dma_start3A_17] : memref<20000xf32, #tpu.memory_space<vmem>> -> memref<10000xf32, #tpu.memory_space<vmem>>
    %dma_start3A_19 = tpu.memref_slice %arg2[%add3A_16] : memref<6400000xf32, #tpu.memory_space<hbm>> -> memref<10000xf32, #tpu.memory_space<hbm>>
    %dma_start3A_20 = arith.constant 0 : i32
    %dma_start3A_21 = tpu.memref_slice %arg9[%dma_start3A_20] : memref<20000xf32, #tpu.memory_space<vmem>> -> memref<10000xf32, #tpu.memory_space<vmem>>
    %dma_start3A_22 = tpu.memref_slice %arg2[%add3A_16] : memref<6400000xf32, #tpu.memory_space<hbm>> -> memref<10000xf32, #tpu.memory_space<hbm>>
    tpu.enqueue_dma source(%dma_start3A_22 : memref<10000xf32, #tpu.memory_space<hbm>>) target(%dma_start3A_21 : memref<10000xf32, #tpu.memory_space<vmem>>) target_semaphore(%arg19 : memref<!tpu.dma_semaphore, #tpu.memory_space<semaphore_mem>>)
    %dma_start3A_23 = arith.constant 0 : i32
    %dma_start3A_24 = tpu.memref_slice %arg10[%dma_start3A_23] : memref<20000xf32, #tpu.memory_space<vmem>> -> memref<10000xf32, #tpu.memory_space<vmem>>
    %dma_start3A_25 = tpu.memref_slice %arg3[%add3A_16] : memref<6400000xf32, #tpu.memory_space<hbm>> -> memref<10000xf32, #tpu.memory_space<hbm>>
    %dma_start3A_26 = arith.constant 0 : i32
    %dma_start3A_27 = tpu.memref_slice %arg10[%dma_start3A_26] : memref<20000xf32, #tpu.memory_space<vmem>> -> memref<10000xf32, #tpu.memory_space<vmem>>
    %dma_start3A_28 = tpu.memref_slice %arg3[%add3A_16] : memref<6400000xf32, #tpu.memory_space<hbm>> -> memref<10000xf32, #tpu.memory_space<hbm>>
    tpu.enqueue_dma source(%dma_start3A_28 : memref<10000xf32, #tpu.memory_space<hbm>>) target(%dma_start3A_27 : memref<10000xf32, #tpu.memory_space<vmem>>) target_semaphore(%arg19 : memref<!tpu.dma_semaphore, #tpu.memory_space<semaphore_mem>>)
    %dma_start3A_29 = arith.constant 0 : i32
    %dma_start3A_30 = tpu.memref_slice %arg11[%dma_start3A_29] : memref<20000xi32, #tpu.memory_space<vmem>> -> memref<10000xi32, #tpu.memory_space<vmem>>
    %dma_start3A_31 = tpu.memref_slice %arg4[%add3A_16] : memref<6400000xi32, #tpu.memory_space<hbm>> -> memref<10000xi32, #tpu.memory_space<hbm>>
    %dma_start3A_32 = arith.constant 0 : i32
    %dma_start3A_33 = tpu.memref_slice %arg11[%dma_start3A_32] : memref<20000xi32, #tpu.memory_space<vmem>> -> memref<10000xi32, #tpu.memory_space<vmem>>
    %dma_start3A_34 = tpu.memref_slice %arg4[%add3A_16] : memref<6400000xi32, #tpu.memory_space<hbm>> -> memref<10000xi32, #tpu.memory_space<hbm>>
    tpu.enqueue_dma source(%dma_start3A_34 : memref<10000xi32, #tpu.memory_space<hbm>>) target(%dma_start3A_33 : memref<10000xi32, #tpu.memory_space<vmem>>) target_semaphore(%arg19 : memref<!tpu.dma_semaphore, #tpu.memory_space<semaphore_mem>>)
    %add3A_35 = arith.constant 10000 : i32
    %add3A_36 = arith.addi %mul3A_3, %add3A_35 : i32
    %dma_start3A_37 = arith.constant 10000 : i32
    %dma_start3A_38 = tpu.memref_slice %arg9[%dma_start3A_37] : memref<20000xf32, #tpu.memory_space<vmem>> -> memref<10000xf32, #tpu.memory_space<vmem>>
    %dma_start3A_39 = tpu.memref_slice %arg2[%add3A_36] : memref<6400000xf32, #tpu.memory_space<hbm>> -> memref<10000xf32, #tpu.memory_space<hbm>>
    %dma_start3A_40 = arith.constant 10000 : i32
    %dma_start3A_41 = tpu.memref_slice %arg9[%dma_start3A_40] : memref<20000xf32, #tpu.memory_space<vmem>> -> memref<10000xf32, #tpu.memory_space<vmem>>
    %dma_start3A_42 = tpu.memref_slice %arg2[%add3A_36] : memref<6400000xf32, #tpu.memory_space<hbm>> -> memref<10000xf32, #tpu.memory_space<hbm>>
    tpu.enqueue_dma source(%dma_start3A_42 : memref<10000xf32, #tpu.memory_space<hbm>>) target(%dma_start3A_41 : memref<10000xf32, #tpu.memory_space<vmem>>) target_semaphore(%arg20 : memref<!tpu.dma_semaphore, #tpu.memory_space<semaphore_mem>>)
    %dma_start3A_43 = arith.constant 10000 : i32
    %dma_start3A_44 = tpu.memref_slice %arg10[%dma_start3A_43] : memref<20000xf32, #tpu.memory_space<vmem>> -> memref<10000xf32, #tpu.memory_space<vmem>>
    %dma_start3A_45 = tpu.memref_slice %arg3[%add3A_36] : memref<6400000xf32, #tpu.memory_space<hbm>> -> memref<10000xf32, #tpu.memory_space<hbm>>
    %dma_start3A_46 = arith.constant 10000 : i32
    %dma_start3A_47 = tpu.memref_slice %arg10[%dma_start3A_46] : memref<20000xf32, #tpu.memory_space<vmem>> -> memref<10000xf32, #tpu.memory_space<vmem>>
    %dma_start3A_48 = tpu.memref_slice %arg3[%add3A_36] : memref<6400000xf32, #tpu.memory_space<hbm>> -> memref<10000xf32, #tpu.memory_space<hbm>>
    tpu.enqueue_dma source(%dma_start3A_48 : memref<10000xf32, #tpu.memory_space<hbm>>) target(%dma_start3A_47 : memref<10000xf32, #tpu.memory_space<vmem>>) target_semaphore(%arg20 : memref<!tpu.dma_semaphore, #tpu.memory_space<semaphore_mem>>)
    %dma_start3A_49 = arith.constant 10000 : i32
    %dma_start3A_50 = tpu.memref_slice %arg11[%dma_start3A_49] : memref<20000xi32, #tpu.memory_space<vmem>> -> memref<10000xi32, #tpu.memory_space<vmem>>
    %dma_start3A_51 = tpu.memref_slice %arg4[%add3A_36] : memref<6400000xi32, #tpu.memory_space<hbm>> -> memref<10000xi32, #tpu.memory_space<hbm>>
    %dma_start3A_52 = arith.constant 10000 : i32
    %dma_start3A_53 = tpu.memref_slice %arg11[%dma_start3A_52] : memref<20000xi32, #tpu.memory_space<vmem>> -> memref<10000xi32, #tpu.memory_space<vmem>>
    %dma_start3A_54 = tpu.memref_slice %arg4[%add3A_36] : memref<6400000xi32, #tpu.memory_space<hbm>> -> memref<10000xi32, #tpu.memory_space<hbm>>
    tpu.enqueue_dma source(%dma_start3A_54 : memref<10000xi32, #tpu.memory_space<hbm>>) target(%dma_start3A_53 : memref<10000xi32, #tpu.memory_space<vmem>>) target_semaphore(%arg20 : memref<!tpu.dma_semaphore, #tpu.memory_space<semaphore_mem>>)
    %parallel_loop3A = arith.constant 0 : i32
    %parallel_loop3A_55 = arith.constant 264 : i32
    %parallel_loop3A_56 = arith.constant 1 : i32
    scf.for %parallel_loop3A_89 = %parallel_loop3A to %parallel_loop3A_55 step %parallel_loop3A_56  : i32 {
      %parallel_loop3A_90 = arith.constant 0.000000e+00 : f32
      %parallel_loop3A_91 = vector.broadcast %parallel_loop3A_90 : f32 to vector<16xf32>
      %parallel_loop3A_92 = arith.constant 16 : i32
      %parallel_loop3A_93 = arith.muli %parallel_loop3A_89, %parallel_loop3A_92 : i32
      %parallel_loop3A_94 = arith.index_cast %parallel_loop3A_93 : i32 to index
      %parallel_loop3A_95 = tpu.vector_load %arg15[%parallel_loop3A_94] {strides = array<i32>} : memref<4224xf32, #tpu.memory_space<vmem>>, vector<16xf32>,
      tpu.vector_store %arg15[%parallel_loop3A_94], %parallel_loop3A_91 {strides = array<i32>} : memref<4224xf32, #tpu.memory_space<vmem>>, vector<16xf32>,
    } {sc.loop_unroll_factor = 1 : i64, sc.parallel_access}
    %parallel_loop3A_57 = arith.constant 0 : i32
    %parallel_loop3A_58 = arith.constant 264 : i32
    %parallel_loop3A_59 = arith.constant 1 : i32
    scf.for %parallel_loop3A_89 = %parallel_loop3A_57 to %parallel_loop3A_58 step %parallel_loop3A_59  : i32 {
      %parallel_loop3A_90 = arith.constant 0.000000e+00 : f32
      %parallel_loop3A_91 = vector.broadcast %parallel_loop3A_90 : f32 to vector<16xf32>
      %parallel_loop3A_92 = arith.constant 16 : i32
      %parallel_loop3A_93 = arith.muli %parallel_loop3A_89, %parallel_loop3A_92 : i32
      %parallel_loop3A_94 = arith.index_cast %parallel_loop3A_93 : i32 to index
      %parallel_loop3A_95 = tpu.vector_load %arg16[%parallel_loop3A_94] {strides = array<i32>} : memref<4224xf32, #tpu.memory_space<vmem>>, vector<16xf32>,
      tpu.vector_store %arg16[%parallel_loop3A_94], %parallel_loop3A_91 {strides = array<i32>} : memref<4224xf32, #tpu.memory_space<vmem>>, vector<16xf32>,
      %parallel_loop3A_96 = arith.constant 16 : i32
      %parallel_loop3A_97 = arith.muli %parallel_loop3A_89, %parallel_loop3A_96 : i32
      %parallel_loop3A_98 = arith.index_cast %parallel_loop3A_97 : i32 to index
      %parallel_loop3A_99 = tpu.vector_load %arg17[%parallel_loop3A_98] {strides = array<i32>} : memref<4224xf32, #tpu.memory_space<vmem>>, vector<16xf32>,
      tpu.vector_store %arg17[%parallel_loop3A_98], %parallel_loop3A_91 {strides = array<i32>} : memref<4224xf32, #tpu.memory_space<vmem>>, vector<16xf32>,
    } {sc.loop_unroll_factor = 1 : i64, sc.parallel_access}
    %dma_wait3A = arith.constant 0 : i32
    %dma_wait3A_60 = tpu.memref_slice %arg5[%dma_wait3A, %mul3A_5] : memref<3x102400xf32, #tpu.memory_space<hbm>> -> memref<3x3200xf32, #tpu.memory_space<hbm>>
    %dma_wait3A_61 = arith.constant 0 : i32
    %dma_wait3A_62 = tpu.memref_slice %arg5[%dma_wait3A_61, %mul3A_5] : memref<3x102400xf32, #tpu.memory_space<hbm>> -> memref<3x3200xf32, #tpu.memory_space<hbm>>
    tpu.wait_dma2 semaphore(%arg21 : memref<!tpu.dma_semaphore, #tpu.memory_space<semaphore_mem>>) src(%dma_wait3A_62 : memref<3x3200xf32, #tpu.memory_space<hbm>>) dst(%arg12 : memref<3x3200xf32, #tpu.memory_space<vmem>>)
    %dma_wait3A_63 = arith.constant 0 : i32
    %dma_wait3A_64 = tpu.memref_slice %arg6[%dma_wait3A_63, %mul3A_5] : memref<3x102400xf32, #tpu.memory_space<hbm>> -> memref<3x3200xf32, #tpu.memory_space<hbm>>
    %dma_wait3A_65 = arith.constant 0 : i32
    %dma_wait3A_66 = tpu.memref_slice %arg6[%dma_wait3A_65, %mul3A_5] : memref<3x102400xf32, #tpu.memory_space<hbm>> -> memref<3x3200xf32, #tpu.memory_space<hbm>>
    tpu.wait_dma2 semaphore(%arg21 : memref<!tpu.dma_semaphore, #tpu.memory_space<semaphore_mem>>) src(%dma_wait3A_66 : memref<3x3200xf32, #tpu.memory_space<hbm>>) dst(%arg13 : memref<3x3200xf32, #tpu.memory_space<vmem>>)
    %dma_wait3A_67 = tpu.memref_slice %arg7[%mul3A_5] : memref<102400xi32, #tpu.memory_space<hbm>> -> memref<3200xi32, #tpu.memory_space<hbm>>
    %dma_wait3A_68 = tpu.memref_slice %arg7[%mul3A_5] : memref<102400xi32, #tpu.memory_space<hbm>> -> memref<3200xi32, #tpu.memory_space<hbm>>
    tpu.wait_dma2 semaphore(%arg21 : memref<!tpu.dma_semaphore, #tpu.memory_space<semaphore_mem>>) src(%dma_wait3A_68 : memref<3200xi32, #tpu.memory_space<hbm>>) dst(%arg14 : memref<3200xi32, #tpu.memory_space<vmem>>)
    %parallel_loop3A_69 = arith.constant 0 : i32
    %parallel_loop3A_70 = arith.constant 50 : i32
    %parallel_loop3A_71 = arith.constant 1 : i32
    scf.for %parallel_loop3A_89 = %parallel_loop3A_69 to %parallel_loop3A_70 step %parallel_loop3A_71  : i32 {
      %parallel_loop3A_90 = arith.constant 4 : i32
      %parallel_loop3A_91 = arith.muli %parallel_loop3A_89, %parallel_loop3A_90 : i32
      %parallel_loop3A_92 = arith.constant 0 : i32
      %parallel_loop3A_93 = arith.addi %parallel_loop3A_91, %parallel_loop3A_92 : i32
      %parallel_loop3A_94 = arith.constant 16 : i32
      %parallel_loop3A_95 = arith.muli %parallel_loop3A_93, %parallel_loop3A_94 : i32
      %parallel_loop3A_96 = arith.constant 0 : i32
      %parallel_loop3A_97 = arith.index_cast %parallel_loop3A_96 : i32 to index
      %parallel_loop3A_98 = arith.index_cast %parallel_loop3A_95 : i32 to index
      %parallel_loop3A_99 = tpu.vector_load %arg12[%parallel_loop3A_97, %parallel_loop3A_98] {strides = array<i32>} : memref<3x3200xf32, #tpu.memory_space<vmem>>, vector<16xf32>,
      %parallel_loop3A_100 = arith.constant 0 : i32
      %parallel_loop3A_101 = arith.index_cast %parallel_loop3A_100 : i32 to index
      %parallel_loop3A_102 = arith.index_cast %parallel_loop3A_95 : i32 to index
      %parallel_loop3A_103 = tpu.vector_load %arg13[%parallel_loop3A_101, %parallel_loop3A_102] {strides = array<i32>} : memref<3x3200xf32, #tpu.memory_space<vmem>>, vector<16xf32>,
      %parallel_loop3A_104 = arith.subf %parallel_loop3A_99, %parallel_loop3A_103 : vector<16xf32>
      %parallel_loop3A_105 = arith.constant 1 : i32
      %parallel_loop3A_106 = arith.index_cast %parallel_loop3A_105 : i32 to index
      %parallel_loop3A_107 = arith.index_cast %parallel_loop3A_95 : i32 to index
      %parallel_loop3A_108 = tpu.vector_load %arg12[%parallel_loop3A_106, %parallel_loop3A_107] {strides = array<i32>} : memref<3x3200xf32, #tpu.memory_space<vmem>>, vector<16xf32>,
      %parallel_loop3A_109 = arith.constant 1 : i32
      %parallel_loop3A_110 = arith.index_cast %parallel_loop3A_109 : i32 to index
      %parallel_loop3A_111 = arith.index_cast %parallel_loop3A_95 : i32 to index
      %parallel_loop3A_112 = tpu.vector_load %arg13[%parallel_loop3A_110, %parallel_loop3A_111] {strides = array<i32>} : memref<3x3200xf32, #tpu.memory_space<vmem>>, vector<16xf32>,
      %parallel_loop3A_113 = arith.subf %parallel_loop3A_108, %parallel_loop3A_112 : vector<16xf32>
      %parallel_loop3A_114 = arith.constant 2 : i32
      %parallel_loop3A_115 = arith.index_cast %parallel_loop3A_114 : i32 to index
      %parallel_loop3A_116 = arith.index_cast %parallel_loop3A_95 : i32 to index
      %parallel_loop3A_117 = tpu.vector_load %arg12[%parallel_loop3A_115, %parallel_loop3A_116] {strides = array<i32>} : memref<3x3200xf32, #tpu.memory_space<vmem>>, vector<16xf32>,
      %parallel_loop3A_118 = arith.constant 2 : i32
      %parallel_loop3A_119 = arith.index_cast %parallel_loop3A_118 : i32 to index
      %parallel_loop3A_120 = arith.index_cast %parallel_loop3A_95 : i32 to index
      %parallel_loop3A_121 = tpu.vector_load %arg13[%parallel_loop3A_119, %parallel_loop3A_120] {strides = array<i32>} : memref<3x3200xf32, #tpu.memory_space<vmem>>, vector<16xf32>,
      %parallel_loop3A_122 = arith.subf %parallel_loop3A_117, %parallel_loop3A_121 : vector<16xf32>
      %parallel_loop3A_123 = arith.mulf %parallel_loop3A_104, %parallel_loop3A_104 : vector<16xf32>
      %parallel_loop3A_124 = arith.mulf %parallel_loop3A_113, %parallel_loop3A_113 : vector<16xf32>
      %parallel_loop3A_125 = arith.addf %parallel_loop3A_123, %parallel_loop3A_124 : vector<16xf32>
      %parallel_loop3A_126 = arith.mulf %parallel_loop3A_122, %parallel_loop3A_122 : vector<16xf32>
      %parallel_loop3A_127 = arith.addf %parallel_loop3A_125, %parallel_loop3A_126 : vector<16xf32>
      %parallel_loop3A_128 = arith.index_cast %parallel_loop3A_95 : i32 to index
      %parallel_loop3A_129 = tpu.vector_load %arg14[%parallel_loop3A_128] {strides = array<i32>} : memref<3200xi32, #tpu.memory_space<vmem>>, vector<16xi32>,
      %parallel_loop3A_130 = arith.constant 16 : i32
      %parallel_loop3A_131 = vector.broadcast %parallel_loop3A_130 : i32 to vector<16xi32>
      %parallel_loop3A_132 = arith.muli %parallel_loop3A_129, %parallel_loop3A_131 : vector<16xi32>
      %parallel_loop3A_133 = arith.addi %parallel_loop3A_132, %iota3A : vector<16xi32>
      tpu.vector_store_idx %arg16[%parallel_loop3A_133], %parallel_loop3A_127 {add = true} : memref<4224xf32, #tpu.memory_space<vmem>>[vector<16xi32>], vector<16xf32>,
      tpu.vector_store_idx %arg17[%parallel_loop3A_133], %broadcast_in_dim3A_1 {add = true} : memref<4224xf32, #tpu.memory_space<vmem>>[vector<16xi32>], vector<16xf32>,
      %parallel_loop3A_134 = arith.constant 4 : i32
      %parallel_loop3A_135 = arith.muli %parallel_loop3A_89, %parallel_loop3A_134 : i32
      %parallel_loop3A_136 = arith.constant 1 : i32
      %parallel_loop3A_137 = arith.addi %parallel_loop3A_135, %parallel_loop3A_136 : i32
      %parallel_loop3A_138 = arith.constant 16 : i32
      %parallel_loop3A_139 = arith.muli %parallel_loop3A_137, %parallel_loop3A_138 : i32
      %parallel_loop3A_140 = arith.constant 0 : i32
      %parallel_loop3A_141 = arith.index_cast %parallel_loop3A_140 : i32 to index
      %parallel_loop3A_142 = arith.index_cast %parallel_loop3A_139 : i32 to index
      %parallel_loop3A_143 = tpu.vector_load %arg12[%parallel_loop3A_141, %parallel_loop3A_142] {strides = array<i32>} : memref<3x3200xf32, #tpu.memory_space<vmem>>, vector<16xf32>,
      %parallel_loop3A_144 = arith.constant 0 : i32
      %parallel_loop3A_145 = arith.index_cast %parallel_loop3A_144 : i32 to index
      %parallel_loop3A_146 = arith.index_cast %parallel_loop3A_139 : i32 to index
      %parallel_loop3A_147 = tpu.vector_load %arg13[%parallel_loop3A_145, %parallel_loop3A_146] {strides = array<i32>} : memref<3x3200xf32, #tpu.memory_space<vmem>>, vector<16xf32>,
      %parallel_loop3A_148 = arith.subf %parallel_loop3A_143, %parallel_loop3A_147 : vector<16xf32>
      %parallel_loop3A_149 = arith.constant 1 : i32
      %parallel_loop3A_150 = arith.index_cast %parallel_loop3A_149 : i32 to index
      %parallel_loop3A_151 = arith.index_cast %parallel_loop3A_139 : i32 to index
      %parallel_loop3A_152 = tpu.vector_load %arg12[%parallel_loop3A_150, %parallel_loop3A_151] {strides = array<i32>} : memref<3x3200xf32, #tpu.memory_space<vmem>>, vector<16xf32>,
      %parallel_loop3A_153 = arith.constant 1 : i32
      %parallel_loop3A_154 = arith.index_cast %parallel_loop3A_153 : i32 to index
      %parallel_loop3A_155 = arith.index_cast %parallel_loop3A_139 : i32 to index
      %parallel_loop3A_156 = tpu.vector_load %arg13[%parallel_loop3A_154, %parallel_loop3A_155] {strides = array<i32>} : memref<3x3200xf32, #tpu.memory_space<vmem>>, vector<16xf32>,
      %parallel_loop3A_157 = arith.subf %parallel_loop3A_152, %parallel_loop3A_156 : vector<16xf32>
      %parallel_loop3A_158 = arith.constant 2 : i32
      %parallel_loop3A_159 = arith.index_cast %parallel_loop3A_158 : i32 to index
      %parallel_loop3A_160 = arith.index_cast %parallel_loop3A_139 : i32 to index
      %parallel_loop3A_161 = tpu.vector_load %arg12[%parallel_loop3A_159, %parallel_loop3A_160] {strides = array<i32>} : memref<3x3200xf32, #tpu.memory_space<vmem>>, vector<16xf32>,
      %parallel_loop3A_162 = arith.constant 2 : i32
      %parallel_loop3A_163 = arith.index_cast %parallel_loop3A_162 : i32 to index
      %parallel_loop3A_164 = arith.index_cast %parallel_loop3A_139 : i32 to index
      %parallel_loop3A_165 = tpu.vector_load %arg13[%parallel_loop3A_163, %parallel_loop3A_164] {strides = array<i32>} : memref<3x3200xf32, #tpu.memory_space<vmem>>, vector<16xf32>,
      %parallel_loop3A_166 = arith.subf %parallel_loop3A_161, %parallel_loop3A_165 : vector<16xf32>
      %parallel_loop3A_167 = arith.mulf %parallel_loop3A_148, %parallel_loop3A_148 : vector<16xf32>
      %parallel_loop3A_168 = arith.mulf %parallel_loop3A_157, %parallel_loop3A_157 : vector<16xf32>
      %parallel_loop3A_169 = arith.addf %parallel_loop3A_167, %parallel_loop3A_168 : vector<16xf32>
      %parallel_loop3A_170 = arith.mulf %parallel_loop3A_166, %parallel_loop3A_166 : vector<16xf32>
      %parallel_loop3A_171 = arith.addf %parallel_loop3A_169, %parallel_loop3A_170 : vector<16xf32>
      %parallel_loop3A_172 = arith.index_cast %parallel_loop3A_139 : i32 to index
      %parallel_loop3A_173 = tpu.vector_load %arg14[%parallel_loop3A_172] {strides = array<i32>} : memref<3200xi32, #tpu.memory_space<vmem>>, vector<16xi32>,
      %parallel_loop3A_174 = arith.constant 16 : i32
      %parallel_loop3A_175 = vector.broadcast %parallel_loop3A_174 : i32 to vector<16xi32>
      %parallel_loop3A_176 = arith.muli %parallel_loop3A_173, %parallel_loop3A_175 : vector<16xi32>
      %parallel_loop3A_177 = arith.addi %parallel_loop3A_176, %iota3A : vector<16xi32>
      tpu.vector_store_idx %arg16[%parallel_loop3A_177], %parallel_loop3A_171 {add = true} : memref<4224xf32, #tpu.memory_space<vmem>>[vector<16xi32>], vector<16xf32>,
      tpu.vector_store_idx %arg17[%parallel_loop3A_177], %broadcast_in_dim3A_1 {add = true} : memref<4224xf32, #tpu.memory_space<vmem>>[vector<16xi32>], vector<16xf32>,
      %parallel_loop3A_178 = arith.constant 4 : i32
      %parallel_loop3A_179 = arith.muli %parallel_loop3A_89, %parallel_loop3A_178 : i32
      %parallel_loop3A_180 = arith.constant 2 : i32
      %parallel_loop3A_181 = arith.addi %parallel_loop3A_179, %parallel_loop3A_180 : i32
      %parallel_loop3A_182 = arith.constant 16 : i32
      %parallel_loop3A_183 = arith.muli %parallel_loop3A_181, %parallel_loop3A_182 : i32
      %parallel_loop3A_184 = arith.constant 0 : i32
      %parallel_loop3A_185 = arith.index_cast %parallel_loop3A_184 : i32 to index
      %parallel_loop3A_186 = arith.index_cast %parallel_loop3A_183 : i32 to index
      %parallel_loop3A_187 = tpu.vector_load %arg12[%parallel_loop3A_185, %parallel_loop3A_186] {strides = array<i32>} : memref<3x3200xf32, #tpu.memory_space<vmem>>, vector<16xf32>,
      %parallel_loop3A_188 = arith.constant 0 : i32
      %parallel_loop3A_189 = arith.index_cast %parallel_loop3A_188 : i32 to index
      %parallel_loop3A_190 = arith.index_cast %parallel_loop3A_183 : i32 to index
      %parallel_loop3A_191 = tpu.vector_load %arg13[%parallel_loop3A_189, %parallel_loop3A_190] {strides = array<i32>} : memref<3x3200xf32, #tpu.memory_space<vmem>>, vector<16xf32>,
      %parallel_loop3A_192 = arith.subf %parallel_loop3A_187, %parallel_loop3A_191 : vector<16xf32>
      %parallel_loop3A_193 = arith.constant 1 : i32
      %parallel_loop3A_194 = arith.index_cast %parallel_loop3A_193 : i32 to index
      %parallel_loop3A_195 = arith.index_cast %parallel_loop3A_183 : i32 to index
      %parallel_loop3A_196 = tpu.vector_load %arg12[%parallel_loop3A_194, %parallel_loop3A_195] {strides = array<i32>} : memref<3x3200xf32, #tpu.memory_space<vmem>>, vector<16xf32>,
      %parallel_loop3A_197 = arith.constant 1 : i32
      %parallel_loop3A_198 = arith.index_cast %parallel_loop3A_197 : i32 to index
      %parallel_loop3A_199 = arith.index_cast %parallel_loop3A_183 : i32 to index
      %parallel_loop3A_200 = tpu.vector_load %arg13[%parallel_loop3A_198, %parallel_loop3A_199] {strides = array<i32>} : memref<3x3200xf32, #tpu.memory_space<vmem>>, vector<16xf32>,
      %parallel_loop3A_201 = arith.subf %parallel_loop3A_196, %parallel_loop3A_200 : vector<16xf32>
      %parallel_loop3A_202 = arith.constant 2 : i32
      %parallel_loop3A_203 = arith.index_cast %parallel_loop3A_202 : i32 to index
      %parallel_loop3A_204 = arith.index_cast %parallel_loop3A_183 : i32 to index
      %parallel_loop3A_205 = tpu.vector_load %arg12[%parallel_loop3A_203, %parallel_loop3A_204] {strides = array<i32>} : memref<3x3200xf32, #tpu.memory_space<vmem>>, vector<16xf32>,
      %parallel_loop3A_206 = arith.constant 2 : i32
      %parallel_loop3A_207 = arith.index_cast %parallel_loop3A_206 : i32 to index
      %parallel_loop3A_208 = arith.index_cast %parallel_loop3A_183 : i32 to index
      %parallel_loop3A_209 = tpu.vector_load %arg13[%parallel_loop3A_207, %parallel_loop3A_208] {strides = array<i32>} : memref<3x3200xf32, #tpu.memory_space<vmem>>, vector<16xf32>,
      %parallel_loop3A_210 = arith.subf %parallel_loop3A_205, %parallel_loop3A_209 : vector<16xf32>
      %parallel_loop3A_211 = arith.mulf %parallel_loop3A_192, %parallel_loop3A_192 : vector<16xf32>
      %parallel_loop3A_212 = arith.mulf %parallel_loop3A_201, %parallel_loop3A_201 : vector<16xf32>
      %parallel_loop3A_213 = arith.addf %parallel_loop3A_211, %parallel_loop3A_212 : vector<16xf32>
      %parallel_loop3A_214 = arith.mulf %parallel_loop3A_210, %parallel_loop3A_210 : vector<16xf32>
      %parallel_loop3A_215 = arith.addf %parallel_loop3A_213, %parallel_loop3A_214 : vector<16xf32>
      %parallel_loop3A_216 = arith.index_cast %parallel_loop3A_183 : i32 to index
      %parallel_loop3A_217 = tpu.vector_load %arg14[%parallel_loop3A_216] {strides = array<i32>} : memref<3200xi32, #tpu.memory_space<vmem>>, vector<16xi32>,
      %parallel_loop3A_218 = arith.constant 16 : i32
      %parallel_loop3A_219 = vector.broadcast %parallel_loop3A_218 : i32 to vector<16xi32>
      %parallel_loop3A_220 = arith.muli %parallel_loop3A_217, %parallel_loop3A_219 : vector<16xi32>
      %parallel_loop3A_221 = arith.addi %parallel_loop3A_220, %iota3A : vector<16xi32>
      tpu.vector_store_idx %arg16[%parallel_loop3A_221], %parallel_loop3A_215 {add = true} : memref<4224xf32, #tpu.memory_space<vmem>>[vector<16xi32>], vector<16xf32>,
      tpu.vector_store_idx %arg17[%parallel_loop3A_221], %broadcast_in_dim3A_1 {add = true} : memref<4224xf32, #tpu.memory_space<vmem>>[vector<16xi32>], vector<16xf32>,
      %parallel_loop3A_222 = arith.constant 4 : i32
      %parallel_loop3A_223 = arith.muli %parallel_loop3A_89, %parallel_loop3A_222 : i32
      %parallel_loop3A_224 = arith.constant 3 : i32
      %parallel_loop3A_225 = arith.addi %parallel_loop3A_223, %parallel_loop3A_224 : i32
      %parallel_loop3A_226 = arith.constant 16 : i32
      %parallel_loop3A_227 = arith.muli %parallel_loop3A_225, %parallel_loop3A_226 : i32
      %parallel_loop3A_228 = arith.constant 0 : i32
      %parallel_loop3A_229 = arith.index_cast %parallel_loop3A_228 : i32 to index
      %parallel_loop3A_230 = arith.index_cast %parallel_loop3A_227 : i32 to index
      %parallel_loop3A_231 = tpu.vector_load %arg12[%parallel_loop3A_229, %parallel_loop3A_230] {strides = array<i32>} : memref<3x3200xf32, #tpu.memory_space<vmem>>, vector<16xf32>,
      %parallel_loop3A_232 = arith.constant 0 : i32
      %parallel_loop3A_233 = arith.index_cast %parallel_loop3A_232 : i32 to index
      %parallel_loop3A_234 = arith.index_cast %parallel_loop3A_227 : i32 to index
      %parallel_loop3A_235 = tpu.vector_load %arg13[%parallel_loop3A_233, %parallel_loop3A_234] {strides = array<i32>} : memref<3x3200xf32, #tpu.memory_space<vmem>>, vector<16xf32>,
      %parallel_loop3A_236 = arith.subf %parallel_loop3A_231, %parallel_loop3A_235 : vector<16xf32>
      %parallel_loop3A_237 = arith.constant 1 : i32
      %parallel_loop3A_238 = arith.index_cast %parallel_loop3A_237 : i32 to index
      %parallel_loop3A_239 = arith.index_cast %parallel_loop3A_227 : i32 to index
      %parallel_loop3A_240 = tpu.vector_load %arg12[%parallel_loop3A_238, %parallel_loop3A_239] {strides = array<i32>} : memref<3x3200xf32, #tpu.memory_space<vmem>>, vector<16xf32>,
      %parallel_loop3A_241 = arith.constant 1 : i32
      %parallel_loop3A_242 = arith.index_cast %parallel_loop3A_241 : i32 to index
      %parallel_loop3A_243 = arith.index_cast %parallel_loop3A_227 : i32 to index
      %parallel_loop3A_244 = tpu.vector_load %arg13[%parallel_loop3A_242, %parallel_loop3A_243] {strides = array<i32>} : memref<3x3200xf32, #tpu.memory_space<vmem>>, vector<16xf32>,
      %parallel_loop3A_245 = arith.subf %parallel_loop3A_240, %parallel_loop3A_244 : vector<16xf32>
      %parallel_loop3A_246 = arith.constant 2 : i32
      %parallel_loop3A_247 = arith.index_cast %parallel_loop3A_246 : i32 to index
      %parallel_loop3A_248 = arith.index_cast %parallel_loop3A_227 : i32 to index
      %parallel_loop3A_249 = tpu.vector_load %arg12[%parallel_loop3A_247, %parallel_loop3A_248] {strides = array<i32>} : memref<3x3200xf32, #tpu.memory_space<vmem>>, vector<16xf32>,
      %parallel_loop3A_250 = arith.constant 2 : i32
      %parallel_loop3A_251 = arith.index_cast %parallel_loop3A_250 : i32 to index
      %parallel_loop3A_252 = arith.index_cast %parallel_loop3A_227 : i32 to index
      %parallel_loop3A_253 = tpu.vector_load %arg13[%parallel_loop3A_251, %parallel_loop3A_252] {strides = array<i32>} : memref<3x3200xf32, #tpu.memory_space<vmem>>, vector<16xf32>,
      %parallel_loop3A_254 = arith.subf %parallel_loop3A_249, %parallel_loop3A_253 : vector<16xf32>
      %parallel_loop3A_255 = arith.mulf %parallel_loop3A_236, %parallel_loop3A_236 : vector<16xf32>
      %parallel_loop3A_256 = arith.mulf %parallel_loop3A_245, %parallel_loop3A_245 : vector<16xf32>
      %parallel_loop3A_257 = arith.addf %parallel_loop3A_255, %parallel_loop3A_256 : vector<16xf32>
      %parallel_loop3A_258 = arith.mulf %parallel_loop3A_254, %parallel_loop3A_254 : vector<16xf32>
      %parallel_loop3A_259 = arith.addf %parallel_loop3A_257, %parallel_loop3A_258 : vector<16xf32>
      %parallel_loop3A_260 = arith.index_cast %parallel_loop3A_227 : i32 to index
      %parallel_loop3A_261 = tpu.vector_load %arg14[%parallel_loop3A_260] {strides = array<i32>} : memref<3200xi32, #tpu.memory_space<vmem>>, vector<16xi32>,
      %parallel_loop3A_262 = arith.constant 16 : i32
      %parallel_loop3A_263 = vector.broadcast %parallel_loop3A_262 : i32 to vector<16xi32>
      %parallel_loop3A_264 = arith.muli %parallel_loop3A_261, %parallel_loop3A_263 : vector<16xi32>
      %parallel_loop3A_265 = arith.addi %parallel_loop3A_264, %iota3A : vector<16xi32>
      tpu.vector_store_idx %arg16[%parallel_loop3A_265], %parallel_loop3A_259 {add = true} : memref<4224xf32, #tpu.memory_space<vmem>>[vector<16xi32>], vector<16xf32>,
      tpu.vector_store_idx %arg17[%parallel_loop3A_265], %broadcast_in_dim3A_1 {add = true} : memref<4224xf32, #tpu.memory_space<vmem>>[vector<16xi32>], vector<16xf32>,
    } {sc.loop_unroll_factor = 1 : i64, sc.parallel_access}
    %scan3A = arith.constant 0 : i32
    %scan3A_72 = arith.constant 0 : i32
    %scan3A_73 = arith.constant 10 : i32
    %scan3A_74 = arith.addi %scan3A_72, %scan3A_73 : i32
    %scan3A_75 = arith.constant 1 : i32
    scf.for %scan3A_89 = %scan3A_72 to %scan3A_74 step %scan3A_75  : i32 {
      %mul3A_90 = arith.constant 2 : i32
      %mul3A_91 = arith.muli %scan3A_89, %mul3A_90 : i32
      %mul3A_92 = arith.constant 10000 : i32
      %mul3A_93 = arith.muli %mul3A_91, %mul3A_92 : i32
      %add3A_94 = arith.addi %mul3A_3, %mul3A_93 : i32
      %dma_wait3A_95 = arith.constant 0 : i32
      %dma_wait3A_96 = tpu.memref_slice %arg9[%dma_wait3A_95] : memref<20000xf32, #tpu.memory_space<vmem>> -> memref<10000xf32, #tpu.memory_space<vmem>>
      %dma_wait3A_97 = tpu.memref_slice %arg2[%add3A_94] : memref<6400000xf32, #tpu.memory_space<hbm>> -> memref<10000xf32, #tpu.memory_space<hbm>>
      %dma_wait3A_98 = arith.constant 0 : i32
      %dma_wait3A_99 = tpu.memref_slice %arg9[%dma_wait3A_98] : memref<20000xf32, #tpu.memory_space<vmem>> -> memref<10000xf32, #tpu.memory_space<vmem>>
      %dma_wait3A_100 = tpu.memref_slice %arg2[%add3A_94] : memref<6400000xf32, #tpu.memory_space<hbm>> -> memref<10000xf32, #tpu.memory_space<hbm>>
      tpu.wait_dma2 semaphore(%arg19 : memref<!tpu.dma_semaphore, #tpu.memory_space<semaphore_mem>>) src(%dma_wait3A_100 : memref<10000xf32, #tpu.memory_space<hbm>>) dst(%dma_wait3A_99 : memref<10000xf32, #tpu.memory_space<vmem>>)
      %dma_wait3A_101 = arith.constant 0 : i32
      %dma_wait3A_102 = tpu.memref_slice %arg10[%dma_wait3A_101] : memref<20000xf32, #tpu.memory_space<vmem>> -> memref<10000xf32, #tpu.memory_space<vmem>>
      %dma_wait3A_103 = tpu.memref_slice %arg3[%add3A_94] : memref<6400000xf32, #tpu.memory_space<hbm>> -> memref<10000xf32, #tpu.memory_space<hbm>>
      %dma_wait3A_104 = arith.constant 0 : i32
      %dma_wait3A_105 = tpu.memref_slice %arg10[%dma_wait3A_104] : memref<20000xf32, #tpu.memory_space<vmem>> -> memref<10000xf32, #tpu.memory_space<vmem>>
      %dma_wait3A_106 = tpu.memref_slice %arg3[%add3A_94] : memref<6400000xf32, #tpu.memory_space<hbm>> -> memref<10000xf32, #tpu.memory_space<hbm>>
      tpu.wait_dma2 semaphore(%arg19 : memref<!tpu.dma_semaphore, #tpu.memory_space<semaphore_mem>>) src(%dma_wait3A_106 : memref<10000xf32, #tpu.memory_space<hbm>>) dst(%dma_wait3A_105 : memref<10000xf32, #tpu.memory_space<vmem>>)
      %dma_wait3A_107 = arith.constant 0 : i32
      %dma_wait3A_108 = tpu.memref_slice %arg11[%dma_wait3A_107] : memref<20000xi32, #tpu.memory_space<vmem>> -> memref<10000xi32, #tpu.memory_space<vmem>>
      %dma_wait3A_109 = tpu.memref_slice %arg4[%add3A_94] : memref<6400000xi32, #tpu.memory_space<hbm>> -> memref<10000xi32, #tpu.memory_space<hbm>>
      %dma_wait3A_110 = arith.constant 0 : i32
      %dma_wait3A_111 = tpu.memref_slice %arg11[%dma_wait3A_110] : memref<20000xi32, #tpu.memory_space<vmem>> -> memref<10000xi32, #tpu.memory_space<vmem>>
      %dma_wait3A_112 = tpu.memref_slice %arg4[%add3A_94] : memref<6400000xi32, #tpu.memory_space<hbm>> -> memref<10000xi32, #tpu.memory_space<hbm>>
      tpu.wait_dma2 semaphore(%arg19 : memref<!tpu.dma_semaphore, #tpu.memory_space<semaphore_mem>>) src(%dma_wait3A_112 : memref<10000xi32, #tpu.memory_space<hbm>>) dst(%dma_wait3A_111 : memref<10000xi32, #tpu.memory_space<vmem>>)
      %parallel_loop3A_113 = arith.constant 0 : i32
      %parallel_loop3A_114 = arith.constant 125 : i32
      %parallel_loop3A_115 = arith.constant 1 : i32
      scf.for %parallel_loop3A_149 = %parallel_loop3A_113 to %parallel_loop3A_114 step %parallel_loop3A_115  : i32 {
        %parallel_loop3A_150 = arith.constant 5 : i32
        %parallel_loop3A_151 = arith.muli %parallel_loop3A_149, %parallel_loop3A_150 : i32
        %parallel_loop3A_152 = arith.constant 0 : i32
        %parallel_loop3A_153 = arith.addi %parallel_loop3A_151, %parallel_loop3A_152 : i32
        %parallel_loop3A_154 = arith.constant 16 : i32
        %parallel_loop3A_155 = arith.muli %parallel_loop3A_153, %parallel_loop3A_154 : i32
        %parallel_loop3A_156 = arith.constant 0 : i32
        %parallel_loop3A_157 = arith.addi %parallel_loop3A_156, %parallel_loop3A_155 : i32
        %parallel_loop3A_158 = arith.index_cast %parallel_loop3A_157 : i32 to index
        %parallel_loop3A_159 = tpu.vector_load %arg9[%parallel_loop3A_158] {strides = array<i32>} : memref<20000xf32, #tpu.memory_space<vmem>>, vector<16xf32>,
        %parallel_loop3A_160 = arith.index_cast %parallel_loop3A_157 : i32 to index
        %parallel_loop3A_161 = tpu.vector_load %arg10[%parallel_loop3A_160] {strides = array<i32>} : memref<20000xf32, #tpu.memory_space<vmem>>, vector<16xf32>,
        %parallel_loop3A_162 = arith.subf %parallel_loop3A_159, %parallel_loop3A_161 : vector<16xf32>
        %parallel_loop3A_163 = arith.index_cast %parallel_loop3A_157 : i32 to index
        %parallel_loop3A_164 = tpu.vector_load %arg11[%parallel_loop3A_163] {strides = array<i32>} : memref<20000xi32, #tpu.memory_space<vmem>>, vector<16xi32>,
        %parallel_loop3A_165 = arith.constant 16 : i32
        %parallel_loop3A_166 = vector.broadcast %parallel_loop3A_165 : i32 to vector<16xi32>
        %parallel_loop3A_167 = arith.muli %parallel_loop3A_164, %parallel_loop3A_166 : vector<16xi32>
        %parallel_loop3A_168 = arith.addi %parallel_loop3A_167, %iota3A : vector<16xi32>
        %parallel_loop3A_169 = arith.mulf %parallel_loop3A_162, %parallel_loop3A_162 : vector<16xf32>
        tpu.vector_store_idx %arg15[%parallel_loop3A_168], %parallel_loop3A_169 {add = true} : memref<4224xf32, #tpu.memory_space<vmem>>[vector<16xi32>], vector<16xf32>,
        %parallel_loop3A_170 = arith.constant 5 : i32
        %parallel_loop3A_171 = arith.muli %parallel_loop3A_149, %parallel_loop3A_170 : i32
        %parallel_loop3A_172 = arith.constant 1 : i32
        %parallel_loop3A_173 = arith.addi %parallel_loop3A_171, %parallel_loop3A_172 : i32
        %parallel_loop3A_174 = arith.constant 16 : i32
        %parallel_loop3A_175 = arith.muli %parallel_loop3A_173, %parallel_loop3A_174 : i32
        %parallel_loop3A_176 = arith.constant 0 : i32
        %parallel_loop3A_177 = arith.addi %parallel_loop3A_176, %parallel_loop3A_175 : i32
        %parallel_loop3A_178 = arith.index_cast %parallel_loop3A_177 : i32 to index
        %parallel_loop3A_179 = tpu.vector_load %arg9[%parallel_loop3A_178] {strides = array<i32>} : memref<20000xf32, #tpu.memory_space<vmem>>, vector<16xf32>,
        %parallel_loop3A_180 = arith.index_cast %parallel_loop3A_177 : i32 to index
        %parallel_loop3A_181 = tpu.vector_load %arg10[%parallel_loop3A_180] {strides = array<i32>} : memref<20000xf32, #tpu.memory_space<vmem>>, vector<16xf32>,
        %parallel_loop3A_182 = arith.subf %parallel_loop3A_179, %parallel_loop3A_181 : vector<16xf32>
        %parallel_loop3A_183 = arith.index_cast %parallel_loop3A_177 : i32 to index
        %parallel_loop3A_184 = tpu.vector_load %arg11[%parallel_loop3A_183] {strides = array<i32>} : memref<20000xi32, #tpu.memory_space<vmem>>, vector<16xi32>,
        %parallel_loop3A_185 = arith.constant 16 : i32
        %parallel_loop3A_186 = vector.broadcast %parallel_loop3A_185 : i32 to vector<16xi32>
        %parallel_loop3A_187 = arith.muli %parallel_loop3A_184, %parallel_loop3A_186 : vector<16xi32>
        %parallel_loop3A_188 = arith.addi %parallel_loop3A_187, %iota3A : vector<16xi32>
        %parallel_loop3A_189 = arith.mulf %parallel_loop3A_182, %parallel_loop3A_182 : vector<16xf32>
        tpu.vector_store_idx %arg15[%parallel_loop3A_188], %parallel_loop3A_189 {add = true} : memref<4224xf32, #tpu.memory_space<vmem>>[vector<16xi32>], vector<16xf32>,
        %parallel_loop3A_190 = arith.constant 5 : i32
        %parallel_loop3A_191 = arith.muli %parallel_loop3A_149, %parallel_loop3A_190 : i32
        %parallel_loop3A_192 = arith.constant 2 : i32
        %parallel_loop3A_193 = arith.addi %parallel_loop3A_191, %parallel_loop3A_192 : i32
        %parallel_loop3A_194 = arith.constant 16 : i32
        %parallel_loop3A_195 = arith.muli %parallel_loop3A_193, %parallel_loop3A_194 : i32
        %parallel_loop3A_196 = arith.constant 0 : i32
        %parallel_loop3A_197 = arith.addi %parallel_loop3A_196, %parallel_loop3A_195 : i32
        %parallel_loop3A_198 = arith.index_cast %parallel_loop3A_197 : i32 to index
        %parallel_loop3A_199 = tpu.vector_load %arg9[%parallel_loop3A_198] {strides = array<i32>} : memref<20000xf32, #tpu.memory_space<vmem>>, vector<16xf32>,
        %parallel_loop3A_200 = arith.index_cast %parallel_loop3A_197 : i32 to index
        %parallel_loop3A_201 = tpu.vector_load %arg10[%parallel_loop3A_200] {strides = array<i32>} : memref<20000xf32, #tpu.memory_space<vmem>>, vector<16xf32>,
        %parallel_loop3A_202 = arith.subf %parallel_loop3A_199, %parallel_loop3A_201 : vector<16xf32>
        %parallel_loop3A_203 = arith.index_cast %parallel_loop3A_197 : i32 to index
        %parallel_loop3A_204 = tpu.vector_load %arg11[%parallel_loop3A_203] {strides = array<i32>} : memref<20000xi32, #tpu.memory_space<vmem>>, vector<16xi32>,
        %parallel_loop3A_205 = arith.constant 16 : i32
        %parallel_loop3A_206 = vector.broadcast %parallel_loop3A_205 : i32 to vector<16xi32>
        %parallel_loop3A_207 = arith.muli %parallel_loop3A_204, %parallel_loop3A_206 : vector<16xi32>
        %parallel_loop3A_208 = arith.addi %parallel_loop3A_207, %iota3A : vector<16xi32>
        %parallel_loop3A_209 = arith.mulf %parallel_loop3A_202, %parallel_loop3A_202 : vector<16xf32>
        tpu.vector_store_idx %arg15[%parallel_loop3A_208], %parallel_loop3A_209 {add = true} : memref<4224xf32, #tpu.memory_space<vmem>>[vector<16xi32>], vector<16xf32>,
        %parallel_loop3A_210 = arith.constant 5 : i32
        %parallel_loop3A_211 = arith.muli %parallel_loop3A_149, %parallel_loop3A_210 : i32
        %parallel_loop3A_212 = arith.constant 3 : i32
        %parallel_loop3A_213 = arith.addi %parallel_loop3A_211, %parallel_loop3A_212 : i32
        %parallel_loop3A_214 = arith.constant 16 : i32
        %parallel_loop3A_215 = arith.muli %parallel_loop3A_213, %parallel_loop3A_214 : i32
        %parallel_loop3A_216 = arith.constant 0 : i32
        %parallel_loop3A_217 = arith.addi %parallel_loop3A_216, %parallel_loop3A_215 : i32
        %parallel_loop3A_218 = arith.index_cast %parallel_loop3A_217 : i32 to index
        %parallel_loop3A_219 = tpu.vector_load %arg9[%parallel_loop3A_218] {strides = array<i32>} : memref<20000xf32, #tpu.memory_space<vmem>>, vector<16xf32>,
        %parallel_loop3A_220 = arith.index_cast %parallel_loop3A_217 : i32 to index
        %parallel_loop3A_221 = tpu.vector_load %arg10[%parallel_loop3A_220] {strides = array<i32>} : memref<20000xf32, #tpu.memory_space<vmem>>, vector<16xf32>,
        %parallel_loop3A_222 = arith.subf %parallel_loop3A_219, %parallel_loop3A_221 : vector<16xf32>
        %parallel_loop3A_223 = arith.index_cast %parallel_loop3A_217 : i32 to index
        %parallel_loop3A_224 = tpu.vector_load %arg11[%parallel_loop3A_223] {strides = array<i32>} : memref<20000xi32, #tpu.memory_space<vmem>>, vector<16xi32>,
        %parallel_loop3A_225 = arith.constant 16 : i32
        %parallel_loop3A_226 = vector.broadcast %parallel_loop3A_225 : i32 to vector<16xi32>
        %parallel_loop3A_227 = arith.muli %parallel_loop3A_224, %parallel_loop3A_226 : vector<16xi32>
        %parallel_loop3A_228 = arith.addi %parallel_loop3A_227, %iota3A : vector<16xi32>
        %parallel_loop3A_229 = arith.mulf %parallel_loop3A_222, %parallel_loop3A_222 : vector<16xf32>
        tpu.vector_store_idx %arg15[%parallel_loop3A_228], %parallel_loop3A_229 {add = true} : memref<4224xf32, #tpu.memory_space<vmem>>[vector<16xi32>], vector<16xf32>,
        %parallel_loop3A_230 = arith.constant 5 : i32
        %parallel_loop3A_231 = arith.muli %parallel_loop3A_149, %parallel_loop3A_230 : i32
        %parallel_loop3A_232 = arith.constant 4 : i32
        %parallel_loop3A_233 = arith.addi %parallel_loop3A_231, %parallel_loop3A_232 : i32
        %parallel_loop3A_234 = arith.constant 16 : i32
        %parallel_loop3A_235 = arith.muli %parallel_loop3A_233, %parallel_loop3A_234 : i32
        %parallel_loop3A_236 = arith.constant 0 : i32
        %parallel_loop3A_237 = arith.addi %parallel_loop3A_236, %parallel_loop3A_235 : i32
        %parallel_loop3A_238 = arith.index_cast %parallel_loop3A_237 : i32 to index
        %parallel_loop3A_239 = tpu.vector_load %arg9[%parallel_loop3A_238] {strides = array<i32>} : memref<20000xf32, #tpu.memory_space<vmem>>, vector<16xf32>,
        %parallel_loop3A_240 = arith.index_cast %parallel_loop3A_237 : i32 to index
        %parallel_loop3A_241 = tpu.vector_load %arg10[%parallel_loop3A_240] {strides = array<i32>} : memref<20000xf32, #tpu.memory_space<vmem>>, vector<16xf32>,
        %parallel_loop3A_242 = arith.subf %parallel_loop3A_239, %parallel_loop3A_241 : vector<16xf32>
        %parallel_loop3A_243 = arith.index_cast %parallel_loop3A_237 : i32 to index
        %parallel_loop3A_244 = tpu.vector_load %arg11[%parallel_loop3A_243] {strides = array<i32>} : memref<20000xi32, #tpu.memory_space<vmem>>, vector<16xi32>,
        %parallel_loop3A_245 = arith.constant 16 : i32
        %parallel_loop3A_246 = vector.broadcast %parallel_loop3A_245 : i32 to vector<16xi32>
        %parallel_loop3A_247 = arith.muli %parallel_loop3A_244, %parallel_loop3A_246 : vector<16xi32>
        %parallel_loop3A_248 = arith.addi %parallel_loop3A_247, %iota3A : vector<16xi32>
        %parallel_loop3A_249 = arith.mulf %parallel_loop3A_242, %parallel_loop3A_242 : vector<16xf32>
        tpu.vector_store_idx %arg15[%parallel_loop3A_248], %parallel_loop3A_249 {add = true} : memref<4224xf32, #tpu.memory_space<vmem>>[vector<16xi32>], vector<16xf32>,
      } {sc.loop_unroll_factor = 1 : i64, sc.parallel_access}
      %lt3A = arith.constant 9 : i32
      %lt3A_116 = arith.cmpi slt, %scan3A_89, %lt3A : i32
      %convert_element_type3A = arith.extui %lt3A_116 : i1 to i32
      %cond3A = arith.constant 0 : i32
      %cond3A_117 = arith.cmpi ne, %convert_element_type3A, %cond3A : i32
      scf.if %cond3A_117 {
        %add3A_149 = arith.constant 2 : i32
        %add3A_150 = arith.addi %mul3A_91, %add3A_149 : i32
        %mul3A_151 = arith.constant 10000 : i32
        %mul3A_152 = arith.muli %add3A_150, %mul3A_151 : i32
        %add3A_153 = arith.addi %mul3A_3, %mul3A_152 : i32
        %dma_start3A_154 = arith.constant 0 : i32
        %dma_start3A_155 = tpu.memref_slice %arg9[%dma_start3A_154] : memref<20000xf32, #tpu.memory_space<vmem>> -> memref<10000xf32, #tpu.memory_space<vmem>>
        %dma_start3A_156 = tpu.memref_slice %arg2[%add3A_153] : memref<6400000xf32, #tpu.memory_space<hbm>> -> memref<10000xf32, #tpu.memory_space<hbm>>
        %dma_start3A_157 = arith.constant 0 : i32
        %dma_start3A_158 = tpu.memref_slice %arg9[%dma_start3A_157] : memref<20000xf32, #tpu.memory_space<vmem>> -> memref<10000xf32, #tpu.memory_space<vmem>>
        %dma_start3A_159 = tpu.memref_slice %arg2[%add3A_153] : memref<6400000xf32, #tpu.memory_space<hbm>> -> memref<10000xf32, #tpu.memory_space<hbm>>
        tpu.enqueue_dma source(%dma_start3A_159 : memref<10000xf32, #tpu.memory_space<hbm>>) target(%dma_start3A_158 : memref<10000xf32, #tpu.memory_space<vmem>>) target_semaphore(%arg19 : memref<!tpu.dma_semaphore, #tpu.memory_space<semaphore_mem>>)
        %dma_start3A_160 = arith.constant 0 : i32
        %dma_start3A_161 = tpu.memref_slice %arg10[%dma_start3A_160] : memref<20000xf32, #tpu.memory_space<vmem>> -> memref<10000xf32, #tpu.memory_space<vmem>>
        %dma_start3A_162 = tpu.memref_slice %arg3[%add3A_153] : memref<6400000xf32, #tpu.memory_space<hbm>> -> memref<10000xf32, #tpu.memory_space<hbm>>
        %dma_start3A_163 = arith.constant 0 : i32
        %dma_start3A_164 = tpu.memref_slice %arg10[%dma_start3A_163] : memref<20000xf32, #tpu.memory_space<vmem>> -> memref<10000xf32, #tpu.memory_space<vmem>>
        %dma_start3A_165 = tpu.memref_slice %arg3[%add3A_153] : memref<6400000xf32, #tpu.memory_space<hbm>> -> memref<10000xf32, #tpu.memory_space<hbm>>
        tpu.enqueue_dma source(%dma_start3A_165 : memref<10000xf32, #tpu.memory_space<hbm>>) target(%dma_start3A_164 : memref<10000xf32, #tpu.memory_space<vmem>>) target_semaphore(%arg19 : memref<!tpu.dma_semaphore, #tpu.memory_space<semaphore_mem>>)
        %dma_start3A_166 = arith.constant 0 : i32
        %dma_start3A_167 = tpu.memref_slice %arg11[%dma_start3A_166] : memref<20000xi32, #tpu.memory_space<vmem>> -> memref<10000xi32, #tpu.memory_space<vmem>>
        %dma_start3A_168 = tpu.memref_slice %arg4[%add3A_153] : memref<6400000xi32, #tpu.memory_space<hbm>> -> memref<10000xi32, #tpu.memory_space<hbm>>
        %dma_start3A_169 = arith.constant 0 : i32
        %dma_start3A_170 = tpu.memref_slice %arg11[%dma_start3A_169] : memref<20000xi32, #tpu.memory_space<vmem>> -> memref<10000xi32, #tpu.memory_space<vmem>>
        %dma_start3A_171 = tpu.memref_slice %arg4[%add3A_153] : memref<6400000xi32, #tpu.memory_space<hbm>> -> memref<10000xi32, #tpu.memory_space<hbm>>
        tpu.enqueue_dma source(%dma_start3A_171 : memref<10000xi32, #tpu.memory_space<hbm>>) target(%dma_start3A_170 : memref<10000xi32, #tpu.memory_space<vmem>>) target_semaphore(%arg19 : memref<!tpu.dma_semaphore, #tpu.memory_space<semaphore_mem>>)
      } else {
      }
      %add3A_118 = arith.constant 1 : i32
      %add3A_119 = arith.addi %mul3A_91, %add3A_118 : i32
      %mul3A_120 = arith.constant 10000 : i32
      %mul3A_121 = arith.muli %add3A_119, %mul3A_120 : i32
      %add3A_122 = arith.addi %mul3A_3, %mul3A_121 : i32
      %dma_wait3A_123 = arith.constant 10000 : i32
      %dma_wait3A_124 = tpu.memref_slice %arg9[%dma_wait3A_123] : memref<20000xf32, #tpu.memory_space<vmem>> -> memref<10000xf32, #tpu.memory_space<vmem>>
      %dma_wait3A_125 = tpu.memref_slice %arg2[%add3A_122] : memref<6400000xf32, #tpu.memory_space<hbm>> -> memref<10000xf32, #tpu.memory_space<hbm>>
      %dma_wait3A_126 = arith.constant 10000 : i32
      %dma_wait3A_127 = tpu.memref_slice %arg9[%dma_wait3A_126] : memref<20000xf32, #tpu.memory_space<vmem>> -> memref<10000xf32, #tpu.memory_space<vmem>>
      %dma_wait3A_128 = tpu.memref_slice %arg2[%add3A_122] : memref<6400000xf32, #tpu.memory_space<hbm>> -> memref<10000xf32, #tpu.memory_space<hbm>>
      tpu.wait_dma2 semaphore(%arg20 : memref<!tpu.dma_semaphore, #tpu.memory_space<semaphore_mem>>) src(%dma_wait3A_128 : memref<10000xf32, #tpu.memory_space<hbm>>) dst(%dma_wait3A_127 : memref<10000xf32, #tpu.memory_space<vmem>>)
      %dma_wait3A_129 = arith.constant 10000 : i32
      %dma_wait3A_130 = tpu.memref_slice %arg10[%dma_wait3A_129] : memref<20000xf32, #tpu.memory_space<vmem>> -> memref<10000xf32, #tpu.memory_space<vmem>>
      %dma_wait3A_131 = tpu.memref_slice %arg3[%add3A_122] : memref<6400000xf32, #tpu.memory_space<hbm>> -> memref<10000xf32, #tpu.memory_space<hbm>>
      %dma_wait3A_132 = arith.constant 10000 : i32
      %dma_wait3A_133 = tpu.memref_slice %arg10[%dma_wait3A_132] : memref<20000xf32, #tpu.memory_space<vmem>> -> memref<10000xf32, #tpu.memory_space<vmem>>
      %dma_wait3A_134 = tpu.memref_slice %arg3[%add3A_122] : memref<6400000xf32, #tpu.memory_space<hbm>> -> memref<10000xf32, #tpu.memory_space<hbm>>
      tpu.wait_dma2 semaphore(%arg20 : memref<!tpu.dma_semaphore, #tpu.memory_space<semaphore_mem>>) src(%dma_wait3A_134 : memref<10000xf32, #tpu.memory_space<hbm>>) dst(%dma_wait3A_133 : memref<10000xf32, #tpu.memory_space<vmem>>)
      %dma_wait3A_135 = arith.constant 10000 : i32
      %dma_wait3A_136 = tpu.memref_slice %arg11[%dma_wait3A_135] : memref<20000xi32, #tpu.memory_space<vmem>> -> memref<10000xi32, #tpu.memory_space<vmem>>
      %dma_wait3A_137 = tpu.memref_slice %arg4[%add3A_122] : memref<6400000xi32, #tpu.memory_space<hbm>> -> memref<10000xi32, #tpu.memory_space<hbm>>
      %dma_wait3A_138 = arith.constant 10000 : i32
      %dma_wait3A_139 = tpu.memref_slice %arg11[%dma_wait3A_138] : memref<20000xi32, #tpu.memory_space<vmem>> -> memref<10000xi32, #tpu.memory_space<vmem>>
      %dma_wait3A_140 = tpu.memref_slice %arg4[%add3A_122] : memref<6400000xi32, #tpu.memory_space<hbm>> -> memref<10000xi32, #tpu.memory_space<hbm>>
      tpu.wait_dma2 semaphore(%arg20 : memref<!tpu.dma_semaphore, #tpu.memory_space<semaphore_mem>>) src(%dma_wait3A_140 : memref<10000xi32, #tpu.memory_space<hbm>>) dst(%dma_wait3A_139 : memref<10000xi32, #tpu.memory_space<vmem>>)
      %parallel_loop3A_141 = arith.constant 0 : i32
      %parallel_loop3A_142 = arith.constant 125 : i32
      %parallel_loop3A_143 = arith.constant 1 : i32
      scf.for %parallel_loop3A_149 = %parallel_loop3A_141 to %parallel_loop3A_142 step %parallel_loop3A_143  : i32 {
        %parallel_loop3A_150 = arith.constant 5 : i32
        %parallel_loop3A_151 = arith.muli %parallel_loop3A_149, %parallel_loop3A_150 : i32
        %parallel_loop3A_152 = arith.constant 0 : i32
        %parallel_loop3A_153 = arith.addi %parallel_loop3A_151, %parallel_loop3A_152 : i32
        %parallel_loop3A_154 = arith.constant 16 : i32
        %parallel_loop3A_155 = arith.muli %parallel_loop3A_153, %parallel_loop3A_154 : i32
        %parallel_loop3A_156 = arith.constant 10000 : i32
        %parallel_loop3A_157 = arith.addi %parallel_loop3A_156, %parallel_loop3A_155 : i32
        %parallel_loop3A_158 = arith.index_cast %parallel_loop3A_157 : i32 to index
        %parallel_loop3A_159 = tpu.vector_load %arg9[%parallel_loop3A_158] {strides = array<i32>} : memref<20000xf32, #tpu.memory_space<vmem>>, vector<16xf32>,
        %parallel_loop3A_160 = arith.index_cast %parallel_loop3A_157 : i32 to index
        %parallel_loop3A_161 = tpu.vector_load %arg10[%parallel_loop3A_160] {strides = array<i32>} : memref<20000xf32, #tpu.memory_space<vmem>>, vector<16xf32>,
        %parallel_loop3A_162 = arith.subf %parallel_loop3A_159, %parallel_loop3A_161 : vector<16xf32>
        %parallel_loop3A_163 = arith.index_cast %parallel_loop3A_157 : i32 to index
        %parallel_loop3A_164 = tpu.vector_load %arg11[%parallel_loop3A_163] {strides = array<i32>} : memref<20000xi32, #tpu.memory_space<vmem>>, vector<16xi32>,
        %parallel_loop3A_165 = arith.constant 16 : i32
        %parallel_loop3A_166 = vector.broadcast %parallel_loop3A_165 : i32 to vector<16xi32>
        %parallel_loop3A_167 = arith.muli %parallel_loop3A_164, %parallel_loop3A_166 : vector<16xi32>
        %parallel_loop3A_168 = arith.addi %parallel_loop3A_167, %iota3A : vector<16xi32>
        %parallel_loop3A_169 = arith.mulf %parallel_loop3A_162, %parallel_loop3A_162 : vector<16xf32>
        tpu.vector_store_idx %arg15[%parallel_loop3A_168], %parallel_loop3A_169 {add = true} : memref<4224xf32, #tpu.memory_space<vmem>>[vector<16xi32>], vector<16xf32>,
        %parallel_loop3A_170 = arith.constant 5 : i32
        %parallel_loop3A_171 = arith.muli %parallel_loop3A_149, %parallel_loop3A_170 : i32
        %parallel_loop3A_172 = arith.constant 1 : i32
        %parallel_loop3A_173 = arith.addi %parallel_loop3A_171, %parallel_loop3A_172 : i32
        %parallel_loop3A_174 = arith.constant 16 : i32
        %parallel_loop3A_175 = arith.muli %parallel_loop3A_173, %parallel_loop3A_174 : i32
        %parallel_loop3A_176 = arith.constant 10000 : i32
        %parallel_loop3A_177 = arith.addi %parallel_loop3A_176, %parallel_loop3A_175 : i32
        %parallel_loop3A_178 = arith.index_cast %parallel_loop3A_177 : i32 to index
        %parallel_loop3A_179 = tpu.vector_load %arg9[%parallel_loop3A_178] {strides = array<i32>} : memref<20000xf32, #tpu.memory_space<vmem>>, vector<16xf32>,
        %parallel_loop3A_180 = arith.index_cast %parallel_loop3A_177 : i32 to index
        %parallel_loop3A_181 = tpu.vector_load %arg10[%parallel_loop3A_180] {strides = array<i32>} : memref<20000xf32, #tpu.memory_space<vmem>>, vector<16xf32>,
        %parallel_loop3A_182 = arith.subf %parallel_loop3A_179, %parallel_loop3A_181 : vector<16xf32>
        %parallel_loop3A_183 = arith.index_cast %parallel_loop3A_177 : i32 to index
        %parallel_loop3A_184 = tpu.vector_load %arg11[%parallel_loop3A_183] {strides = array<i32>} : memref<20000xi32, #tpu.memory_space<vmem>>, vector<16xi32>,
        %parallel_loop3A_185 = arith.constant 16 : i32
        %parallel_loop3A_186 = vector.broadcast %parallel_loop3A_185 : i32 to vector<16xi32>
        %parallel_loop3A_187 = arith.muli %parallel_loop3A_184, %parallel_loop3A_186 : vector<16xi32>
        %parallel_loop3A_188 = arith.addi %parallel_loop3A_187, %iota3A : vector<16xi32>
        %parallel_loop3A_189 = arith.mulf %parallel_loop3A_182, %parallel_loop3A_182 : vector<16xf32>
        tpu.vector_store_idx %arg15[%parallel_loop3A_188], %parallel_loop3A_189 {add = true} : memref<4224xf32, #tpu.memory_space<vmem>>[vector<16xi32>], vector<16xf32>,
        %parallel_loop3A_190 = arith.constant 5 : i32
        %parallel_loop3A_191 = arith.muli %parallel_loop3A_149, %parallel_loop3A_190 : i32
        %parallel_loop3A_192 = arith.constant 2 : i32
        %parallel_loop3A_193 = arith.addi %parallel_loop3A_191, %parallel_loop3A_192 : i32
        %parallel_loop3A_194 = arith.constant 16 : i32
        %parallel_loop3A_195 = arith.muli %parallel_loop3A_193, %parallel_loop3A_194 : i32
        %parallel_loop3A_196 = arith.constant 10000 : i32
        %parallel_loop3A_197 = arith.addi %parallel_loop3A_196, %parallel_loop3A_195 : i32
        %parallel_loop3A_198 = arith.index_cast %parallel_loop3A_197 : i32 to index
        %parallel_loop3A_199 = tpu.vector_load %arg9[%parallel_loop3A_198] {strides = array<i32>} : memref<20000xf32, #tpu.memory_space<vmem>>, vector<16xf32>,
        %parallel_loop3A_200 = arith.index_cast %parallel_loop3A_197 : i32 to index
        %parallel_loop3A_201 = tpu.vector_load %arg10[%parallel_loop3A_200] {strides = array<i32>} : memref<20000xf32, #tpu.memory_space<vmem>>, vector<16xf32>,
        %parallel_loop3A_202 = arith.subf %parallel_loop3A_199, %parallel_loop3A_201 : vector<16xf32>
        %parallel_loop3A_203 = arith.index_cast %parallel_loop3A_197 : i32 to index
        %parallel_loop3A_204 = tpu.vector_load %arg11[%parallel_loop3A_203] {strides = array<i32>} : memref<20000xi32, #tpu.memory_space<vmem>>, vector<16xi32>,
        %parallel_loop3A_205 = arith.constant 16 : i32
        %parallel_loop3A_206 = vector.broadcast %parallel_loop3A_205 : i32 to vector<16xi32>
        %parallel_loop3A_207 = arith.muli %parallel_loop3A_204, %parallel_loop3A_206 : vector<16xi32>
        %parallel_loop3A_208 = arith.addi %parallel_loop3A_207, %iota3A : vector<16xi32>
        %parallel_loop3A_209 = arith.mulf %parallel_loop3A_202, %parallel_loop3A_202 : vector<16xf32>
        tpu.vector_store_idx %arg15[%parallel_loop3A_208], %parallel_loop3A_209 {add = true} : memref<4224xf32, #tpu.memory_space<vmem>>[vector<16xi32>], vector<16xf32>,
        %parallel_loop3A_210 = arith.constant 5 : i32
        %parallel_loop3A_211 = arith.muli %parallel_loop3A_149, %parallel_loop3A_210 : i32
        %parallel_loop3A_212 = arith.constant 3 : i32
        %parallel_loop3A_213 = arith.addi %parallel_loop3A_211, %parallel_loop3A_212 : i32
        %parallel_loop3A_214 = arith.constant 16 : i32
        %parallel_loop3A_215 = arith.muli %parallel_loop3A_213, %parallel_loop3A_214 : i32
        %parallel_loop3A_216 = arith.constant 10000 : i32
        %parallel_loop3A_217 = arith.addi %parallel_loop3A_216, %parallel_loop3A_215 : i32
        %parallel_loop3A_218 = arith.index_cast %parallel_loop3A_217 : i32 to index
        %parallel_loop3A_219 = tpu.vector_load %arg9[%parallel_loop3A_218] {strides = array<i32>} : memref<20000xf32, #tpu.memory_space<vmem>>, vector<16xf32>,
        %parallel_loop3A_220 = arith.index_cast %parallel_loop3A_217 : i32 to index
        %parallel_loop3A_221 = tpu.vector_load %arg10[%parallel_loop3A_220] {strides = array<i32>} : memref<20000xf32, #tpu.memory_space<vmem>>, vector<16xf32>,
        %parallel_loop3A_222 = arith.subf %parallel_loop3A_219, %parallel_loop3A_221 : vector<16xf32>
        %parallel_loop3A_223 = arith.index_cast %parallel_loop3A_217 : i32 to index
        %parallel_loop3A_224 = tpu.vector_load %arg11[%parallel_loop3A_223] {strides = array<i32>} : memref<20000xi32, #tpu.memory_space<vmem>>, vector<16xi32>,
        %parallel_loop3A_225 = arith.constant 16 : i32
        %parallel_loop3A_226 = vector.broadcast %parallel_loop3A_225 : i32 to vector<16xi32>
        %parallel_loop3A_227 = arith.muli %parallel_loop3A_224, %parallel_loop3A_226 : vector<16xi32>
        %parallel_loop3A_228 = arith.addi %parallel_loop3A_227, %iota3A : vector<16xi32>
        %parallel_loop3A_229 = arith.mulf %parallel_loop3A_222, %parallel_loop3A_222 : vector<16xf32>
        tpu.vector_store_idx %arg15[%parallel_loop3A_228], %parallel_loop3A_229 {add = true} : memref<4224xf32, #tpu.memory_space<vmem>>[vector<16xi32>], vector<16xf32>,
        %parallel_loop3A_230 = arith.constant 5 : i32
        %parallel_loop3A_231 = arith.muli %parallel_loop3A_149, %parallel_loop3A_230 : i32
        %parallel_loop3A_232 = arith.constant 4 : i32
        %parallel_loop3A_233 = arith.addi %parallel_loop3A_231, %parallel_loop3A_232 : i32
        %parallel_loop3A_234 = arith.constant 16 : i32
        %parallel_loop3A_235 = arith.muli %parallel_loop3A_233, %parallel_loop3A_234 : i32
        %parallel_loop3A_236 = arith.constant 10000 : i32
        %parallel_loop3A_237 = arith.addi %parallel_loop3A_236, %parallel_loop3A_235 : i32
        %parallel_loop3A_238 = arith.index_cast %parallel_loop3A_237 : i32 to index
        %parallel_loop3A_239 = tpu.vector_load %arg9[%parallel_loop3A_238] {strides = array<i32>} : memref<20000xf32, #tpu.memory_space<vmem>>, vector<16xf32>,
        %parallel_loop3A_240 = arith.index_cast %parallel_loop3A_237 : i32 to index
        %parallel_loop3A_241 = tpu.vector_load %arg10[%parallel_loop3A_240] {strides = array<i32>} : memref<20000xf32, #tpu.memory_space<vmem>>, vector<16xf32>,
        %parallel_loop3A_242 = arith.subf %parallel_loop3A_239, %parallel_loop3A_241 : vector<16xf32>
        %parallel_loop3A_243 = arith.index_cast %parallel_loop3A_237 : i32 to index
        %parallel_loop3A_244 = tpu.vector_load %arg11[%parallel_loop3A_243] {strides = array<i32>} : memref<20000xi32, #tpu.memory_space<vmem>>, vector<16xi32>,
        %parallel_loop3A_245 = arith.constant 16 : i32
        %parallel_loop3A_246 = vector.broadcast %parallel_loop3A_245 : i32 to vector<16xi32>
        %parallel_loop3A_247 = arith.muli %parallel_loop3A_244, %parallel_loop3A_246 : vector<16xi32>
        %parallel_loop3A_248 = arith.addi %parallel_loop3A_247, %iota3A : vector<16xi32>
        %parallel_loop3A_249 = arith.mulf %parallel_loop3A_242, %parallel_loop3A_242 : vector<16xf32>
        tpu.vector_store_idx %arg15[%parallel_loop3A_248], %parallel_loop3A_249 {add = true} : memref<4224xf32, #tpu.memory_space<vmem>>[vector<16xi32>], vector<16xf32>,
      } {sc.loop_unroll_factor = 1 : i64, sc.parallel_access}
      %lt3A_144 = arith.constant 9 : i32
      %lt3A_145 = arith.cmpi slt, %scan3A_89, %lt3A_144 : i32
      %convert_element_type3A_146 = arith.extui %lt3A_145 : i1 to i32
      %cond3A_147 = arith.constant 0 : i32
      %cond3A_148 = arith.cmpi ne, %convert_element_type3A_146, %cond3A_147 : i32
      scf.if %cond3A_148 {
        %add3A_149 = arith.constant 3 : i32
        %add3A_150 = arith.addi %mul3A_91, %add3A_149 : i32
        %mul3A_151 = arith.constant 10000 : i32
        %mul3A_152 = arith.muli %add3A_150, %mul3A_151 : i32
        %add3A_153 = arith.addi %mul3A_3, %mul3A_152 : i32
        %dma_start3A_154 = arith.constant 10000 : i32
        %dma_start3A_155 = tpu.memref_slice %arg9[%dma_start3A_154] : memref<20000xf32, #tpu.memory_space<vmem>> -> memref<10000xf32, #tpu.memory_space<vmem>>
        %dma_start3A_156 = tpu.memref_slice %arg2[%add3A_153] : memref<6400000xf32, #tpu.memory_space<hbm>> -> memref<10000xf32, #tpu.memory_space<hbm>>
        %dma_start3A_157 = arith.constant 10000 : i32
        %dma_start3A_158 = tpu.memref_slice %arg9[%dma_start3A_157] : memref<20000xf32, #tpu.memory_space<vmem>> -> memref<10000xf32, #tpu.memory_space<vmem>>
        %dma_start3A_159 = tpu.memref_slice %arg2[%add3A_153] : memref<6400000xf32, #tpu.memory_space<hbm>> -> memref<10000xf32, #tpu.memory_space<hbm>>
        tpu.enqueue_dma source(%dma_start3A_159 : memref<10000xf32, #tpu.memory_space<hbm>>) target(%dma_start3A_158 : memref<10000xf32, #tpu.memory_space<vmem>>) target_semaphore(%arg20 : memref<!tpu.dma_semaphore, #tpu.memory_space<semaphore_mem>>)
        %dma_start3A_160 = arith.constant 10000 : i32
        %dma_start3A_161 = tpu.memref_slice %arg10[%dma_start3A_160] : memref<20000xf32, #tpu.memory_space<vmem>> -> memref<10000xf32, #tpu.memory_space<vmem>>
        %dma_start3A_162 = tpu.memref_slice %arg3[%add3A_153] : memref<6400000xf32, #tpu.memory_space<hbm>> -> memref<10000xf32, #tpu.memory_space<hbm>>
        %dma_start3A_163 = arith.constant 10000 : i32
        %dma_start3A_164 = tpu.memref_slice %arg10[%dma_start3A_163] : memref<20000xf32, #tpu.memory_space<vmem>> -> memref<10000xf32, #tpu.memory_space<vmem>>
        %dma_start3A_165 = tpu.memref_slice %arg3[%add3A_153] : memref<6400000xf32, #tpu.memory_space<hbm>> -> memref<10000xf32, #tpu.memory_space<hbm>>
        tpu.enqueue_dma source(%dma_start3A_165 : memref<10000xf32, #tpu.memory_space<hbm>>) target(%dma_start3A_164 : memref<10000xf32, #tpu.memory_space<vmem>>) target_semaphore(%arg20 : memref<!tpu.dma_semaphore, #tpu.memory_space<semaphore_mem>>)
        %dma_start3A_166 = arith.constant 10000 : i32
        %dma_start3A_167 = tpu.memref_slice %arg11[%dma_start3A_166] : memref<20000xi32, #tpu.memory_space<vmem>> -> memref<10000xi32, #tpu.memory_space<vmem>>
        %dma_start3A_168 = tpu.memref_slice %arg4[%add3A_153] : memref<6400000xi32, #tpu.memory_space<hbm>> -> memref<10000xi32, #tpu.memory_space<hbm>>
        %dma_start3A_169 = arith.constant 10000 : i32
        %dma_start3A_170 = tpu.memref_slice %arg11[%dma_start3A_169] : memref<20000xi32, #tpu.memory_space<vmem>> -> memref<10000xi32, #tpu.memory_space<vmem>>
        %dma_start3A_171 = tpu.memref_slice %arg4[%add3A_153] : memref<6400000xi32, #tpu.memory_space<hbm>> -> memref<10000xi32, #tpu.memory_space<hbm>>
        tpu.enqueue_dma source(%dma_start3A_171 : memref<10000xi32, #tpu.memory_space<hbm>>) target(%dma_start3A_170 : memref<10000xi32, #tpu.memory_space<vmem>>) target_semaphore(%arg20 : memref<!tpu.dma_semaphore, #tpu.memory_space<semaphore_mem>>)
      } else {
      }
    }
    %scan3A_76 = arith.constant 10 : i32
    %iota3A_77 = tpu.iota {dimensions = array<i32: 0>} : vector<16xi32>
    %parallel_loop3A_78 = arith.constant 0 : i32
    %parallel_loop3A_79 = arith.constant 16 : i32
    %parallel_loop3A_80 = arith.constant 1 : i32
    scf.for %parallel_loop3A_89 = %parallel_loop3A_78 to %parallel_loop3A_79 step %parallel_loop3A_80  : i32 {
      %parallel_loop3A_90 = arith.constant 0.000000e+00 : f32
      %parallel_loop3A_91 = vector.broadcast %parallel_loop3A_90 : f32 to vector<16xf32>
      %parallel_loop3A_92 = arith.constant 16 : i32
      %parallel_loop3A_93 = arith.muli %parallel_loop3A_89, %parallel_loop3A_92 : i32
      %parallel_loop3A_94 = arith.constant 0 : i32
      %parallel_loop3A_95 = arith.addi %parallel_loop3A_93, %parallel_loop3A_94 : i32
      %parallel_loop3A_96 = arith.constant 16 : i32
      %parallel_loop3A_97 = arith.muli %parallel_loop3A_95, %parallel_loop3A_96 : i32
      %parallel_loop3A_98 = arith.index_cast %parallel_loop3A_97 : i32 to index
      %parallel_loop3A_99 = tpu.vector_load %arg15[%parallel_loop3A_98] {strides = array<i32>} : memref<4224xf32, #tpu.memory_space<vmem>>, vector<16xf32>,
      %parallel_loop3A_100 = arith.constant 0 : i32
      %parallel_loop3A_101 = vector.broadcast %parallel_loop3A_100 : i32 to vector<16xi32>
      %parallel_loop3A_102 = arith.cmpi eq, %iota3A_77, %parallel_loop3A_101 : vector<16xi32>
      %parallel_loop3A_103 = arith.constant true
      %parallel_loop3A_104 = vector.broadcast %parallel_loop3A_103 : i1 to vector<16xi1>
      %parallel_loop3A_105 = tpu.scan <sum>, %parallel_loop3A_99 masked %parallel_loop3A_104 : vector<16xf32>, vector<16xi1> -> vector<16xf32>
      %parallel_loop3A_106 = vector.extract %parallel_loop3A_105[15] : f32 from vector<16xf32>
      %parallel_loop3A_107 = vector.broadcast %parallel_loop3A_106 : f32 to vector<16xf32>
      %parallel_loop3A_108 = arith.select %parallel_loop3A_102, %parallel_loop3A_107, %parallel_loop3A_91 : vector<16xi1>, vector<16xf32>
      %parallel_loop3A_109 = arith.constant 16 : i32
      %parallel_loop3A_110 = arith.muli %parallel_loop3A_89, %parallel_loop3A_109 : i32
      %parallel_loop3A_111 = arith.constant 1 : i32
      %parallel_loop3A_112 = arith.addi %parallel_loop3A_110, %parallel_loop3A_111 : i32
      %parallel_loop3A_113 = arith.constant 16 : i32
      %parallel_loop3A_114 = arith.muli %parallel_loop3A_112, %parallel_loop3A_113 : i32
      %parallel_loop3A_115 = arith.index_cast %parallel_loop3A_114 : i32 to index
      %parallel_loop3A_116 = tpu.vector_load %arg15[%parallel_loop3A_115] {strides = array<i32>} : memref<4224xf32, #tpu.memory_space<vmem>>, vector<16xf32>,
      %parallel_loop3A_117 = arith.constant 1 : i32
      %parallel_loop3A_118 = vector.broadcast %parallel_loop3A_117 : i32 to vector<16xi32>
      %parallel_loop3A_119 = arith.cmpi eq, %iota3A_77, %parallel_loop3A_118 : vector<16xi32>
      %parallel_loop3A_120 = arith.constant true
      %parallel_loop3A_121 = vector.broadcast %parallel_loop3A_120 : i1 to vector<16xi1>
      %parallel_loop3A_122 = tpu.scan <sum>, %parallel_loop3A_116 masked %parallel_loop3A_121 : vector<16xf32>, vector<16xi1> -> vector<16xf32>
      %parallel_loop3A_123 = vector.extract %parallel_loop3A_122[15] : f32 from vector<16xf32>
      %parallel_loop3A_124 = vector.broadcast %parallel_loop3A_123 : f32 to vector<16xf32>
      %parallel_loop3A_125 = arith.select %parallel_loop3A_119, %parallel_loop3A_124, %parallel_loop3A_108 : vector<16xi1>, vector<16xf32>
      %parallel_loop3A_126 = arith.constant 16 : i32
      %parallel_loop3A_127 = arith.muli %parallel_loop3A_89, %parallel_loop3A_126 : i32
      %parallel_loop3A_128 = arith.constant 2 : i32
      %parallel_loop3A_129 = arith.addi %parallel_loop3A_127, %parallel_loop3A_128 : i32
      %parallel_loop3A_130 = arith.constant 16 : i32
      %parallel_loop3A_131 = arith.muli %parallel_loop3A_129, %parallel_loop3A_130 : i32
      %parallel_loop3A_132 = arith.index_cast %parallel_loop3A_131 : i32 to index
      %parallel_loop3A_133 = tpu.vector_load %arg15[%parallel_loop3A_132] {strides = array<i32>} : memref<4224xf32, #tpu.memory_space<vmem>>, vector<16xf32>,
      %parallel_loop3A_134 = arith.constant 2 : i32
      %parallel_loop3A_135 = vector.broadcast %parallel_loop3A_134 : i32 to vector<16xi32>
      %parallel_loop3A_136 = arith.cmpi eq, %iota3A_77, %parallel_loop3A_135 : vector<16xi32>
      %parallel_loop3A_137 = arith.constant true
      %parallel_loop3A_138 = vector.broadcast %parallel_loop3A_137 : i1 to vector<16xi1>
      %parallel_loop3A_139 = tpu.scan <sum>, %parallel_loop3A_133 masked %parallel_loop3A_138 : vector<16xf32>, vector<16xi1> -> vector<16xf32>
      %parallel_loop3A_140 = vector.extract %parallel_loop3A_139[15] : f32 from vector<16xf32>
      %parallel_loop3A_141 = vector.broadcast %parallel_loop3A_140 : f32 to vector<16xf32>
      %parallel_loop3A_142 = arith.select %parallel_loop3A_136, %parallel_loop3A_141, %parallel_loop3A_125 : vector<16xi1>, vector<16xf32>
      %parallel_loop3A_143 = arith.constant 16 : i32
      %parallel_loop3A_144 = arith.muli %parallel_loop3A_89, %parallel_loop3A_143 : i32
      %parallel_loop3A_145 = arith.constant 3 : i32
      %parallel_loop3A_146 = arith.addi %parallel_loop3A_144, %parallel_loop3A_145 : i32
      %parallel_loop3A_147 = arith.constant 16 : i32
      %parallel_loop3A_148 = arith.muli %parallel_loop3A_146, %parallel_loop3A_147 : i32
      %parallel_loop3A_149 = arith.index_cast %parallel_loop3A_148 : i32 to index
      %parallel_loop3A_150 = tpu.vector_load %arg15[%parallel_loop3A_149] {strides = array<i32>} : memref<4224xf32, #tpu.memory_space<vmem>>, vector<16xf32>,
      %parallel_loop3A_151 = arith.constant 3 : i32
      %parallel_loop3A_152 = vector.broadcast %parallel_loop3A_151 : i32 to vector<16xi32>
      %parallel_loop3A_153 = arith.cmpi eq, %iota3A_77, %parallel_loop3A_152 : vector<16xi32>
      %parallel_loop3A_154 = arith.constant true
      %parallel_loop3A_155 = vector.broadcast %parallel_loop3A_154 : i1 to vector<16xi1>
      %parallel_loop3A_156 = tpu.scan <sum>, %parallel_loop3A_150 masked %parallel_loop3A_155 : vector<16xf32>, vector<16xi1> -> vector<16xf32>
      %parallel_loop3A_157 = vector.extract %parallel_loop3A_156[15] : f32 from vector<16xf32>
      %parallel_loop3A_158 = vector.broadcast %parallel_loop3A_157 : f32 to vector<16xf32>
      %parallel_loop3A_159 = arith.select %parallel_loop3A_153, %parallel_loop3A_158, %parallel_loop3A_142 : vector<16xi1>, vector<16xf32>
      %parallel_loop3A_160 = arith.constant 16 : i32
      %parallel_loop3A_161 = arith.muli %parallel_loop3A_89, %parallel_loop3A_160 : i32
      %parallel_loop3A_162 = arith.constant 4 : i32
      %parallel_loop3A_163 = arith.addi %parallel_loop3A_161, %parallel_loop3A_162 : i32
      %parallel_loop3A_164 = arith.constant 16 : i32
      %parallel_loop3A_165 = arith.muli %parallel_loop3A_163, %parallel_loop3A_164 : i32
      %parallel_loop3A_166 = arith.index_cast %parallel_loop3A_165 : i32 to index
      %parallel_loop3A_167 = tpu.vector_load %arg15[%parallel_loop3A_166] {strides = array<i32>} : memref<4224xf32, #tpu.memory_space<vmem>>, vector<16xf32>,
      %parallel_loop3A_168 = arith.constant 4 : i32
      %parallel_loop3A_169 = vector.broadcast %parallel_loop3A_168 : i32 to vector<16xi32>
      %parallel_loop3A_170 = arith.cmpi eq, %iota3A_77, %parallel_loop3A_169 : vector<16xi32>
      %parallel_loop3A_171 = arith.constant true
      %parallel_loop3A_172 = vector.broadcast %parallel_loop3A_171 : i1 to vector<16xi1>
      %parallel_loop3A_173 = tpu.scan <sum>, %parallel_loop3A_167 masked %parallel_loop3A_172 : vector<16xf32>, vector<16xi1> -> vector<16xf32>
      %parallel_loop3A_174 = vector.extract %parallel_loop3A_173[15] : f32 from vector<16xf32>
      %parallel_loop3A_175 = vector.broadcast %parallel_loop3A_174 : f32 to vector<16xf32>
      %parallel_loop3A_176 = arith.select %parallel_loop3A_170, %parallel_loop3A_175, %parallel_loop3A_159 : vector<16xi1>, vector<16xf32>
      %parallel_loop3A_177 = arith.constant 16 : i32
      %parallel_loop3A_178 = arith.muli %parallel_loop3A_89, %parallel_loop3A_177 : i32
      %parallel_loop3A_179 = arith.constant 5 : i32
      %parallel_loop3A_180 = arith.addi %parallel_loop3A_178, %parallel_loop3A_179 : i32
      %parallel_loop3A_181 = arith.constant 16 : i32
      %parallel_loop3A_182 = arith.muli %parallel_loop3A_180, %parallel_loop3A_181 : i32
      %parallel_loop3A_183 = arith.index_cast %parallel_loop3A_182 : i32 to index
      %parallel_loop3A_184 = tpu.vector_load %arg15[%parallel_loop3A_183] {strides = array<i32>} : memref<4224xf32, #tpu.memory_space<vmem>>, vector<16xf32>,
      %parallel_loop3A_185 = arith.constant 5 : i32
      %parallel_loop3A_186 = vector.broadcast %parallel_loop3A_185 : i32 to vector<16xi32>
      %parallel_loop3A_187 = arith.cmpi eq, %iota3A_77, %parallel_loop3A_186 : vector<16xi32>
      %parallel_loop3A_188 = arith.constant true
      %parallel_loop3A_189 = vector.broadcast %parallel_loop3A_188 : i1 to vector<16xi1>
      %parallel_loop3A_190 = tpu.scan <sum>, %parallel_loop3A_184 masked %parallel_loop3A_189 : vector<16xf32>, vector<16xi1> -> vector<16xf32>
      %parallel_loop3A_191 = vector.extract %parallel_loop3A_190[15] : f32 from vector<16xf32>
      %parallel_loop3A_192 = vector.broadcast %parallel_loop3A_191 : f32 to vector<16xf32>
      %parallel_loop3A_193 = arith.select %parallel_loop3A_187, %parallel_loop3A_192, %parallel_loop3A_176 : vector<16xi1>, vector<16xf32>
      %parallel_loop3A_194 = arith.constant 16 : i32
      %parallel_loop3A_195 = arith.muli %parallel_loop3A_89, %parallel_loop3A_194 : i32
      %parallel_loop3A_196 = arith.constant 6 : i32
      %parallel_loop3A_197 = arith.addi %parallel_loop3A_195, %parallel_loop3A_196 : i32
      %parallel_loop3A_198 = arith.constant 16 : i32
      %parallel_loop3A_199 = arith.muli %parallel_loop3A_197, %parallel_loop3A_198 : i32
      %parallel_loop3A_200 = arith.index_cast %parallel_loop3A_199 : i32 to index
      %parallel_loop3A_201 = tpu.vector_load %arg15[%parallel_loop3A_200] {strides = array<i32>} : memref<4224xf32, #tpu.memory_space<vmem>>, vector<16xf32>,
      %parallel_loop3A_202 = arith.constant 6 : i32
      %parallel_loop3A_203 = vector.broadcast %parallel_loop3A_202 : i32 to vector<16xi32>
      %parallel_loop3A_204 = arith.cmpi eq, %iota3A_77, %parallel_loop3A_203 : vector<16xi32>
      %parallel_loop3A_205 = arith.constant true
      %parallel_loop3A_206 = vector.broadcast %parallel_loop3A_205 : i1 to vector<16xi1>
      %parallel_loop3A_207 = tpu.scan <sum>, %parallel_loop3A_201 masked %parallel_loop3A_206 : vector<16xf32>, vector<16xi1> -> vector<16xf32>
      %parallel_loop3A_208 = vector.extract %parallel_loop3A_207[15] : f32 from vector<16xf32>
      %parallel_loop3A_209 = vector.broadcast %parallel_loop3A_208 : f32 to vector<16xf32>
      %parallel_loop3A_210 = arith.select %parallel_loop3A_204, %parallel_loop3A_209, %parallel_loop3A_193 : vector<16xi1>, vector<16xf32>
      %parallel_loop3A_211 = arith.constant 16 : i32
      %parallel_loop3A_212 = arith.muli %parallel_loop3A_89, %parallel_loop3A_211 : i32
      %parallel_loop3A_213 = arith.constant 7 : i32
      %parallel_loop3A_214 = arith.addi %parallel_loop3A_212, %parallel_loop3A_213 : i32
      %parallel_loop3A_215 = arith.constant 16 : i32
      %parallel_loop3A_216 = arith.muli %parallel_loop3A_214, %parallel_loop3A_215 : i32
      %parallel_loop3A_217 = arith.index_cast %parallel_loop3A_216 : i32 to index
      %parallel_loop3A_218 = tpu.vector_load %arg15[%parallel_loop3A_217] {strides = array<i32>} : memref<4224xf32, #tpu.memory_space<vmem>>, vector<16xf32>,
      %parallel_loop3A_219 = arith.constant 7 : i32
      %parallel_loop3A_220 = vector.broadcast %parallel_loop3A_219 : i32 to vector<16xi32>
      %parallel_loop3A_221 = arith.cmpi eq, %iota3A_77, %parallel_loop3A_220 : vector<16xi32>
      %parallel_loop3A_222 = arith.constant true
      %parallel_loop3A_223 = vector.broadcast %parallel_loop3A_222 : i1 to vector<16xi1>
      %parallel_loop3A_224 = tpu.scan <sum>, %parallel_loop3A_218 masked %parallel_loop3A_223 : vector<16xf32>, vector<16xi1> -> vector<16xf32>
      %parallel_loop3A_225 = vector.extract %parallel_loop3A_224[15] : f32 from vector<16xf32>
      %parallel_loop3A_226 = vector.broadcast %parallel_loop3A_225 : f32 to vector<16xf32>
      %parallel_loop3A_227 = arith.select %parallel_loop3A_221, %parallel_loop3A_226, %parallel_loop3A_210 : vector<16xi1>, vector<16xf32>
      %parallel_loop3A_228 = arith.constant 16 : i32
      %parallel_loop3A_229 = arith.muli %parallel_loop3A_89, %parallel_loop3A_228 : i32
      %parallel_loop3A_230 = arith.constant 8 : i32
      %parallel_loop3A_231 = arith.addi %parallel_loop3A_229, %parallel_loop3A_230 : i32
      %parallel_loop3A_232 = arith.constant 16 : i32
      %parallel_loop3A_233 = arith.muli %parallel_loop3A_231, %parallel_loop3A_232 : i32
      %parallel_loop3A_234 = arith.index_cast %parallel_loop3A_233 : i32 to index
      %parallel_loop3A_235 = tpu.vector_load %arg15[%parallel_loop3A_234] {strides = array<i32>} : memref<4224xf32, #tpu.memory_space<vmem>>, vector<16xf32>,
      %parallel_loop3A_236 = arith.constant 8 : i32
      %parallel_loop3A_237 = vector.broadcast %parallel_loop3A_236 : i32 to vector<16xi32>
      %parallel_loop3A_238 = arith.cmpi eq, %iota3A_77, %parallel_loop3A_237 : vector<16xi32>
      %parallel_loop3A_239 = arith.constant true
      %parallel_loop3A_240 = vector.broadcast %parallel_loop3A_239 : i1 to vector<16xi1>
      %parallel_loop3A_241 = tpu.scan <sum>, %parallel_loop3A_235 masked %parallel_loop3A_240 : vector<16xf32>, vector<16xi1> -> vector<16xf32>
      %parallel_loop3A_242 = vector.extract %parallel_loop3A_241[15] : f32 from vector<16xf32>
      %parallel_loop3A_243 = vector.broadcast %parallel_loop3A_242 : f32 to vector<16xf32>
      %parallel_loop3A_244 = arith.select %parallel_loop3A_238, %parallel_loop3A_243, %parallel_loop3A_227 : vector<16xi1>, vector<16xf32>
      %parallel_loop3A_245 = arith.constant 16 : i32
      %parallel_loop3A_246 = arith.muli %parallel_loop3A_89, %parallel_loop3A_245 : i32
      %parallel_loop3A_247 = arith.constant 9 : i32
      %parallel_loop3A_248 = arith.addi %parallel_loop3A_246, %parallel_loop3A_247 : i32
      %parallel_loop3A_249 = arith.constant 16 : i32
      %parallel_loop3A_250 = arith.muli %parallel_loop3A_248, %parallel_loop3A_249 : i32
      %parallel_loop3A_251 = arith.index_cast %parallel_loop3A_250 : i32 to index
      %parallel_loop3A_252 = tpu.vector_load %arg15[%parallel_loop3A_251] {strides = array<i32>} : memref<4224xf32, #tpu.memory_space<vmem>>, vector<16xf32>,
      %parallel_loop3A_253 = arith.constant 9 : i32
      %parallel_loop3A_254 = vector.broadcast %parallel_loop3A_253 : i32 to vector<16xi32>
      %parallel_loop3A_255 = arith.cmpi eq, %iota3A_77, %parallel_loop3A_254 : vector<16xi32>
      %parallel_loop3A_256 = arith.constant true
      %parallel_loop3A_257 = vector.broadcast %parallel_loop3A_256 : i1 to vector<16xi1>
      %parallel_loop3A_258 = tpu.scan <sum>, %parallel_loop3A_252 masked %parallel_loop3A_257 : vector<16xf32>, vector<16xi1> -> vector<16xf32>
      %parallel_loop3A_259 = vector.extract %parallel_loop3A_258[15] : f32 from vector<16xf32>
      %parallel_loop3A_260 = vector.broadcast %parallel_loop3A_259 : f32 to vector<16xf32>
      %parallel_loop3A_261 = arith.select %parallel_loop3A_255, %parallel_loop3A_260, %parallel_loop3A_244 : vector<16xi1>, vector<16xf32>
      %parallel_loop3A_262 = arith.constant 16 : i32
      %parallel_loop3A_263 = arith.muli %parallel_loop3A_89, %parallel_loop3A_262 : i32
      %parallel_loop3A_264 = arith.constant 10 : i32
      %parallel_loop3A_265 = arith.addi %parallel_loop3A_263, %parallel_loop3A_264 : i32
      %parallel_loop3A_266 = arith.constant 16 : i32
      %parallel_loop3A_267 = arith.muli %parallel_loop3A_265, %parallel_loop3A_266 : i32
      %parallel_loop3A_268 = arith.index_cast %parallel_loop3A_267 : i32 to index
      %parallel_loop3A_269 = tpu.vector_load %arg15[%parallel_loop3A_268] {strides = array<i32>} : memref<4224xf32, #tpu.memory_space<vmem>>, vector<16xf32>,
      %parallel_loop3A_270 = arith.constant 10 : i32
      %parallel_loop3A_271 = vector.broadcast %parallel_loop3A_270 : i32 to vector<16xi32>
      %parallel_loop3A_272 = arith.cmpi eq, %iota3A_77, %parallel_loop3A_271 : vector<16xi32>
      %parallel_loop3A_273 = arith.constant true
      %parallel_loop3A_274 = vector.broadcast %parallel_loop3A_273 : i1 to vector<16xi1>
      %parallel_loop3A_275 = tpu.scan <sum>, %parallel_loop3A_269 masked %parallel_loop3A_274 : vector<16xf32>, vector<16xi1> -> vector<16xf32>
      %parallel_loop3A_276 = vector.extract %parallel_loop3A_275[15] : f32 from vector<16xf32>
      %parallel_loop3A_277 = vector.broadcast %parallel_loop3A_276 : f32 to vector<16xf32>
      %parallel_loop3A_278 = arith.select %parallel_loop3A_272, %parallel_loop3A_277, %parallel_loop3A_261 : vector<16xi1>, vector<16xf32>
      %parallel_loop3A_279 = arith.constant 16 : i32
      %parallel_loop3A_280 = arith.muli %parallel_loop3A_89, %parallel_loop3A_279 : i32
      %parallel_loop3A_281 = arith.constant 11 : i32
      %parallel_loop3A_282 = arith.addi %parallel_loop3A_280, %parallel_loop3A_281 : i32
      %parallel_loop3A_283 = arith.constant 16 : i32
      %parallel_loop3A_284 = arith.muli %parallel_loop3A_282, %parallel_loop3A_283 : i32
      %parallel_loop3A_285 = arith.index_cast %parallel_loop3A_284 : i32 to index
      %parallel_loop3A_286 = tpu.vector_load %arg15[%parallel_loop3A_285] {strides = array<i32>} : memref<4224xf32, #tpu.memory_space<vmem>>, vector<16xf32>,
      %parallel_loop3A_287 = arith.constant 11 : i32
      %parallel_loop3A_288 = vector.broadcast %parallel_loop3A_287 : i32 to vector<16xi32>
      %parallel_loop3A_289 = arith.cmpi eq, %iota3A_77, %parallel_loop3A_288 : vector<16xi32>
      %parallel_loop3A_290 = arith.constant true
      %parallel_loop3A_291 = vector.broadcast %parallel_loop3A_290 : i1 to vector<16xi1>
      %parallel_loop3A_292 = tpu.scan <sum>, %parallel_loop3A_286 masked %parallel_loop3A_291 : vector<16xf32>, vector<16xi1> -> vector<16xf32>
      %parallel_loop3A_293 = vector.extract %parallel_loop3A_292[15] : f32 from vector<16xf32>
      %parallel_loop3A_294 = vector.broadcast %parallel_loop3A_293 : f32 to vector<16xf32>
      %parallel_loop3A_295 = arith.select %parallel_loop3A_289, %parallel_loop3A_294, %parallel_loop3A_278 : vector<16xi1>, vector<16xf32>
      %parallel_loop3A_296 = arith.constant 16 : i32
      %parallel_loop3A_297 = arith.muli %parallel_loop3A_89, %parallel_loop3A_296 : i32
      %parallel_loop3A_298 = arith.constant 12 : i32
      %parallel_loop3A_299 = arith.addi %parallel_loop3A_297, %parallel_loop3A_298 : i32
      %parallel_loop3A_300 = arith.constant 16 : i32
      %parallel_loop3A_301 = arith.muli %parallel_loop3A_299, %parallel_loop3A_300 : i32
      %parallel_loop3A_302 = arith.index_cast %parallel_loop3A_301 : i32 to index
      %parallel_loop3A_303 = tpu.vector_load %arg15[%parallel_loop3A_302] {strides = array<i32>} : memref<4224xf32, #tpu.memory_space<vmem>>, vector<16xf32>,
      %parallel_loop3A_304 = arith.constant 12 : i32
      %parallel_loop3A_305 = vector.broadcast %parallel_loop3A_304 : i32 to vector<16xi32>
      %parallel_loop3A_306 = arith.cmpi eq, %iota3A_77, %parallel_loop3A_305 : vector<16xi32>
      %parallel_loop3A_307 = arith.constant true
      %parallel_loop3A_308 = vector.broadcast %parallel_loop3A_307 : i1 to vector<16xi1>
      %parallel_loop3A_309 = tpu.scan <sum>, %parallel_loop3A_303 masked %parallel_loop3A_308 : vector<16xf32>, vector<16xi1> -> vector<16xf32>
      %parallel_loop3A_310 = vector.extract %parallel_loop3A_309[15] : f32 from vector<16xf32>
      %parallel_loop3A_311 = vector.broadcast %parallel_loop3A_310 : f32 to vector<16xf32>
      %parallel_loop3A_312 = arith.select %parallel_loop3A_306, %parallel_loop3A_311, %parallel_loop3A_295 : vector<16xi1>, vector<16xf32>
      %parallel_loop3A_313 = arith.constant 16 : i32
      %parallel_loop3A_314 = arith.muli %parallel_loop3A_89, %parallel_loop3A_313 : i32
      %parallel_loop3A_315 = arith.constant 13 : i32
      %parallel_loop3A_316 = arith.addi %parallel_loop3A_314, %parallel_loop3A_315 : i32
      %parallel_loop3A_317 = arith.constant 16 : i32
      %parallel_loop3A_318 = arith.muli %parallel_loop3A_316, %parallel_loop3A_317 : i32
      %parallel_loop3A_319 = arith.index_cast %parallel_loop3A_318 : i32 to index
      %parallel_loop3A_320 = tpu.vector_load %arg15[%parallel_loop3A_319] {strides = array<i32>} : memref<4224xf32, #tpu.memory_space<vmem>>, vector<16xf32>,
      %parallel_loop3A_321 = arith.constant 13 : i32
      %parallel_loop3A_322 = vector.broadcast %parallel_loop3A_321 : i32 to vector<16xi32>
      %parallel_loop3A_323 = arith.cmpi eq, %iota3A_77, %parallel_loop3A_322 : vector<16xi32>
      %parallel_loop3A_324 = arith.constant true
      %parallel_loop3A_325 = vector.broadcast %parallel_loop3A_324 : i1 to vector<16xi1>
      %parallel_loop3A_326 = tpu.scan <sum>, %parallel_loop3A_320 masked %parallel_loop3A_325 : vector<16xf32>, vector<16xi1> -> vector<16xf32>
      %parallel_loop3A_327 = vector.extract %parallel_loop3A_326[15] : f32 from vector<16xf32>
      %parallel_loop3A_328 = vector.broadcast %parallel_loop3A_327 : f32 to vector<16xf32>
      %parallel_loop3A_329 = arith.select %parallel_loop3A_323, %parallel_loop3A_328, %parallel_loop3A_312 : vector<16xi1>, vector<16xf32>
      %parallel_loop3A_330 = arith.constant 16 : i32
      %parallel_loop3A_331 = arith.muli %parallel_loop3A_89, %parallel_loop3A_330 : i32
      %parallel_loop3A_332 = arith.constant 14 : i32
      %parallel_loop3A_333 = arith.addi %parallel_loop3A_331, %parallel_loop3A_332 : i32
      %parallel_loop3A_334 = arith.constant 16 : i32
      %parallel_loop3A_335 = arith.muli %parallel_loop3A_333, %parallel_loop3A_334 : i32
      %parallel_loop3A_336 = arith.index_cast %parallel_loop3A_335 : i32 to index
      %parallel_loop3A_337 = tpu.vector_load %arg15[%parallel_loop3A_336] {strides = array<i32>} : memref<4224xf32, #tpu.memory_space<vmem>>, vector<16xf32>,
      %parallel_loop3A_338 = arith.constant 14 : i32
      %parallel_loop3A_339 = vector.broadcast %parallel_loop3A_338 : i32 to vector<16xi32>
      %parallel_loop3A_340 = arith.cmpi eq, %iota3A_77, %parallel_loop3A_339 : vector<16xi32>
      %parallel_loop3A_341 = arith.constant true
      %parallel_loop3A_342 = vector.broadcast %parallel_loop3A_341 : i1 to vector<16xi1>
      %parallel_loop3A_343 = tpu.scan <sum>, %parallel_loop3A_337 masked %parallel_loop3A_342 : vector<16xf32>, vector<16xi1> -> vector<16xf32>
      %parallel_loop3A_344 = vector.extract %parallel_loop3A_343[15] : f32 from vector<16xf32>
      %parallel_loop3A_345 = vector.broadcast %parallel_loop3A_344 : f32 to vector<16xf32>
      %parallel_loop3A_346 = arith.select %parallel_loop3A_340, %parallel_loop3A_345, %parallel_loop3A_329 : vector<16xi1>, vector<16xf32>
      %parallel_loop3A_347 = arith.constant 16 : i32
      %parallel_loop3A_348 = arith.muli %parallel_loop3A_89, %parallel_loop3A_347 : i32
      %parallel_loop3A_349 = arith.constant 15 : i32
      %parallel_loop3A_350 = arith.addi %parallel_loop3A_348, %parallel_loop3A_349 : i32
      %parallel_loop3A_351 = arith.constant 16 : i32
      %parallel_loop3A_352 = arith.muli %parallel_loop3A_350, %parallel_loop3A_351 : i32
      %parallel_loop3A_353 = arith.index_cast %parallel_loop3A_352 : i32 to index
      %parallel_loop3A_354 = tpu.vector_load %arg15[%parallel_loop3A_353] {strides = array<i32>} : memref<4224xf32, #tpu.memory_space<vmem>>, vector<16xf32>,
      %parallel_loop3A_355 = arith.constant 15 : i32
      %parallel_loop3A_356 = vector.broadcast %parallel_loop3A_355 : i32 to vector<16xi32>
      %parallel_loop3A_357 = arith.cmpi eq, %iota3A_77, %parallel_loop3A_356 : vector<16xi32>
      %parallel_loop3A_358 = arith.constant true
      %parallel_loop3A_359 = vector.broadcast %parallel_loop3A_358 : i1 to vector<16xi1>
      %parallel_loop3A_360 = tpu.scan <sum>, %parallel_loop3A_354 masked %parallel_loop3A_359 : vector<16xf32>, vector<16xi1> -> vector<16xf32>
      %parallel_loop3A_361 = vector.extract %parallel_loop3A_360[15] : f32 from vector<16xf32>
      %parallel_loop3A_362 = vector.broadcast %parallel_loop3A_361 : f32 to vector<16xf32>
      %parallel_loop3A_363 = arith.select %parallel_loop3A_357, %parallel_loop3A_362, %parallel_loop3A_346 : vector<16xi1>, vector<16xf32>
      %parallel_loop3A_364 = arith.constant 16 : i32
      %parallel_loop3A_365 = arith.muli %parallel_loop3A_89, %parallel_loop3A_364 : i32
      %parallel_loop3A_366 = arith.constant 0 : i32
      %parallel_loop3A_367 = arith.addi %parallel_loop3A_366, %parallel_loop3A_365 : i32
      %parallel_loop3A_368 = arith.index_cast %parallel_loop3A_367 : i32 to index
      %parallel_loop3A_369 = tpu.vector_load %arg18[%parallel_loop3A_368] {strides = array<i32>} : memref<768xf32, #tpu.memory_space<vmem>>, vector<16xf32>,
      tpu.vector_store %arg18[%parallel_loop3A_368], %parallel_loop3A_363 {strides = array<i32>} : memref<768xf32, #tpu.memory_space<vmem>>, vector<16xf32>,
    } {sc.loop_unroll_factor = 1 : i64, sc.parallel_access}
    %iota3A_81 = tpu.iota {dimensions = array<i32: 0>} : vector<16xi32>
    %parallel_loop3A_82 = arith.constant 0 : i32
    %parallel_loop3A_83 = arith.constant 16 : i32
    %parallel_loop3A_84 = arith.constant 1 : i32
    scf.for %parallel_loop3A_89 = %parallel_loop3A_82 to %parallel_loop3A_83 step %parallel_loop3A_84  : i32 {
      %parallel_loop3A_90 = arith.constant 0.000000e+00 : f32
      %parallel_loop3A_91 = vector.broadcast %parallel_loop3A_90 : f32 to vector<16xf32>
      %parallel_loop3A_92 = arith.constant 16 : i32
      %parallel_loop3A_93 = arith.muli %parallel_loop3A_89, %parallel_loop3A_92 : i32
      %parallel_loop3A_94 = arith.constant 0 : i32
      %parallel_loop3A_95 = arith.addi %parallel_loop3A_93, %parallel_loop3A_94 : i32
      %parallel_loop3A_96 = arith.constant 16 : i32
      %parallel_loop3A_97 = arith.muli %parallel_loop3A_95, %parallel_loop3A_96 : i32
      %parallel_loop3A_98 = arith.index_cast %parallel_loop3A_97 : i32 to index
      %parallel_loop3A_99 = tpu.vector_load %arg16[%parallel_loop3A_98] {strides = array<i32>} : memref<4224xf32, #tpu.memory_space<vmem>>, vector<16xf32>,
      %parallel_loop3A_100 = arith.constant 0 : i32
      %parallel_loop3A_101 = vector.broadcast %parallel_loop3A_100 : i32 to vector<16xi32>
      %parallel_loop3A_102 = arith.cmpi eq, %iota3A_81, %parallel_loop3A_101 : vector<16xi32>
      %parallel_loop3A_103 = arith.constant true
      %parallel_loop3A_104 = vector.broadcast %parallel_loop3A_103 : i1 to vector<16xi1>
      %parallel_loop3A_105 = tpu.scan <sum>, %parallel_loop3A_99 masked %parallel_loop3A_104 : vector<16xf32>, vector<16xi1> -> vector<16xf32>
      %parallel_loop3A_106 = vector.extract %parallel_loop3A_105[15] : f32 from vector<16xf32>
      %parallel_loop3A_107 = vector.broadcast %parallel_loop3A_106 : f32 to vector<16xf32>
      %parallel_loop3A_108 = arith.select %parallel_loop3A_102, %parallel_loop3A_107, %parallel_loop3A_91 : vector<16xi1>, vector<16xf32>
      %parallel_loop3A_109 = arith.constant 16 : i32
      %parallel_loop3A_110 = arith.muli %parallel_loop3A_89, %parallel_loop3A_109 : i32
      %parallel_loop3A_111 = arith.constant 1 : i32
      %parallel_loop3A_112 = arith.addi %parallel_loop3A_110, %parallel_loop3A_111 : i32
      %parallel_loop3A_113 = arith.constant 16 : i32
      %parallel_loop3A_114 = arith.muli %parallel_loop3A_112, %parallel_loop3A_113 : i32
      %parallel_loop3A_115 = arith.index_cast %parallel_loop3A_114 : i32 to index
      %parallel_loop3A_116 = tpu.vector_load %arg16[%parallel_loop3A_115] {strides = array<i32>} : memref<4224xf32, #tpu.memory_space<vmem>>, vector<16xf32>,
      %parallel_loop3A_117 = arith.constant 1 : i32
      %parallel_loop3A_118 = vector.broadcast %parallel_loop3A_117 : i32 to vector<16xi32>
      %parallel_loop3A_119 = arith.cmpi eq, %iota3A_81, %parallel_loop3A_118 : vector<16xi32>
      %parallel_loop3A_120 = arith.constant true
      %parallel_loop3A_121 = vector.broadcast %parallel_loop3A_120 : i1 to vector<16xi1>
      %parallel_loop3A_122 = tpu.scan <sum>, %parallel_loop3A_116 masked %parallel_loop3A_121 : vector<16xf32>, vector<16xi1> -> vector<16xf32>
      %parallel_loop3A_123 = vector.extract %parallel_loop3A_122[15] : f32 from vector<16xf32>
      %parallel_loop3A_124 = vector.broadcast %parallel_loop3A_123 : f32 to vector<16xf32>
      %parallel_loop3A_125 = arith.select %parallel_loop3A_119, %parallel_loop3A_124, %parallel_loop3A_108 : vector<16xi1>, vector<16xf32>
      %parallel_loop3A_126 = arith.constant 16 : i32
      %parallel_loop3A_127 = arith.muli %parallel_loop3A_89, %parallel_loop3A_126 : i32
      %parallel_loop3A_128 = arith.constant 2 : i32
      %parallel_loop3A_129 = arith.addi %parallel_loop3A_127, %parallel_loop3A_128 : i32
      %parallel_loop3A_130 = arith.constant 16 : i32
      %parallel_loop3A_131 = arith.muli %parallel_loop3A_129, %parallel_loop3A_130 : i32
      %parallel_loop3A_132 = arith.index_cast %parallel_loop3A_131 : i32 to index
      %parallel_loop3A_133 = tpu.vector_load %arg16[%parallel_loop3A_132] {strides = array<i32>} : memref<4224xf32, #tpu.memory_space<vmem>>, vector<16xf32>,
      %parallel_loop3A_134 = arith.constant 2 : i32
      %parallel_loop3A_135 = vector.broadcast %parallel_loop3A_134 : i32 to vector<16xi32>
      %parallel_loop3A_136 = arith.cmpi eq, %iota3A_81, %parallel_loop3A_135 : vector<16xi32>
      %parallel_loop3A_137 = arith.constant true
      %parallel_loop3A_138 = vector.broadcast %parallel_loop3A_137 : i1 to vector<16xi1>
      %parallel_loop3A_139 = tpu.scan <sum>, %parallel_loop3A_133 masked %parallel_loop3A_138 : vector<16xf32>, vector<16xi1> -> vector<16xf32>
      %parallel_loop3A_140 = vector.extract %parallel_loop3A_139[15] : f32 from vector<16xf32>
      %parallel_loop3A_141 = vector.broadcast %parallel_loop3A_140 : f32 to vector<16xf32>
      %parallel_loop3A_142 = arith.select %parallel_loop3A_136, %parallel_loop3A_141, %parallel_loop3A_125 : vector<16xi1>, vector<16xf32>
      %parallel_loop3A_143 = arith.constant 16 : i32
      %parallel_loop3A_144 = arith.muli %parallel_loop3A_89, %parallel_loop3A_143 : i32
      %parallel_loop3A_145 = arith.constant 3 : i32
      %parallel_loop3A_146 = arith.addi %parallel_loop3A_144, %parallel_loop3A_145 : i32
      %parallel_loop3A_147 = arith.constant 16 : i32
      %parallel_loop3A_148 = arith.muli %parallel_loop3A_146, %parallel_loop3A_147 : i32
      %parallel_loop3A_149 = arith.index_cast %parallel_loop3A_148 : i32 to index
      %parallel_loop3A_150 = tpu.vector_load %arg16[%parallel_loop3A_149] {strides = array<i32>} : memref<4224xf32, #tpu.memory_space<vmem>>, vector<16xf32>,
      %parallel_loop3A_151 = arith.constant 3 : i32
      %parallel_loop3A_152 = vector.broadcast %parallel_loop3A_151 : i32 to vector<16xi32>
      %parallel_loop3A_153 = arith.cmpi eq, %iota3A_81, %parallel_loop3A_152 : vector<16xi32>
      %parallel_loop3A_154 = arith.constant true
      %parallel_loop3A_155 = vector.broadcast %parallel_loop3A_154 : i1 to vector<16xi1>
      %parallel_loop3A_156 = tpu.scan <sum>, %parallel_loop3A_150 masked %parallel_loop3A_155 : vector<16xf32>, vector<16xi1> -> vector<16xf32>
      %parallel_loop3A_157 = vector.extract %parallel_loop3A_156[15] : f32 from vector<16xf32>
      %parallel_loop3A_158 = vector.broadcast %parallel_loop3A_157 : f32 to vector<16xf32>
      %parallel_loop3A_159 = arith.select %parallel_loop3A_153, %parallel_loop3A_158, %parallel_loop3A_142 : vector<16xi1>, vector<16xf32>
      %parallel_loop3A_160 = arith.constant 16 : i32
      %parallel_loop3A_161 = arith.muli %parallel_loop3A_89, %parallel_loop3A_160 : i32
      %parallel_loop3A_162 = arith.constant 4 : i32
      %parallel_loop3A_163 = arith.addi %parallel_loop3A_161, %parallel_loop3A_162 : i32
      %parallel_loop3A_164 = arith.constant 16 : i32
      %parallel_loop3A_165 = arith.muli %parallel_loop3A_163, %parallel_loop3A_164 : i32
      %parallel_loop3A_166 = arith.index_cast %parallel_loop3A_165 : i32 to index
      %parallel_loop3A_167 = tpu.vector_load %arg16[%parallel_loop3A_166] {strides = array<i32>} : memref<4224xf32, #tpu.memory_space<vmem>>, vector<16xf32>,
      %parallel_loop3A_168 = arith.constant 4 : i32
      %parallel_loop3A_169 = vector.broadcast %parallel_loop3A_168 : i32 to vector<16xi32>
      %parallel_loop3A_170 = arith.cmpi eq, %iota3A_81, %parallel_loop3A_169 : vector<16xi32>
      %parallel_loop3A_171 = arith.constant true
      %parallel_loop3A_172 = vector.broadcast %parallel_loop3A_171 : i1 to vector<16xi1>
      %parallel_loop3A_173 = tpu.scan <sum>, %parallel_loop3A_167 masked %parallel_loop3A_172 : vector<16xf32>, vector<16xi1> -> vector<16xf32>
      %parallel_loop3A_174 = vector.extract %parallel_loop3A_173[15] : f32 from vector<16xf32>
      %parallel_loop3A_175 = vector.broadcast %parallel_loop3A_174 : f32 to vector<16xf32>
      %parallel_loop3A_176 = arith.select %parallel_loop3A_170, %parallel_loop3A_175, %parallel_loop3A_159 : vector<16xi1>, vector<16xf32>
      %parallel_loop3A_177 = arith.constant 16 : i32
      %parallel_loop3A_178 = arith.muli %parallel_loop3A_89, %parallel_loop3A_177 : i32
      %parallel_loop3A_179 = arith.constant 5 : i32
      %parallel_loop3A_180 = arith.addi %parallel_loop3A_178, %parallel_loop3A_179 : i32
      %parallel_loop3A_181 = arith.constant 16 : i32
      %parallel_loop3A_182 = arith.muli %parallel_loop3A_180, %parallel_loop3A_181 : i32
      %parallel_loop3A_183 = arith.index_cast %parallel_loop3A_182 : i32 to index
      %parallel_loop3A_184 = tpu.vector_load %arg16[%parallel_loop3A_183] {strides = array<i32>} : memref<4224xf32, #tpu.memory_space<vmem>>, vector<16xf32>,
      %parallel_loop3A_185 = arith.constant 5 : i32
      %parallel_loop3A_186 = vector.broadcast %parallel_loop3A_185 : i32 to vector<16xi32>
      %parallel_loop3A_187 = arith.cmpi eq, %iota3A_81, %parallel_loop3A_186 : vector<16xi32>
      %parallel_loop3A_188 = arith.constant true
      %parallel_loop3A_189 = vector.broadcast %parallel_loop3A_188 : i1 to vector<16xi1>
      %parallel_loop3A_190 = tpu.scan <sum>, %parallel_loop3A_184 masked %parallel_loop3A_189 : vector<16xf32>, vector<16xi1> -> vector<16xf32>
      %parallel_loop3A_191 = vector.extract %parallel_loop3A_190[15] : f32 from vector<16xf32>
      %parallel_loop3A_192 = vector.broadcast %parallel_loop3A_191 : f32 to vector<16xf32>
      %parallel_loop3A_193 = arith.select %parallel_loop3A_187, %parallel_loop3A_192, %parallel_loop3A_176 : vector<16xi1>, vector<16xf32>
      %parallel_loop3A_194 = arith.constant 16 : i32
      %parallel_loop3A_195 = arith.muli %parallel_loop3A_89, %parallel_loop3A_194 : i32
      %parallel_loop3A_196 = arith.constant 6 : i32
      %parallel_loop3A_197 = arith.addi %parallel_loop3A_195, %parallel_loop3A_196 : i32
      %parallel_loop3A_198 = arith.constant 16 : i32
      %parallel_loop3A_199 = arith.muli %parallel_loop3A_197, %parallel_loop3A_198 : i32
      %parallel_loop3A_200 = arith.index_cast %parallel_loop3A_199 : i32 to index
      %parallel_loop3A_201 = tpu.vector_load %arg16[%parallel_loop3A_200] {strides = array<i32>} : memref<4224xf32, #tpu.memory_space<vmem>>, vector<16xf32>,
      %parallel_loop3A_202 = arith.constant 6 : i32
      %parallel_loop3A_203 = vector.broadcast %parallel_loop3A_202 : i32 to vector<16xi32>
      %parallel_loop3A_204 = arith.cmpi eq, %iota3A_81, %parallel_loop3A_203 : vector<16xi32>
      %parallel_loop3A_205 = arith.constant true
      %parallel_loop3A_206 = vector.broadcast %parallel_loop3A_205 : i1 to vector<16xi1>
      %parallel_loop3A_207 = tpu.scan <sum>, %parallel_loop3A_201 masked %parallel_loop3A_206 : vector<16xf32>, vector<16xi1> -> vector<16xf32>
      %parallel_loop3A_208 = vector.extract %parallel_loop3A_207[15] : f32 from vector<16xf32>
      %parallel_loop3A_209 = vector.broadcast %parallel_loop3A_208 : f32 to vector<16xf32>
      %parallel_loop3A_210 = arith.select %parallel_loop3A_204, %parallel_loop3A_209, %parallel_loop3A_193 : vector<16xi1>, vector<16xf32>
      %parallel_loop3A_211 = arith.constant 16 : i32
      %parallel_loop3A_212 = arith.muli %parallel_loop3A_89, %parallel_loop3A_211 : i32
      %parallel_loop3A_213 = arith.constant 7 : i32
      %parallel_loop3A_214 = arith.addi %parallel_loop3A_212, %parallel_loop3A_213 : i32
      %parallel_loop3A_215 = arith.constant 16 : i32
      %parallel_loop3A_216 = arith.muli %parallel_loop3A_214, %parallel_loop3A_215 : i32
      %parallel_loop3A_217 = arith.index_cast %parallel_loop3A_216 : i32 to index
      %parallel_loop3A_218 = tpu.vector_load %arg16[%parallel_loop3A_217] {strides = array<i32>} : memref<4224xf32, #tpu.memory_space<vmem>>, vector<16xf32>,
      %parallel_loop3A_219 = arith.constant 7 : i32
      %parallel_loop3A_220 = vector.broadcast %parallel_loop3A_219 : i32 to vector<16xi32>
      %parallel_loop3A_221 = arith.cmpi eq, %iota3A_81, %parallel_loop3A_220 : vector<16xi32>
      %parallel_loop3A_222 = arith.constant true
      %parallel_loop3A_223 = vector.broadcast %parallel_loop3A_222 : i1 to vector<16xi1>
      %parallel_loop3A_224 = tpu.scan <sum>, %parallel_loop3A_218 masked %parallel_loop3A_223 : vector<16xf32>, vector<16xi1> -> vector<16xf32>
      %parallel_loop3A_225 = vector.extract %parallel_loop3A_224[15] : f32 from vector<16xf32>
      %parallel_loop3A_226 = vector.broadcast %parallel_loop3A_225 : f32 to vector<16xf32>
      %parallel_loop3A_227 = arith.select %parallel_loop3A_221, %parallel_loop3A_226, %parallel_loop3A_210 : vector<16xi1>, vector<16xf32>
      %parallel_loop3A_228 = arith.constant 16 : i32
      %parallel_loop3A_229 = arith.muli %parallel_loop3A_89, %parallel_loop3A_228 : i32
      %parallel_loop3A_230 = arith.constant 8 : i32
      %parallel_loop3A_231 = arith.addi %parallel_loop3A_229, %parallel_loop3A_230 : i32
      %parallel_loop3A_232 = arith.constant 16 : i32
      %parallel_loop3A_233 = arith.muli %parallel_loop3A_231, %parallel_loop3A_232 : i32
      %parallel_loop3A_234 = arith.index_cast %parallel_loop3A_233 : i32 to index
      %parallel_loop3A_235 = tpu.vector_load %arg16[%parallel_loop3A_234] {strides = array<i32>} : memref<4224xf32, #tpu.memory_space<vmem>>, vector<16xf32>,
      %parallel_loop3A_236 = arith.constant 8 : i32
      %parallel_loop3A_237 = vector.broadcast %parallel_loop3A_236 : i32 to vector<16xi32>
      %parallel_loop3A_238 = arith.cmpi eq, %iota3A_81, %parallel_loop3A_237 : vector<16xi32>
      %parallel_loop3A_239 = arith.constant true
      %parallel_loop3A_240 = vector.broadcast %parallel_loop3A_239 : i1 to vector<16xi1>
      %parallel_loop3A_241 = tpu.scan <sum>, %parallel_loop3A_235 masked %parallel_loop3A_240 : vector<16xf32>, vector<16xi1> -> vector<16xf32>
      %parallel_loop3A_242 = vector.extract %parallel_loop3A_241[15] : f32 from vector<16xf32>
      %parallel_loop3A_243 = vector.broadcast %parallel_loop3A_242 : f32 to vector<16xf32>
      %parallel_loop3A_244 = arith.select %parallel_loop3A_238, %parallel_loop3A_243, %parallel_loop3A_227 : vector<16xi1>, vector<16xf32>
      %parallel_loop3A_245 = arith.constant 16 : i32
      %parallel_loop3A_246 = arith.muli %parallel_loop3A_89, %parallel_loop3A_245 : i32
      %parallel_loop3A_247 = arith.constant 9 : i32
      %parallel_loop3A_248 = arith.addi %parallel_loop3A_246, %parallel_loop3A_247 : i32
      %parallel_loop3A_249 = arith.constant 16 : i32
      %parallel_loop3A_250 = arith.muli %parallel_loop3A_248, %parallel_loop3A_249 : i32
      %parallel_loop3A_251 = arith.index_cast %parallel_loop3A_250 : i32 to index
      %parallel_loop3A_252 = tpu.vector_load %arg16[%parallel_loop3A_251] {strides = array<i32>} : memref<4224xf32, #tpu.memory_space<vmem>>, vector<16xf32>,
      %parallel_loop3A_253 = arith.constant 9 : i32
      %parallel_loop3A_254 = vector.broadcast %parallel_loop3A_253 : i32 to vector<16xi32>
      %parallel_loop3A_255 = arith.cmpi eq, %iota3A_81, %parallel_loop3A_254 : vector<16xi32>
      %parallel_loop3A_256 = arith.constant true
      %parallel_loop3A_257 = vector.broadcast %parallel_loop3A_256 : i1 to vector<16xi1>
      %parallel_loop3A_258 = tpu.scan <sum>, %parallel_loop3A_252 masked %parallel_loop3A_257 : vector<16xf32>, vector<16xi1> -> vector<16xf32>
      %parallel_loop3A_259 = vector.extract %parallel_loop3A_258[15] : f32 from vector<16xf32>
      %parallel_loop3A_260 = vector.broadcast %parallel_loop3A_259 : f32 to vector<16xf32>
      %parallel_loop3A_261 = arith.select %parallel_loop3A_255, %parallel_loop3A_260, %parallel_loop3A_244 : vector<16xi1>, vector<16xf32>
      %parallel_loop3A_262 = arith.constant 16 : i32
      %parallel_loop3A_263 = arith.muli %parallel_loop3A_89, %parallel_loop3A_262 : i32
      %parallel_loop3A_264 = arith.constant 10 : i32
      %parallel_loop3A_265 = arith.addi %parallel_loop3A_263, %parallel_loop3A_264 : i32
      %parallel_loop3A_266 = arith.constant 16 : i32
      %parallel_loop3A_267 = arith.muli %parallel_loop3A_265, %parallel_loop3A_266 : i32
      %parallel_loop3A_268 = arith.index_cast %parallel_loop3A_267 : i32 to index
      %parallel_loop3A_269 = tpu.vector_load %arg16[%parallel_loop3A_268] {strides = array<i32>} : memref<4224xf32, #tpu.memory_space<vmem>>, vector<16xf32>,
      %parallel_loop3A_270 = arith.constant 10 : i32
      %parallel_loop3A_271 = vector.broadcast %parallel_loop3A_270 : i32 to vector<16xi32>
      %parallel_loop3A_272 = arith.cmpi eq, %iota3A_81, %parallel_loop3A_271 : vector<16xi32>
      %parallel_loop3A_273 = arith.constant true
      %parallel_loop3A_274 = vector.broadcast %parallel_loop3A_273 : i1 to vector<16xi1>
      %parallel_loop3A_275 = tpu.scan <sum>, %parallel_loop3A_269 masked %parallel_loop3A_274 : vector<16xf32>, vector<16xi1> -> vector<16xf32>
      %parallel_loop3A_276 = vector.extract %parallel_loop3A_275[15] : f32 from vector<16xf32>
      %parallel_loop3A_277 = vector.broadcast %parallel_loop3A_276 : f32 to vector<16xf32>
      %parallel_loop3A_278 = arith.select %parallel_loop3A_272, %parallel_loop3A_277, %parallel_loop3A_261 : vector<16xi1>, vector<16xf32>
      %parallel_loop3A_279 = arith.constant 16 : i32
      %parallel_loop3A_280 = arith.muli %parallel_loop3A_89, %parallel_loop3A_279 : i32
      %parallel_loop3A_281 = arith.constant 11 : i32
      %parallel_loop3A_282 = arith.addi %parallel_loop3A_280, %parallel_loop3A_281 : i32
      %parallel_loop3A_283 = arith.constant 16 : i32
      %parallel_loop3A_284 = arith.muli %parallel_loop3A_282, %parallel_loop3A_283 : i32
      %parallel_loop3A_285 = arith.index_cast %parallel_loop3A_284 : i32 to index
      %parallel_loop3A_286 = tpu.vector_load %arg16[%parallel_loop3A_285] {strides = array<i32>} : memref<4224xf32, #tpu.memory_space<vmem>>, vector<16xf32>,
      %parallel_loop3A_287 = arith.constant 11 : i32
      %parallel_loop3A_288 = vector.broadcast %parallel_loop3A_287 : i32 to vector<16xi32>
      %parallel_loop3A_289 = arith.cmpi eq, %iota3A_81, %parallel_loop3A_288 : vector<16xi32>
      %parallel_loop3A_290 = arith.constant true
      %parallel_loop3A_291 = vector.broadcast %parallel_loop3A_290 : i1 to vector<16xi1>
      %parallel_loop3A_292 = tpu.scan <sum>, %parallel_loop3A_286 masked %parallel_loop3A_291 : vector<16xf32>, vector<16xi1> -> vector<16xf32>
      %parallel_loop3A_293 = vector.extract %parallel_loop3A_292[15] : f32 from vector<16xf32>
      %parallel_loop3A_294 = vector.broadcast %parallel_loop3A_293 : f32 to vector<16xf32>
      %parallel_loop3A_295 = arith.select %parallel_loop3A_289, %parallel_loop3A_294, %parallel_loop3A_278 : vector<16xi1>, vector<16xf32>
      %parallel_loop3A_296 = arith.constant 16 : i32
      %parallel_loop3A_297 = arith.muli %parallel_loop3A_89, %parallel_loop3A_296 : i32
      %parallel_loop3A_298 = arith.constant 12 : i32
      %parallel_loop3A_299 = arith.addi %parallel_loop3A_297, %parallel_loop3A_298 : i32
      %parallel_loop3A_300 = arith.constant 16 : i32
      %parallel_loop3A_301 = arith.muli %parallel_loop3A_299, %parallel_loop3A_300 : i32
      %parallel_loop3A_302 = arith.index_cast %parallel_loop3A_301 : i32 to index
      %parallel_loop3A_303 = tpu.vector_load %arg16[%parallel_loop3A_302] {strides = array<i32>} : memref<4224xf32, #tpu.memory_space<vmem>>, vector<16xf32>,
      %parallel_loop3A_304 = arith.constant 12 : i32
      %parallel_loop3A_305 = vector.broadcast %parallel_loop3A_304 : i32 to vector<16xi32>
      %parallel_loop3A_306 = arith.cmpi eq, %iota3A_81, %parallel_loop3A_305 : vector<16xi32>
      %parallel_loop3A_307 = arith.constant true
      %parallel_loop3A_308 = vector.broadcast %parallel_loop3A_307 : i1 to vector<16xi1>
      %parallel_loop3A_309 = tpu.scan <sum>, %parallel_loop3A_303 masked %parallel_loop3A_308 : vector<16xf32>, vector<16xi1> -> vector<16xf32>
      %parallel_loop3A_310 = vector.extract %parallel_loop3A_309[15] : f32 from vector<16xf32>
      %parallel_loop3A_311 = vector.broadcast %parallel_loop3A_310 : f32 to vector<16xf32>
      %parallel_loop3A_312 = arith.select %parallel_loop3A_306, %parallel_loop3A_311, %parallel_loop3A_295 : vector<16xi1>, vector<16xf32>
      %parallel_loop3A_313 = arith.constant 16 : i32
      %parallel_loop3A_314 = arith.muli %parallel_loop3A_89, %parallel_loop3A_313 : i32
      %parallel_loop3A_315 = arith.constant 13 : i32
      %parallel_loop3A_316 = arith.addi %parallel_loop3A_314, %parallel_loop3A_315 : i32
      %parallel_loop3A_317 = arith.constant 16 : i32
      %parallel_loop3A_318 = arith.muli %parallel_loop3A_316, %parallel_loop3A_317 : i32
      %parallel_loop3A_319 = arith.index_cast %parallel_loop3A_318 : i32 to index
      %parallel_loop3A_320 = tpu.vector_load %arg16[%parallel_loop3A_319] {strides = array<i32>} : memref<4224xf32, #tpu.memory_space<vmem>>, vector<16xf32>,
      %parallel_loop3A_321 = arith.constant 13 : i32
      %parallel_loop3A_322 = vector.broadcast %parallel_loop3A_321 : i32 to vector<16xi32>
      %parallel_loop3A_323 = arith.cmpi eq, %iota3A_81, %parallel_loop3A_322 : vector<16xi32>
      %parallel_loop3A_324 = arith.constant true
      %parallel_loop3A_325 = vector.broadcast %parallel_loop3A_324 : i1 to vector<16xi1>
      %parallel_loop3A_326 = tpu.scan <sum>, %parallel_loop3A_320 masked %parallel_loop3A_325 : vector<16xf32>, vector<16xi1> -> vector<16xf32>
      %parallel_loop3A_327 = vector.extract %parallel_loop3A_326[15] : f32 from vector<16xf32>
      %parallel_loop3A_328 = vector.broadcast %parallel_loop3A_327 : f32 to vector<16xf32>
      %parallel_loop3A_329 = arith.select %parallel_loop3A_323, %parallel_loop3A_328, %parallel_loop3A_312 : vector<16xi1>, vector<16xf32>
      %parallel_loop3A_330 = arith.constant 16 : i32
      %parallel_loop3A_331 = arith.muli %parallel_loop3A_89, %parallel_loop3A_330 : i32
      %parallel_loop3A_332 = arith.constant 14 : i32
      %parallel_loop3A_333 = arith.addi %parallel_loop3A_331, %parallel_loop3A_332 : i32
      %parallel_loop3A_334 = arith.constant 16 : i32
      %parallel_loop3A_335 = arith.muli %parallel_loop3A_333, %parallel_loop3A_334 : i32
      %parallel_loop3A_336 = arith.index_cast %parallel_loop3A_335 : i32 to index
      %parallel_loop3A_337 = tpu.vector_load %arg16[%parallel_loop3A_336] {strides = array<i32>} : memref<4224xf32, #tpu.memory_space<vmem>>, vector<16xf32>,
      %parallel_loop3A_338 = arith.constant 14 : i32
      %parallel_loop3A_339 = vector.broadcast %parallel_loop3A_338 : i32 to vector<16xi32>
      %parallel_loop3A_340 = arith.cmpi eq, %iota3A_81, %parallel_loop3A_339 : vector<16xi32>
      %parallel_loop3A_341 = arith.constant true
      %parallel_loop3A_342 = vector.broadcast %parallel_loop3A_341 : i1 to vector<16xi1>
      %parallel_loop3A_343 = tpu.scan <sum>, %parallel_loop3A_337 masked %parallel_loop3A_342 : vector<16xf32>, vector<16xi1> -> vector<16xf32>
      %parallel_loop3A_344 = vector.extract %parallel_loop3A_343[15] : f32 from vector<16xf32>
      %parallel_loop3A_345 = vector.broadcast %parallel_loop3A_344 : f32 to vector<16xf32>
      %parallel_loop3A_346 = arith.select %parallel_loop3A_340, %parallel_loop3A_345, %parallel_loop3A_329 : vector<16xi1>, vector<16xf32>
      %parallel_loop3A_347 = arith.constant 16 : i32
      %parallel_loop3A_348 = arith.muli %parallel_loop3A_89, %parallel_loop3A_347 : i32
      %parallel_loop3A_349 = arith.constant 15 : i32
      %parallel_loop3A_350 = arith.addi %parallel_loop3A_348, %parallel_loop3A_349 : i32
      %parallel_loop3A_351 = arith.constant 16 : i32
      %parallel_loop3A_352 = arith.muli %parallel_loop3A_350, %parallel_loop3A_351 : i32
      %parallel_loop3A_353 = arith.index_cast %parallel_loop3A_352 : i32 to index
      %parallel_loop3A_354 = tpu.vector_load %arg16[%parallel_loop3A_353] {strides = array<i32>} : memref<4224xf32, #tpu.memory_space<vmem>>, vector<16xf32>,
      %parallel_loop3A_355 = arith.constant 15 : i32
      %parallel_loop3A_356 = vector.broadcast %parallel_loop3A_355 : i32 to vector<16xi32>
      %parallel_loop3A_357 = arith.cmpi eq, %iota3A_81, %parallel_loop3A_356 : vector<16xi32>
      %parallel_loop3A_358 = arith.constant true
      %parallel_loop3A_359 = vector.broadcast %parallel_loop3A_358 : i1 to vector<16xi1>
      %parallel_loop3A_360 = tpu.scan <sum>, %parallel_loop3A_354 masked %parallel_loop3A_359 : vector<16xf32>, vector<16xi1> -> vector<16xf32>
      %parallel_loop3A_361 = vector.extract %parallel_loop3A_360[15] : f32 from vector<16xf32>
      %parallel_loop3A_362 = vector.broadcast %parallel_loop3A_361 : f32 to vector<16xf32>
      %parallel_loop3A_363 = arith.select %parallel_loop3A_357, %parallel_loop3A_362, %parallel_loop3A_346 : vector<16xi1>, vector<16xf32>
      %parallel_loop3A_364 = arith.constant 16 : i32
      %parallel_loop3A_365 = arith.muli %parallel_loop3A_89, %parallel_loop3A_364 : i32
      %parallel_loop3A_366 = arith.constant 256 : i32
      %parallel_loop3A_367 = arith.addi %parallel_loop3A_366, %parallel_loop3A_365 : i32
      %parallel_loop3A_368 = arith.index_cast %parallel_loop3A_367 : i32 to index
      %parallel_loop3A_369 = tpu.vector_load %arg18[%parallel_loop3A_368] {strides = array<i32>} : memref<768xf32, #tpu.memory_space<vmem>>, vector<16xf32>,
      tpu.vector_store %arg18[%parallel_loop3A_368], %parallel_loop3A_363 {strides = array<i32>} : memref<768xf32, #tpu.memory_space<vmem>>, vector<16xf32>,
    } {sc.loop_unroll_factor = 1 : i64, sc.parallel_access}
    %iota3A_85 = tpu.iota {dimensions = array<i32: 0>} : vector<16xi32>
    %parallel_loop3A_86 = arith.constant 0 : i32
    %parallel_loop3A_87 = arith.constant 16 : i32
    %parallel_loop3A_88 = arith.constant 1 : i32
    scf.for %parallel_loop3A_89 = %parallel_loop3A_86 to %parallel_loop3A_87 step %parallel_loop3A_88  : i32 {
      %parallel_loop3A_90 = arith.constant 0.000000e+00 : f32
      %parallel_loop3A_91 = vector.broadcast %parallel_loop3A_90 : f32 to vector<16xf32>
      %parallel_loop3A_92 = arith.constant 16 : i32
      %parallel_loop3A_93 = arith.muli %parallel_loop3A_89, %parallel_loop3A_92 : i32
      %parallel_loop3A_94 = arith.constant 0 : i32
      %parallel_loop3A_95 = arith.addi %parallel_loop3A_93, %parallel_loop3A_94 : i32
      %parallel_loop3A_96 = arith.constant 16 : i32
      %parallel_loop3A_97 = arith.muli %parallel_loop3A_95, %parallel_loop3A_96 : i32
      %parallel_loop3A_98 = arith.index_cast %parallel_loop3A_97 : i32 to index
      %parallel_loop3A_99 = tpu.vector_load %arg17[%parallel_loop3A_98] {strides = array<i32>} : memref<4224xf32, #tpu.memory_space<vmem>>, vector<16xf32>,
      %parallel_loop3A_100 = arith.constant 0 : i32
      %parallel_loop3A_101 = vector.broadcast %parallel_loop3A_100 : i32 to vector<16xi32>
      %parallel_loop3A_102 = arith.cmpi eq, %iota3A_85, %parallel_loop3A_101 : vector<16xi32>
      %parallel_loop3A_103 = arith.constant true
      %parallel_loop3A_104 = vector.broadcast %parallel_loop3A_103 : i1 to vector<16xi1>
      %parallel_loop3A_105 = tpu.scan <sum>, %parallel_loop3A_99 masked %parallel_loop3A_104 : vector<16xf32>, vector<16xi1> -> vector<16xf32>
      %parallel_loop3A_106 = vector.extract %parallel_loop3A_105[15] : f32 from vector<16xf32>
      %parallel_loop3A_107 = vector.broadcast %parallel_loop3A_106 : f32 to vector<16xf32>
      %parallel_loop3A_108 = arith.select %parallel_loop3A_102, %parallel_loop3A_107, %parallel_loop3A_91 : vector<16xi1>, vector<16xf32>
      %parallel_loop3A_109 = arith.constant 16 : i32
      %parallel_loop3A_110 = arith.muli %parallel_loop3A_89, %parallel_loop3A_109 : i32
      %parallel_loop3A_111 = arith.constant 1 : i32
      %parallel_loop3A_112 = arith.addi %parallel_loop3A_110, %parallel_loop3A_111 : i32
      %parallel_loop3A_113 = arith.constant 16 : i32
      %parallel_loop3A_114 = arith.muli %parallel_loop3A_112, %parallel_loop3A_113 : i32
      %parallel_loop3A_115 = arith.index_cast %parallel_loop3A_114 : i32 to index
      %parallel_loop3A_116 = tpu.vector_load %arg17[%parallel_loop3A_115] {strides = array<i32>} : memref<4224xf32, #tpu.memory_space<vmem>>, vector<16xf32>,
      %parallel_loop3A_117 = arith.constant 1 : i32
      %parallel_loop3A_118 = vector.broadcast %parallel_loop3A_117 : i32 to vector<16xi32>
      %parallel_loop3A_119 = arith.cmpi eq, %iota3A_85, %parallel_loop3A_118 : vector<16xi32>
      %parallel_loop3A_120 = arith.constant true
      %parallel_loop3A_121 = vector.broadcast %parallel_loop3A_120 : i1 to vector<16xi1>
      %parallel_loop3A_122 = tpu.scan <sum>, %parallel_loop3A_116 masked %parallel_loop3A_121 : vector<16xf32>, vector<16xi1> -> vector<16xf32>
      %parallel_loop3A_123 = vector.extract %parallel_loop3A_122[15] : f32 from vector<16xf32>
      %parallel_loop3A_124 = vector.broadcast %parallel_loop3A_123 : f32 to vector<16xf32>
      %parallel_loop3A_125 = arith.select %parallel_loop3A_119, %parallel_loop3A_124, %parallel_loop3A_108 : vector<16xi1>, vector<16xf32>
      %parallel_loop3A_126 = arith.constant 16 : i32
      %parallel_loop3A_127 = arith.muli %parallel_loop3A_89, %parallel_loop3A_126 : i32
      %parallel_loop3A_128 = arith.constant 2 : i32
      %parallel_loop3A_129 = arith.addi %parallel_loop3A_127, %parallel_loop3A_128 : i32
      %parallel_loop3A_130 = arith.constant 16 : i32
      %parallel_loop3A_131 = arith.muli %parallel_loop3A_129, %parallel_loop3A_130 : i32
      %parallel_loop3A_132 = arith.index_cast %parallel_loop3A_131 : i32 to index
      %parallel_loop3A_133 = tpu.vector_load %arg17[%parallel_loop3A_132] {strides = array<i32>} : memref<4224xf32, #tpu.memory_space<vmem>>, vector<16xf32>,
      %parallel_loop3A_134 = arith.constant 2 : i32
      %parallel_loop3A_135 = vector.broadcast %parallel_loop3A_134 : i32 to vector<16xi32>
      %parallel_loop3A_136 = arith.cmpi eq, %iota3A_85, %parallel_loop3A_135 : vector<16xi32>
      %parallel_loop3A_137 = arith.constant true
      %parallel_loop3A_138 = vector.broadcast %parallel_loop3A_137 : i1 to vector<16xi1>
      %parallel_loop3A_139 = tpu.scan <sum>, %parallel_loop3A_133 masked %parallel_loop3A_138 : vector<16xf32>, vector<16xi1> -> vector<16xf32>
      %parallel_loop3A_140 = vector.extract %parallel_loop3A_139[15] : f32 from vector<16xf32>
      %parallel_loop3A_141 = vector.broadcast %parallel_loop3A_140 : f32 to vector<16xf32>
      %parallel_loop3A_142 = arith.select %parallel_loop3A_136, %parallel_loop3A_141, %parallel_loop3A_125 : vector<16xi1>, vector<16xf32>
      %parallel_loop3A_143 = arith.constant 16 : i32
      %parallel_loop3A_144 = arith.muli %parallel_loop3A_89, %parallel_loop3A_143 : i32
      %parallel_loop3A_145 = arith.constant 3 : i32
      %parallel_loop3A_146 = arith.addi %parallel_loop3A_144, %parallel_loop3A_145 : i32
      %parallel_loop3A_147 = arith.constant 16 : i32
      %parallel_loop3A_148 = arith.muli %parallel_loop3A_146, %parallel_loop3A_147 : i32
      %parallel_loop3A_149 = arith.index_cast %parallel_loop3A_148 : i32 to index
      %parallel_loop3A_150 = tpu.vector_load %arg17[%parallel_loop3A_149] {strides = array<i32>} : memref<4224xf32, #tpu.memory_space<vmem>>, vector<16xf32>,
      %parallel_loop3A_151 = arith.constant 3 : i32
      %parallel_loop3A_152 = vector.broadcast %parallel_loop3A_151 : i32 to vector<16xi32>
      %parallel_loop3A_153 = arith.cmpi eq, %iota3A_85, %parallel_loop3A_152 : vector<16xi32>
      %parallel_loop3A_154 = arith.constant true
      %parallel_loop3A_155 = vector.broadcast %parallel_loop3A_154 : i1 to vector<16xi1>
      %parallel_loop3A_156 = tpu.scan <sum>, %parallel_loop3A_150 masked %parallel_loop3A_155 : vector<16xf32>, vector<16xi1> -> vector<16xf32>
      %parallel_loop3A_157 = vector.extract %parallel_loop3A_156[15] : f32 from vector<16xf32>
      %parallel_loop3A_158 = vector.broadcast %parallel_loop3A_157 : f32 to vector<16xf32>
      %parallel_loop3A_159 = arith.select %parallel_loop3A_153, %parallel_loop3A_158, %parallel_loop3A_142 : vector<16xi1>, vector<16xf32>
      %parallel_loop3A_160 = arith.constant 16 : i32
      %parallel_loop3A_161 = arith.muli %parallel_loop3A_89, %parallel_loop3A_160 : i32
      %parallel_loop3A_162 = arith.constant 4 : i32
      %parallel_loop3A_163 = arith.addi %parallel_loop3A_161, %parallel_loop3A_162 : i32
      %parallel_loop3A_164 = arith.constant 16 : i32
      %parallel_loop3A_165 = arith.muli %parallel_loop3A_163, %parallel_loop3A_164 : i32
      %parallel_loop3A_166 = arith.index_cast %parallel_loop3A_165 : i32 to index
      %parallel_loop3A_167 = tpu.vector_load %arg17[%parallel_loop3A_166] {strides = array<i32>} : memref<4224xf32, #tpu.memory_space<vmem>>, vector<16xf32>,
      %parallel_loop3A_168 = arith.constant 4 : i32
      %parallel_loop3A_169 = vector.broadcast %parallel_loop3A_168 : i32 to vector<16xi32>
      %parallel_loop3A_170 = arith.cmpi eq, %iota3A_85, %parallel_loop3A_169 : vector<16xi32>
      %parallel_loop3A_171 = arith.constant true
      %parallel_loop3A_172 = vector.broadcast %parallel_loop3A_171 : i1 to vector<16xi1>
      %parallel_loop3A_173 = tpu.scan <sum>, %parallel_loop3A_167 masked %parallel_loop3A_172 : vector<16xf32>, vector<16xi1> -> vector<16xf32>
      %parallel_loop3A_174 = vector.extract %parallel_loop3A_173[15] : f32 from vector<16xf32>
      %parallel_loop3A_175 = vector.broadcast %parallel_loop3A_174 : f32 to vector<16xf32>
      %parallel_loop3A_176 = arith.select %parallel_loop3A_170, %parallel_loop3A_175, %parallel_loop3A_159 : vector<16xi1>, vector<16xf32>
      %parallel_loop3A_177 = arith.constant 16 : i32
      %parallel_loop3A_178 = arith.muli %parallel_loop3A_89, %parallel_loop3A_177 : i32
      %parallel_loop3A_179 = arith.constant 5 : i32
      %parallel_loop3A_180 = arith.addi %parallel_loop3A_178, %parallel_loop3A_179 : i32
      %parallel_loop3A_181 = arith.constant 16 : i32
      %parallel_loop3A_182 = arith.muli %parallel_loop3A_180, %parallel_loop3A_181 : i32
      %parallel_loop3A_183 = arith.index_cast %parallel_loop3A_182 : i32 to index
      %parallel_loop3A_184 = tpu.vector_load %arg17[%parallel_loop3A_183] {strides = array<i32>} : memref<4224xf32, #tpu.memory_space<vmem>>, vector<16xf32>,
      %parallel_loop3A_185 = arith.constant 5 : i32
      %parallel_loop3A_186 = vector.broadcast %parallel_loop3A_185 : i32 to vector<16xi32>
      %parallel_loop3A_187 = arith.cmpi eq, %iota3A_85, %parallel_loop3A_186 : vector<16xi32>
      %parallel_loop3A_188 = arith.constant true
      %parallel_loop3A_189 = vector.broadcast %parallel_loop3A_188 : i1 to vector<16xi1>
      %parallel_loop3A_190 = tpu.scan <sum>, %parallel_loop3A_184 masked %parallel_loop3A_189 : vector<16xf32>, vector<16xi1> -> vector<16xf32>
      %parallel_loop3A_191 = vector.extract %parallel_loop3A_190[15] : f32 from vector<16xf32>
      %parallel_loop3A_192 = vector.broadcast %parallel_loop3A_191 : f32 to vector<16xf32>
      %parallel_loop3A_193 = arith.select %parallel_loop3A_187, %parallel_loop3A_192, %parallel_loop3A_176 : vector<16xi1>, vector<16xf32>
      %parallel_loop3A_194 = arith.constant 16 : i32
      %parallel_loop3A_195 = arith.muli %parallel_loop3A_89, %parallel_loop3A_194 : i32
      %parallel_loop3A_196 = arith.constant 6 : i32
      %parallel_loop3A_197 = arith.addi %parallel_loop3A_195, %parallel_loop3A_196 : i32
      %parallel_loop3A_198 = arith.constant 16 : i32
      %parallel_loop3A_199 = arith.muli %parallel_loop3A_197, %parallel_loop3A_198 : i32
      %parallel_loop3A_200 = arith.index_cast %parallel_loop3A_199 : i32 to index
      %parallel_loop3A_201 = tpu.vector_load %arg17[%parallel_loop3A_200] {strides = array<i32>} : memref<4224xf32, #tpu.memory_space<vmem>>, vector<16xf32>,
      %parallel_loop3A_202 = arith.constant 6 : i32
      %parallel_loop3A_203 = vector.broadcast %parallel_loop3A_202 : i32 to vector<16xi32>
      %parallel_loop3A_204 = arith.cmpi eq, %iota3A_85, %parallel_loop3A_203 : vector<16xi32>
      %parallel_loop3A_205 = arith.constant true
      %parallel_loop3A_206 = vector.broadcast %parallel_loop3A_205 : i1 to vector<16xi1>
      %parallel_loop3A_207 = tpu.scan <sum>, %parallel_loop3A_201 masked %parallel_loop3A_206 : vector<16xf32>, vector<16xi1> -> vector<16xf32>
      %parallel_loop3A_208 = vector.extract %parallel_loop3A_207[15] : f32 from vector<16xf32>
      %parallel_loop3A_209 = vector.broadcast %parallel_loop3A_208 : f32 to vector<16xf32>
      %parallel_loop3A_210 = arith.select %parallel_loop3A_204, %parallel_loop3A_209, %parallel_loop3A_193 : vector<16xi1>, vector<16xf32>
      %parallel_loop3A_211 = arith.constant 16 : i32
      %parallel_loop3A_212 = arith.muli %parallel_loop3A_89, %parallel_loop3A_211 : i32
      %parallel_loop3A_213 = arith.constant 7 : i32
      %parallel_loop3A_214 = arith.addi %parallel_loop3A_212, %parallel_loop3A_213 : i32
      %parallel_loop3A_215 = arith.constant 16 : i32
      %parallel_loop3A_216 = arith.muli %parallel_loop3A_214, %parallel_loop3A_215 : i32
      %parallel_loop3A_217 = arith.index_cast %parallel_loop3A_216 : i32 to index
      %parallel_loop3A_218 = tpu.vector_load %arg17[%parallel_loop3A_217] {strides = array<i32>} : memref<4224xf32, #tpu.memory_space<vmem>>, vector<16xf32>,
      %parallel_loop3A_219 = arith.constant 7 : i32
      %parallel_loop3A_220 = vector.broadcast %parallel_loop3A_219 : i32 to vector<16xi32>
      %parallel_loop3A_221 = arith.cmpi eq, %iota3A_85, %parallel_loop3A_220 : vector<16xi32>
      %parallel_loop3A_222 = arith.constant true
      %parallel_loop3A_223 = vector.broadcast %parallel_loop3A_222 : i1 to vector<16xi1>
      %parallel_loop3A_224 = tpu.scan <sum>, %parallel_loop3A_218 masked %parallel_loop3A_223 : vector<16xf32>, vector<16xi1> -> vector<16xf32>
      %parallel_loop3A_225 = vector.extract %parallel_loop3A_224[15] : f32 from vector<16xf32>
      %parallel_loop3A_226 = vector.broadcast %parallel_loop3A_225 : f32 to vector<16xf32>
      %parallel_loop3A_227 = arith.select %parallel_loop3A_221, %parallel_loop3A_226, %parallel_loop3A_210 : vector<16xi1>, vector<16xf32>
      %parallel_loop3A_228 = arith.constant 16 : i32
      %parallel_loop3A_229 = arith.muli %parallel_loop3A_89, %parallel_loop3A_228 : i32
      %parallel_loop3A_230 = arith.constant 8 : i32
      %parallel_loop3A_231 = arith.addi %parallel_loop3A_229, %parallel_loop3A_230 : i32
      %parallel_loop3A_232 = arith.constant 16 : i32
      %parallel_loop3A_233 = arith.muli %parallel_loop3A_231, %parallel_loop3A_232 : i32
      %parallel_loop3A_234 = arith.index_cast %parallel_loop3A_233 : i32 to index
      %parallel_loop3A_235 = tpu.vector_load %arg17[%parallel_loop3A_234] {strides = array<i32>} : memref<4224xf32, #tpu.memory_space<vmem>>, vector<16xf32>,
      %parallel_loop3A_236 = arith.constant 8 : i32
      %parallel_loop3A_237 = vector.broadcast %parallel_loop3A_236 : i32 to vector<16xi32>
      %parallel_loop3A_238 = arith.cmpi eq, %iota3A_85, %parallel_loop3A_237 : vector<16xi32>
      %parallel_loop3A_239 = arith.constant true
      %parallel_loop3A_240 = vector.broadcast %parallel_loop3A_239 : i1 to vector<16xi1>
      %parallel_loop3A_241 = tpu.scan <sum>, %parallel_loop3A_235 masked %parallel_loop3A_240 : vector<16xf32>, vector<16xi1> -> vector<16xf32>
      %parallel_loop3A_242 = vector.extract %parallel_loop3A_241[15] : f32 from vector<16xf32>
      %parallel_loop3A_243 = vector.broadcast %parallel_loop3A_242 : f32 to vector<16xf32>
      %parallel_loop3A_244 = arith.select %parallel_loop3A_238, %parallel_loop3A_243, %parallel_loop3A_227 : vector<16xi1>, vector<16xf32>
      %parallel_loop3A_245 = arith.constant 16 : i32
      %parallel_loop3A_246 = arith.muli %parallel_loop3A_89, %parallel_loop3A_245 : i32
      %parallel_loop3A_247 = arith.constant 9 : i32
      %parallel_loop3A_248 = arith.addi %parallel_loop3A_246, %parallel_loop3A_247 : i32
      %parallel_loop3A_249 = arith.constant 16 : i32
      %parallel_loop3A_250 = arith.muli %parallel_loop3A_248, %parallel_loop3A_249 : i32
      %parallel_loop3A_251 = arith.index_cast %parallel_loop3A_250 : i32 to index
      %parallel_loop3A_252 = tpu.vector_load %arg17[%parallel_loop3A_251] {strides = array<i32>} : memref<4224xf32, #tpu.memory_space<vmem>>, vector<16xf32>,
      %parallel_loop3A_253 = arith.constant 9 : i32
      %parallel_loop3A_254 = vector.broadcast %parallel_loop3A_253 : i32 to vector<16xi32>
      %parallel_loop3A_255 = arith.cmpi eq, %iota3A_85, %parallel_loop3A_254 : vector<16xi32>
      %parallel_loop3A_256 = arith.constant true
      %parallel_loop3A_257 = vector.broadcast %parallel_loop3A_256 : i1 to vector<16xi1>
      %parallel_loop3A_258 = tpu.scan <sum>, %parallel_loop3A_252 masked %parallel_loop3A_257 : vector<16xf32>, vector<16xi1> -> vector<16xf32>
      %parallel_loop3A_259 = vector.extract %parallel_loop3A_258[15] : f32 from vector<16xf32>
      %parallel_loop3A_260 = vector.broadcast %parallel_loop3A_259 : f32 to vector<16xf32>
      %parallel_loop3A_261 = arith.select %parallel_loop3A_255, %parallel_loop3A_260, %parallel_loop3A_244 : vector<16xi1>, vector<16xf32>
      %parallel_loop3A_262 = arith.constant 16 : i32
      %parallel_loop3A_263 = arith.muli %parallel_loop3A_89, %parallel_loop3A_262 : i32
      %parallel_loop3A_264 = arith.constant 10 : i32
      %parallel_loop3A_265 = arith.addi %parallel_loop3A_263, %parallel_loop3A_264 : i32
      %parallel_loop3A_266 = arith.constant 16 : i32
      %parallel_loop3A_267 = arith.muli %parallel_loop3A_265, %parallel_loop3A_266 : i32
      %parallel_loop3A_268 = arith.index_cast %parallel_loop3A_267 : i32 to index
      %parallel_loop3A_269 = tpu.vector_load %arg17[%parallel_loop3A_268] {strides = array<i32>} : memref<4224xf32, #tpu.memory_space<vmem>>, vector<16xf32>,
      %parallel_loop3A_270 = arith.constant 10 : i32
      %parallel_loop3A_271 = vector.broadcast %parallel_loop3A_270 : i32 to vector<16xi32>
      %parallel_loop3A_272 = arith.cmpi eq, %iota3A_85, %parallel_loop3A_271 : vector<16xi32>
      %parallel_loop3A_273 = arith.constant true
      %parallel_loop3A_274 = vector.broadcast %parallel_loop3A_273 : i1 to vector<16xi1>
      %parallel_loop3A_275 = tpu.scan <sum>, %parallel_loop3A_269 masked %parallel_loop3A_274 : vector<16xf32>, vector<16xi1> -> vector<16xf32>
      %parallel_loop3A_276 = vector.extract %parallel_loop3A_275[15] : f32 from vector<16xf32>
      %parallel_loop3A_277 = vector.broadcast %parallel_loop3A_276 : f32 to vector<16xf32>
      %parallel_loop3A_278 = arith.select %parallel_loop3A_272, %parallel_loop3A_277, %parallel_loop3A_261 : vector<16xi1>, vector<16xf32>
      %parallel_loop3A_279 = arith.constant 16 : i32
      %parallel_loop3A_280 = arith.muli %parallel_loop3A_89, %parallel_loop3A_279 : i32
      %parallel_loop3A_281 = arith.constant 11 : i32
      %parallel_loop3A_282 = arith.addi %parallel_loop3A_280, %parallel_loop3A_281 : i32
      %parallel_loop3A_283 = arith.constant 16 : i32
      %parallel_loop3A_284 = arith.muli %parallel_loop3A_282, %parallel_loop3A_283 : i32
      %parallel_loop3A_285 = arith.index_cast %parallel_loop3A_284 : i32 to index
      %parallel_loop3A_286 = tpu.vector_load %arg17[%parallel_loop3A_285] {strides = array<i32>} : memref<4224xf32, #tpu.memory_space<vmem>>, vector<16xf32>,
      %parallel_loop3A_287 = arith.constant 11 : i32
      %parallel_loop3A_288 = vector.broadcast %parallel_loop3A_287 : i32 to vector<16xi32>
      %parallel_loop3A_289 = arith.cmpi eq, %iota3A_85, %parallel_loop3A_288 : vector<16xi32>
      %parallel_loop3A_290 = arith.constant true
      %parallel_loop3A_291 = vector.broadcast %parallel_loop3A_290 : i1 to vector<16xi1>
      %parallel_loop3A_292 = tpu.scan <sum>, %parallel_loop3A_286 masked %parallel_loop3A_291 : vector<16xf32>, vector<16xi1> -> vector<16xf32>
      %parallel_loop3A_293 = vector.extract %parallel_loop3A_292[15] : f32 from vector<16xf32>
      %parallel_loop3A_294 = vector.broadcast %parallel_loop3A_293 : f32 to vector<16xf32>
      %parallel_loop3A_295 = arith.select %parallel_loop3A_289, %parallel_loop3A_294, %parallel_loop3A_278 : vector<16xi1>, vector<16xf32>
      %parallel_loop3A_296 = arith.constant 16 : i32
      %parallel_loop3A_297 = arith.muli %parallel_loop3A_89, %parallel_loop3A_296 : i32
      %parallel_loop3A_298 = arith.constant 12 : i32
      %parallel_loop3A_299 = arith.addi %parallel_loop3A_297, %parallel_loop3A_298 : i32
      %parallel_loop3A_300 = arith.constant 16 : i32
      %parallel_loop3A_301 = arith.muli %parallel_loop3A_299, %parallel_loop3A_300 : i32
      %parallel_loop3A_302 = arith.index_cast %parallel_loop3A_301 : i32 to index
      %parallel_loop3A_303 = tpu.vector_load %arg17[%parallel_loop3A_302] {strides = array<i32>} : memref<4224xf32, #tpu.memory_space<vmem>>, vector<16xf32>,
      %parallel_loop3A_304 = arith.constant 12 : i32
      %parallel_loop3A_305 = vector.broadcast %parallel_loop3A_304 : i32 to vector<16xi32>
      %parallel_loop3A_306 = arith.cmpi eq, %iota3A_85, %parallel_loop3A_305 : vector<16xi32>
      %parallel_loop3A_307 = arith.constant true
      %parallel_loop3A_308 = vector.broadcast %parallel_loop3A_307 : i1 to vector<16xi1>
      %parallel_loop3A_309 = tpu.scan <sum>, %parallel_loop3A_303 masked %parallel_loop3A_308 : vector<16xf32>, vector<16xi1> -> vector<16xf32>
      %parallel_loop3A_310 = vector.extract %parallel_loop3A_309[15] : f32 from vector<16xf32>
      %parallel_loop3A_311 = vector.broadcast %parallel_loop3A_310 : f32 to vector<16xf32>
      %parallel_loop3A_312 = arith.select %parallel_loop3A_306, %parallel_loop3A_311, %parallel_loop3A_295 : vector<16xi1>, vector<16xf32>
      %parallel_loop3A_313 = arith.constant 16 : i32
      %parallel_loop3A_314 = arith.muli %parallel_loop3A_89, %parallel_loop3A_313 : i32
      %parallel_loop3A_315 = arith.constant 13 : i32
      %parallel_loop3A_316 = arith.addi %parallel_loop3A_314, %parallel_loop3A_315 : i32
      %parallel_loop3A_317 = arith.constant 16 : i32
      %parallel_loop3A_318 = arith.muli %parallel_loop3A_316, %parallel_loop3A_317 : i32
      %parallel_loop3A_319 = arith.index_cast %parallel_loop3A_318 : i32 to index
      %parallel_loop3A_320 = tpu.vector_load %arg17[%parallel_loop3A_319] {strides = array<i32>} : memref<4224xf32, #tpu.memory_space<vmem>>, vector<16xf32>,
      %parallel_loop3A_321 = arith.constant 13 : i32
      %parallel_loop3A_322 = vector.broadcast %parallel_loop3A_321 : i32 to vector<16xi32>
      %parallel_loop3A_323 = arith.cmpi eq, %iota3A_85, %parallel_loop3A_322 : vector<16xi32>
      %parallel_loop3A_324 = arith.constant true
      %parallel_loop3A_325 = vector.broadcast %parallel_loop3A_324 : i1 to vector<16xi1>
      %parallel_loop3A_326 = tpu.scan <sum>, %parallel_loop3A_320 masked %parallel_loop3A_325 : vector<16xf32>, vector<16xi1> -> vector<16xf32>
      %parallel_loop3A_327 = vector.extract %parallel_loop3A_326[15] : f32 from vector<16xf32>
      %parallel_loop3A_328 = vector.broadcast %parallel_loop3A_327 : f32 to vector<16xf32>
      %parallel_loop3A_329 = arith.select %parallel_loop3A_323, %parallel_loop3A_328, %parallel_loop3A_312 : vector<16xi1>, vector<16xf32>
      %parallel_loop3A_330 = arith.constant 16 : i32
      %parallel_loop3A_331 = arith.muli %parallel_loop3A_89, %parallel_loop3A_330 : i32
      %parallel_loop3A_332 = arith.constant 14 : i32
      %parallel_loop3A_333 = arith.addi %parallel_loop3A_331, %parallel_loop3A_332 : i32
      %parallel_loop3A_334 = arith.constant 16 : i32
      %parallel_loop3A_335 = arith.muli %parallel_loop3A_333, %parallel_loop3A_334 : i32
      %parallel_loop3A_336 = arith.index_cast %parallel_loop3A_335 : i32 to index
      %parallel_loop3A_337 = tpu.vector_load %arg17[%parallel_loop3A_336] {strides = array<i32>} : memref<4224xf32, #tpu.memory_space<vmem>>, vector<16xf32>,
      %parallel_loop3A_338 = arith.constant 14 : i32
      %parallel_loop3A_339 = vector.broadcast %parallel_loop3A_338 : i32 to vector<16xi32>
      %parallel_loop3A_340 = arith.cmpi eq, %iota3A_85, %parallel_loop3A_339 : vector<16xi32>
      %parallel_loop3A_341 = arith.constant true
      %parallel_loop3A_342 = vector.broadcast %parallel_loop3A_341 : i1 to vector<16xi1>
      %parallel_loop3A_343 = tpu.scan <sum>, %parallel_loop3A_337 masked %parallel_loop3A_342 : vector<16xf32>, vector<16xi1> -> vector<16xf32>
      %parallel_loop3A_344 = vector.extract %parallel_loop3A_343[15] : f32 from vector<16xf32>
      %parallel_loop3A_345 = vector.broadcast %parallel_loop3A_344 : f32 to vector<16xf32>
      %parallel_loop3A_346 = arith.select %parallel_loop3A_340, %parallel_loop3A_345, %parallel_loop3A_329 : vector<16xi1>, vector<16xf32>
      %parallel_loop3A_347 = arith.constant 16 : i32
      %parallel_loop3A_348 = arith.muli %parallel_loop3A_89, %parallel_loop3A_347 : i32
      %parallel_loop3A_349 = arith.constant 15 : i32
      %parallel_loop3A_350 = arith.addi %parallel_loop3A_348, %parallel_loop3A_349 : i32
      %parallel_loop3A_351 = arith.constant 16 : i32
      %parallel_loop3A_352 = arith.muli %parallel_loop3A_350, %parallel_loop3A_351 : i32
      %parallel_loop3A_353 = arith.index_cast %parallel_loop3A_352 : i32 to index
      %parallel_loop3A_354 = tpu.vector_load %arg17[%parallel_loop3A_353] {strides = array<i32>} : memref<4224xf32, #tpu.memory_space<vmem>>, vector<16xf32>,
      %parallel_loop3A_355 = arith.constant 15 : i32
      %parallel_loop3A_356 = vector.broadcast %parallel_loop3A_355 : i32 to vector<16xi32>
      %parallel_loop3A_357 = arith.cmpi eq, %iota3A_85, %parallel_loop3A_356 : vector<16xi32>
      %parallel_loop3A_358 = arith.constant true
      %parallel_loop3A_359 = vector.broadcast %parallel_loop3A_358 : i1 to vector<16xi1>
      %parallel_loop3A_360 = tpu.scan <sum>, %parallel_loop3A_354 masked %parallel_loop3A_359 : vector<16xf32>, vector<16xi1> -> vector<16xf32>
      %parallel_loop3A_361 = vector.extract %parallel_loop3A_360[15] : f32 from vector<16xf32>
      %parallel_loop3A_362 = vector.broadcast %parallel_loop3A_361 : f32 to vector<16xf32>
      %parallel_loop3A_363 = arith.select %parallel_loop3A_357, %parallel_loop3A_362, %parallel_loop3A_346 : vector<16xi1>, vector<16xf32>
      %parallel_loop3A_364 = arith.constant 16 : i32
      %parallel_loop3A_365 = arith.muli %parallel_loop3A_89, %parallel_loop3A_364 : i32
      %parallel_loop3A_366 = arith.constant 512 : i32
      %parallel_loop3A_367 = arith.addi %parallel_loop3A_366, %parallel_loop3A_365 : i32
      %parallel_loop3A_368 = arith.index_cast %parallel_loop3A_367 : i32 to index
      %parallel_loop3A_369 = tpu.vector_load %arg18[%parallel_loop3A_368] {strides = array<i32>} : memref<768xf32, #tpu.memory_space<vmem>>, vector<16xf32>,
      tpu.vector_store %arg18[%parallel_loop3A_368], %parallel_loop3A_363 {strides = array<i32>} : memref<768xf32, #tpu.memory_space<vmem>>, vector<16xf32>,
    } {sc.loop_unroll_factor = 1 : i64, sc.parallel_access}
    "tpu.region"() ({
      %run_scoped3A = tpu.sem_alloc : memref<!tpu.dma_semaphore, #tpu.memory_space<semaphore_mem>>
      %dma_start3A_89 = arith.constant 0 : i32
      %dma_start3A_90 = tpu.memref_slice %arg8[%add3A, %dma_start3A_89] : memref<32x768xf32, #tpu.memory_space<hbm>> -> memref<1x768xf32, #tpu.memory_space<hbm>>
      %dma_start3A_91 = tpu.memref_squeeze %dma_start3A_90 : memref<1x768xf32, #tpu.memory_space<hbm>> -> memref<768xf32, #tpu.memory_space<hbm>>
      %dma_start3A_92 = arith.constant 0 : i32
      %dma_start3A_93 = tpu.memref_slice %arg8[%add3A, %dma_start3A_92] : memref<32x768xf32, #tpu.memory_space<hbm>> -> memref<1x768xf32, #tpu.memory_space<hbm>>
      %dma_start3A_94 = tpu.memref_squeeze %dma_start3A_93 : memref<1x768xf32, #tpu.memory_space<hbm>> -> memref<768xf32, #tpu.memory_space<hbm>>
      tpu.enqueue_dma source(%arg18 : memref<768xf32, #tpu.memory_space<vmem>>) target(%dma_start3A_94 : memref<768xf32, #tpu.memory_space<hbm>>) target_semaphore(%run_scoped3A : memref<!tpu.dma_semaphore, #tpu.memory_space<semaphore_mem>>)
      %dma_wait3A_95 = arith.constant 0 : i32
      %dma_wait3A_96 = tpu.memref_slice %arg8[%add3A, %dma_wait3A_95] : memref<32x768xf32, #tpu.memory_space<hbm>> -> memref<1x768xf32, #tpu.memory_space<hbm>>
      %dma_wait3A_97 = tpu.memref_squeeze %dma_wait3A_96 : memref<1x768xf32, #tpu.memory_space<hbm>> -> memref<768xf32, #tpu.memory_space<hbm>>
      %dma_wait3A_98 = arith.constant 0 : i32
      %dma_wait3A_99 = tpu.memref_slice %arg8[%add3A, %dma_wait3A_98] : memref<32x768xf32, #tpu.memory_space<hbm>> -> memref<1x768xf32, #tpu.memory_space<hbm>>
      %dma_wait3A_100 = tpu.memref_squeeze %dma_wait3A_99 : memref<1x768xf32, #tpu.memory_space<hbm>> -> memref<768xf32, #tpu.memory_space<hbm>>
      tpu.wait_dma2 semaphore(%run_scoped3A : memref<!tpu.dma_semaphore, #tpu.memory_space<semaphore_mem>>) src(%arg18 : memref<768xf32, #tpu.memory_space<vmem>>) dst(%dma_wait3A_100 : memref<768xf32, #tpu.memory_space<hbm>>)
      tpu.yield
    }) : () -> ()
    return
  }
}

module attributes {stable_mosaic.version = 14 : i64} {
  func.func @_fin_body(%arg0: memref<32x768xf32, #tpu.memory_space<vmem>>, %arg1: memref<1x128xf32, #tpu.memory_space<vmem>>) attributes {dimension_semantics = [], scalar_prefetch = 0 : i64, scratch_operands = 0 : i64, tpu.core_type = #tpu.core_type<tc>} {
    %get3A = arith.constant 0 : index
    %get3A_0 = arith.constant 0 : index
    %get3A_1 = vector.load %arg0[%get3A, %get3A_0] : memref<32x768xf32, #tpu.memory_space<vmem>>, vector<32x768xf32>
    %reduce_sum3A = arith.constant dense<0.000000e+00> : vector<768xf32>
    %reduce_sum3A_2 = vector.multi_reduction <add>, %get3A_1, %reduce_sum3A [0] : vector<32x768xf32> to vector<768xf32>
    %broadcast_in_dim3A = vector.shape_cast %reduce_sum3A_2 : vector<768xf32> to vector<1x768xf32>
    %slice3A = vector.extract_strided_slice %broadcast_in_dim3A {offsets = [0, 0], sizes = [1, 256], strides = [1, 1]} : vector<1x768xf32> to vector<1x256xf32>
    %slice3A_3 = vector.extract_strided_slice %broadcast_in_dim3A {offsets = [0, 256], sizes = [1, 256], strides = [1, 1]} : vector<1x768xf32> to vector<1x256xf32>
    %slice3A_4 = vector.extract_strided_slice %broadcast_in_dim3A {offsets = [0, 512], sizes = [1, 256], strides = [1, 1]} : vector<1x768xf32> to vector<1x256xf32>
    %max3A = arith.constant 1.000000e+00 : f32
    %max3A_5 = vector.broadcast %max3A : f32 to vector<1x256xf32>
    %max3A_6 = arith.maximumf %slice3A_4, %max3A_5 : vector<1x256xf32>
    %div3A = arith.divf %slice3A_3, %max3A_6 : vector<1x256xf32>
    %sqrt3A = math.sqrt %div3A : vector<1x256xf32>
    %reduce_sum3A_7 = vector.shape_cast %sqrt3A : vector<1x256xf32> to vector<1x1x256xf32>
    %reduce_sum3A_8 = arith.constant dense<0.000000e+00> : vector<1xf32>
    %reduce_sum3A_9 = vector.multi_reduction <add>, %reduce_sum3A_7, %reduce_sum3A_8 [1, 2] : vector<1x1x256xf32> to vector<1xf32>
    %reduce_sum3A_10 = vector.shape_cast %reduce_sum3A_9 : vector<1xf32> to vector<1x1x1xf32>
    %reduce_sum3A_11 = vector.extract %reduce_sum3A_10[0, 0, 0] : f32 from vector<1x1x1xf32>
    %div3A_12 = arith.constant 2.560000e+02 : f32
    %div3A_13 = arith.divf %reduce_sum3A_11, %div3A_12 : f32
    %sqrt3A_14 = math.sqrt %slice3A : vector<1x256xf32>
    %reduce_sum3A_15 = vector.shape_cast %sqrt3A_14 : vector<1x256xf32> to vector<1x1x256xf32>
    %reduce_sum3A_16 = arith.constant dense<0.000000e+00> : vector<1xf32>
    %reduce_sum3A_17 = vector.multi_reduction <add>, %reduce_sum3A_15, %reduce_sum3A_16 [1, 2] : vector<1x1x256xf32> to vector<1xf32>
    %reduce_sum3A_18 = vector.shape_cast %reduce_sum3A_17 : vector<1xf32> to vector<1x1x1xf32>
    %reduce_sum3A_19 = vector.extract %reduce_sum3A_18[0, 0, 0] : f32 from vector<1x1x1xf32>
    %div3A_20 = arith.constant 2.560000e+02 : f32
    %div3A_21 = arith.divf %reduce_sum3A_19, %div3A_20 : f32
    %iota3A = tpu.iota {dimensions = array<i32: 1>} : vector<1x128xi32>
    %eq3A = arith.constant 0 : i32
    %eq3A_22 = vector.broadcast %eq3A : i32 to vector<1x128xi32>
    %eq3A_23 = arith.cmpi eq, %iota3A, %eq3A_22 : vector<1x128xi32>
    %eq3A_24 = arith.constant 1 : i32
    %eq3A_25 = vector.broadcast %eq3A_24 : i32 to vector<1x128xi32>
    %eq3A_26 = arith.cmpi eq, %iota3A, %eq3A_25 : vector<1x128xi32>
    %jit3A = arith.constant 0.000000e+00 : f32
    %broadcast_in_dim3A_27 = vector.broadcast %div3A_21 : f32 to vector<1x128xf32>
    %broadcast_in_dim3A_28 = vector.broadcast %jit3A : f32 to vector<1x128xf32>
    %select_n3A = arith.select %eq3A_26, %broadcast_in_dim3A_27, %broadcast_in_dim3A_28 : vector<1x128xi1>, vector<1x128xf32>
    %broadcast_in_dim3A_29 = vector.broadcast %div3A_13 : f32 to vector<1x128xf32>
    %select_n3A_30 = arith.select %eq3A_23, %broadcast_in_dim3A_29, %select_n3A : vector<1x128xi1>, vector<1x128xf32>
    %swap3A = arith.constant 0 : index
    %swap3A_31 = arith.constant 0 : index
    %swap3A_32 = vector.load %arg1[%swap3A, %swap3A_31] : memref<1x128xf32, #tpu.memory_space<vmem>>, vector<1x128xf32>
    tpu.vector_store %arg1[%swap3A, %swap3A_31], %select_n3A_30 {strides = array<i32>} : memref<1x128xf32, #tpu.memory_space<vmem>>, vector<1x128xf32>,
    return
  }
}

</mosaic_0001>

<sc_bundles>
// kernel: kernel.4.cloned.1.call-start
scs
__scs_entry_jumppad:
0x0: {  	(pc) =	sbr.rel $0x88, $3  }
0x1: {  	(tag) =	ssettag $0x0;
	lr =	simm.s32 $0x1  }
0x2: {  	[smem:$0x3F9B] =	sst lr;
	_ =	strace $0xD0000000  }
0x3: {  	_ = 	snop  }
0x4: {  	_ = 	snop  }
0x5: {  	_ = 	snop  }
0x6: {  	_ = 	snop  }
0x7: {  	_ = 	snop  }
__scs_overlays_trampoline_lowered:
0x8: {  	[smem:$0x3FAA] =	sst s0  }
0x9: {  	[smem:$0x3FAB] =	sst s1  }
0xa: {  	[smem:$0x3FAC] =	sst s2  }
0xb: {  	[smem:$0x3FAD] =	sst s3  }
0xc: {  	[smem:$0x3FAE] =	sst s4  }
0xd: {  	[smem:$0x3FAF] =	sst s5  }
0xe: {  	[smem:$0x3FB0] =	sst s6  }
0xf: {  	[smem:$0x3FB1] =	sst s7  }
0x10: {  	[smem:$0x3FB2] =	sst s8  }
0x11: {  	[smem:$0x3FB3] =	sst s9;
	s0 =	simm.s32 @!p0 $0x0  }
0x12: {  	s1 =	sld [smem:$0x3F99];
	s0 =	simm.s32 @p0 $0x1  }
0x13: {  	[smem:$0x3FB4] =	sst s0;
	s0 =	simm.s32 @!p1 $0x0  }
0x14: {  	s2 =	sld [smem:$0x3F98];
	s0 =	simm.s32 @p1 $0x1  }
0x15: {  	[smem:$0x3FB5] =	sst s0;
	s0 =	simm.s32 @!p2 $0x0  }
0x16: {  	s3 =	sld [smem:$0x3FDB];
	s0 =	simm.s32 @p2 $0x1  }
0x17: {  	s4 =	simm.s32 $0x1BF5;
	[smem:$0x3FB7] =	sst s0  }
0x18: {  	s0 =	sld [smem:$0x3F9A];
	_ =	swait.ge [sflag:s4], $0x0  }
0x19: {  	s7 =	sld [smem:$0x3F9B]  }
0x1a: {  	s8 =	sadd.s32 $0xFFFFE003, lr  }
0x1b: {  	s9 =	sadd.s32 $0xFFFFFEF7, lr;
	s5 =	simm.s32 $0xFFFFFFFF;
	p2 =	slt.u32 s8, $0xFFFFF086  }
0x1c: {  	p1 =	slt.u32 s9, $0xF7A;
	s5 =	simm.s32 @!p2 $0x0  }
0x1d: {  	s5 =	simm.s32 @p1 $0x1;
	p0 =	seq.s32 s7, s2  }
0x1e: {  	s7 =	smul.u32 @!p0 $0xF7A, s2;
	p2 =	seq.s32 @!p0 s5, $0x0  }
0x1f: {  	s9 =	smul.u32 $0xF7A, s1;
	s8 =	simm.s32 @!p0 $0x1BF5;
	p2 =	por !p2, p0  }
0x20: {  	[sflag:s8] =	ssyncset.s32 @!p0 $0xFFFFF086;
	s6 =	sadd.s32 @!p0 s3, s7;
	s7 =	simm.s32 @!p0 $0x108  }
0x21: {  	s3 =	sadd.s32 s3, s9;
	s6 =	sadd.s32 @!p0 $0x88, s6;
	s7 =	simm.s32 @p2 $0x1082  }
0x22: {  	[simem:s7], [sflag:s8] =	dma.local @!p0 [hbm:s6], $0xF7A  }
0x23: {  	s9 =	sor.u32 $0xD0000000, s2;
	s6 =	simm.s32 $0x108;
	_ =	swait.ge @!p0 [sflag:s8], $0x0  }
0x24: {  	s3 =	sadd.s32 $0x88, s3;
	s6 =	simm.s32 @!p1 $0x1082;
	[sflag:s4] =	ssyncset.s32 $0xFFFFF086  }
0x25: {  	[simem:s6], [sflag:s4] =	dma.local [hbm:s3], $0xF7A  }
0x26: {  	[smem:$0x3F9B] =	sst s1;
	(tag) =	ssettag s2;
	_ =	strace s9  }
0x27: {  	s1 =	sld [smem:$0x3FAB]  }
0x28: {  	s2 =	sld [smem:$0x3FAC]  }
0x29: {  	s4 =	sld [smem:$0x3FAE]  }
0x2a: {  	p0 =	seq.s32 s5, $0x0;
	s5 =	sld [smem:$0x3FAF]  }
0x2b: {  	s6 =	sld [smem:$0x3FB0]  }
0x2c: {  	s7 =	sld [smem:$0x3FB1]  }
0x2d: {  	s3 =	simm.s32 $0x108;
	s8 =	sld [smem:$0x3FB2]  }
0x2e: {  	s3 =	simm.s32 @!p0 $0x1082;
	s9 =	sld [smem:$0x3FB3]  }
0x2f: {  	lr =	sadd.s32 s0, s3;
	s0 =	sld [smem:$0x3FAA]  }
0x30: {  	s3 =	sld [smem:$0x3FAD]  }
0x31: {  	[smem:$0x3FB6] =	sst s10  }
0x32: {  	s10 =	sld [smem:$0x3FB4];
	_ =	sdelay $0x3  }
0x33: {  	p0 =	seq.s32 s10, $0x1;
	s10 =	sld [smem:$0x3FB6];
	_ =	sdelay $0x3  }
0x34: {  	[smem:$0x3FB6] =	sst s10  }
0x35: {  	s10 =	sld [smem:$0x3FB5];
	_ =	sdelay $0x3  }
0x36: {  	p1 =	seq.s32 s10, $0x1;
	s10 =	sld [smem:$0x3FB6];
	_ =	sdelay $0x3  }
0x37: {  	[smem:$0x3FB6] =	sst s10  }
0x38: {  	s10 =	sld [smem:$0x3FB7]  }
0x39: {  	_ = 	snop;
	(pc) =	sbr.ind lr, $3  }
0x3a: {  	_ = 	snop  }
0x3b: {  	_ = 	snop  }
0x3c: {  	p2 =	seq.s32 s10, $0x1;
	s10 =	sld [smem:$0x3FB6]  }
0x3d: {  	_ =	shalt  }
0x3e: {  	_ =	shalt  }
0x3f: {  	_ =	shalt  }
0x40: {  	_ =	shalt  }
0x41: {  	_ =	shalt  }
0x42: {  	_ =	shalt  }
0x43: {  	_ =	shalt  }
0x44: {  	_ =	shalt  }
0x45: {  	_ =	shalt  }
0x46: {  	_ =	shalt  }
0x47: {  	_ =	shalt  }
0x48: {  	_ =	shalt  }
0x49: {  	_ =	shalt  }
0x4a: {  	_ =	shalt  }
0x4b: {  	_ =	shalt  }
0x4c: {  	_ =	shalt  }
0x4d: {  	_ =	shalt  }
0x4e: {  	_ =	shalt  }
0x4f: {  	_ =	shalt  }
0x50: {  	_ =	shalt  }
0x51: {  	_ =	shalt  }
0x52: {  	_ =	shalt  }
0x53: {  	_ =	shalt  }
0x54: {  	_ =	shalt  }
0x55: {  	_ =	shalt  }
0x56: {  	_ =	shalt  }
0x57: {  	_ =	shalt  }
0x58: {  	_ =	shalt  }
0x59: {  	_ =	shalt  }
0x5a: {  	_ =	shalt  }
0x5b: {  	_ =	shalt  }
0x5c: {  	_ =	shalt  }
0x5d: {  	_ =	shalt  }
0x5e: {  	_ =	shalt  }
0x5f: {  	_ =	shalt  }
0x60: {  	_ =	shalt  }
0x61: {  	_ =	shalt  }
0x62: {  	_ =	shalt  }
0x63: {  	_ =	shalt  }
0x64: {  	_ =	shalt  }
0x65: {  	_ =	shalt  }
0x66: {  	_ =	shalt  }
0x67: {  	_ =	shalt  }
0x68: {  	_ =	shalt  }
0x69: {  	_ =	shalt  }
0x6a: {  	_ =	shalt  }
0x6b: {  	_ =	shalt  }
0x6c: {  	_ =	shalt  }
0x6d: {  	_ =	shalt  }
0x6e: {  	_ =	shalt  }
0x6f: {  	_ =	shalt  }
0x70: {  	_ =	shalt  }
0x71: {  	_ =	shalt  }
0x72: {  	_ =	shalt  }
0x73: {  	_ =	shalt  }
0x74: {  	_ =	shalt  }
0x75: {  	_ =	shalt  }
0x76: {  	_ =	shalt  }
0x77: {  	_ =	shalt  }
0x78: {  	_ =	shalt  }
0x79: {  	_ =	shalt  }
0x7a: {  	_ =	shalt  }
0x7b: {  	_ =	shalt  }
0x7c: {  	_ =	shalt  }
0x7d: {  	_ =	shalt  }
0x7e: {  	_ =	shalt  }
0x7f: {  	_ =	shalt  }
0x80: {  	_ =	shalt  }
0x81: {  	_ =	shalt  }
0x82: {  	_ =	shalt  }
0x83: {  	_ =	shalt  }
0x84: {  	_ =	shalt  }
0x85: {  	_ =	shalt  }
0x86: {  	_ =	shalt  }
0x87: {  	_ =	shalt  }
.Lfunc_end0:
.L_simem_size_0:
called_computation_lowered:
.L_overlay_start_0:
0x88: {  	s2 =	sld [smem:$0x3FD9]  }
0x89: {  	s3 =	sld [smem:$0x3FFE];
	_ =	sdelay $0x1  }
0x8a: {  	s1 =	srdreg.scid  }
0x8b: {  	s0 =	sand.u32 $0x1, s1  }
0x8c: {  	s17 =	sshll.u32 s0, $0xA;
	s2 =	sadd.s32 s3, s2  }
0x8d: {  	s2 =	sadd.s32 s2, s17  }
0x8e: {  	[smem:$0x3FC2] =	sst s2  }
0x8f: {  	_ = 	snop  }
0x90: {  	s2 =	sld [smem:$0x3FC6]  }
0x91: {  	s18 =	sld [smem:$0x3FC5]  }
0x92: {  	s4 =	sld [smem:$0x3FC4];
	(tm) =	ssettm $0x1  }
0x93: {  	s5 =	sld [smem:$0x3FFB];
	_ =	sdelay $0x3  }
0x94: {  	_ =	strace s5  }
0x95: {  	s5 =	sld [smem:$0x3FFC];
	_ =	sdelay $0x3  }
0x96: {  	_ =	strace s5  }
0x97: {  	s5 =	sld [smem:$0x3FFD];
	_ =	sdelay $0x3  }
0x98: {  	_ =	strace s5  }
0x99: {  	_ =	strace $0x8FFFFFFF  }
0x9a: {  	s19 =	sld [smem:$0x3FDB];
	_ =	sdelay $0x1  }
0x9b: {  	s6 =	simm.s32 $_scs_section_size  }
0x9c: {  	s7 =	simm.s32 $_size__tile_overlayer_lowered;
	s8 =	simm.s32 $_tile_overlayer_lowered  }
0x9d: {  	s22 =	simm.s32 $0x1BFF;
	s21 =	sshll.u32 s8, $0x1;
	s5 =	sadd.s32 s6, s19  }
0x9e: {  	s9 =	simm.s32 $0x0;
	s20 =	sshll.u32 s7, $0x1;
	s7 =	sadd.s32 s21, s5  }
0x9f: {  	[timem:s9], [sflag:s22] =	dma.local [hbm:s7], s20  }
0xa0: {  	_ =	swait.ge [sflag:s22], s20  }
0xa1: {  	s6 =	ssub.s32 $0x0, s20;
	[sflag:s22] =	ssyncset.done $0x0  }
0xa2: {  	[sflag:s22] =	ssyncadd.s32 s6;
	_ =	sdelay $0x1  }
0xa3: {  	s23 =	simm.s32 $0x1B8B  }
0xa4: {  	_ =	swait.ge [sflag:s23], $0x1  }
0xa5: {  	[sflag:s23] =	ssyncset.done $0x0  }
0xa6: {  	s25 =	simm.s32 $0x1B8E;
	s24 =	sld [smem:$0x3FFE];
	[sflag:s23] =	ssyncadd.s32 $0xFFFFFFFF  }
0xa7: {  	s26 =	simm.s32 $execute0_lowered;
	[smem:$0x3FD2] =	sst s25  }
0xa8: {  	s7 =	sshll.u32 s26, $0x1;
	_ =	strace $0x80000046;
	[dreg:$0x1] =	wrdreg $0xFFFFFFFF  }
0xa9: {  	s28 =	simm.s32 $_size_execute0_lowered;
	s5 =	sadd.s32 s5, s7;
	[dreg:$0x0] =	wrdreg $0x0  }
0xaa: {  	s7 =	sshll.u32 s28, $0x1;
	[dreg:$0x2] =	wrdreg s5  }
0xab: {  	[dreg:$0x3] =	wrdreg s7  }
0xac: {  	[dreg:$0x4] =	wrdreg $0xC0  }
0xad: {  	_ =	task [dreg:s9], $0x5FFFF  }
0xae: {  	[dreg:$0x1] =	wrdreg $0xFFFFFFFF  }
0xaf: {  	[dreg:$0x0] =	wrdreg $0x60  }
0xb0: {  	[dreg:$0x2] =	wrdreg s2  }
0xb1: {  	[dreg:$0x3] =	wrdreg s18  }
0xb2: {  	[dreg:$0x4] =	wrdreg s4  }
0xb3: {  	[dreg:$0x5] =	wrdreg s24  }
0xb4: {  	[dreg:$0x6] =	wrdreg $0x9  }
0xb5: {  	_ =	task.clear_ibuf [dreg:s9], $0x7FFFF;
	_ =	strace $0x90000046  }
0xb6: {  	s29 =	simm.s32 $0x9;
	_ =	strace $0x80000048  }
0xb7: {  	_ =	swait.ge [sflag:s29], $0x1  }
0xb8: {  	[sflag:s29] =	ssyncadd.s32 $0xFFFFFFFF  }
0xb9: {  	_ =	strace $0x90000048  }
0xba: {  	_ =	sfence  }
0xbb: {  	s30 =	sld [smem:$0x0];
	_ =	sdelay $0x2  }
0xbc: {  	s31 =	sshll.u32 s1, $0xD;
	s1 =	sshrl.u32 s1, $0x2  }
0xbd: {  	s3 =	sand.u32 $0x4000, s31;
	s1 =	sadd.s32 s1, s30  }
0xbe: {  	s0 =	sor.u32 s3, s0;
	s1 =	sshll.u32 s1, $0x11  }
0xbf: {  	s0 =	sor.u32 s1, s0  }
0xc0: {  	s0 =	sadd.s32 $0x8F2B, s0  }
0xc1: {  	[sflag:s0] =	ssyncadd.remote.s32 $0x1  }
0xc2: {  	_ =	sfence.sel $0xFFFF  }
0xc3: {  	[dreg:$0x0] =	wrdreg $0xFFFFFFFF;
	(pc) =	sbr.abs _section_cstart, $3  }
0xc4: {  	[dreg:$0x1] =	wrdreg $0xFFFFFFFF  }
0xc5: {  	_ =	task.clear_ibuf [dreg:s9], $0x2FFFF;
	_ =	strace $0x9FFFFFFF  }
0xc6: {  	(tm) =	ssettm $0x7FFFFFFF  }
0xc7: {  	_ =	shalt  }
tec
execute0_lowered:
.L_overlay_start_1:
0x0: {  	(tag) =	ssettag $0x1  }
0x1: {  	s11 =	rddreg [dreg:$0x0]  }
0x2: {  	s2 =	rddreg [dreg:$0x1];
	s0 =	srdreg.scid  }
0x3: {  	s1 =	stileid.u32;
	s4 =	rddreg [dreg:$0x2]  }
0x4: {  	s6 =	rddreg [dreg:$0x3];
	s5 =	simm.s32 $0x0;
	s12 =	simm.s32 $0x7590  }
0x5: {  	s13 =	simm.s32 $0xC410;
	s29 =	simm.s32 $0x1;
	s30 =	simm.s32 $0x16C80  }
0x6: {  	s0 =	sand.u32 $0x1, s0;
	s3 =	sshll.u32 s1, $0x1;
	s9 =	sshrl.u32 s1, $0x2  }
0x7: {  	s31 =	simm.s32 $0x17D00;
	s3 =	sor.u32 s0, s3;
	s9 =	smul.u32 $0x1800, s9  }
0x8: {  	[smem:$0x7FF] =	sst s5;
	s0 =	ssub.s32 $0x2, s0;
	s7 =	smul.u32 $0x640, s3  }
0x9: {  	_ =	strace $0x80000047;
	s8 =	smul.u32 $0x190, s3;
	s15 =	sshrl.u32 s0, $0x1  }
0xa: {  	s10 =	sshll.u32 s3, $0x7;
	s3 =	smul.u32 $0x30D40, s3;
	s0 =	ssub.s32 s0, s15  }
0xb: {  	s10 =	sand.u32 $0x380, s10;
	s7 =	sadd.s32 s7, s6;
	s0 =	smax.u32 s0, $0x1  }
0xc: {  	s8 =	sadd.s32 s8, s6;
	s16 =	sadd.s32 $0xA00, s7;
	[dreg:$0xf] =	wrdreg s0  }
0xd: {  	s9 =	sor.u32 s9, s10;
	s17 =	sadd.s32 $0xD200, s7;
	[dreg:$0x5] =	wrdreg s16  }
0xe: {  	s19 =	sshrl.u32 s3, $0x3;
	s18 =	sadd.s32 $0x19A00, s8;
	[dreg:$0x6] =	wrdreg s17  }
0xf: {  	s15 =	sadd.s32 $0x4E20, s3;
	s20 =	sadd.s32 s11, s19;
	[dreg:$0x7] =	wrdreg s18  }
0x10: {  	s9 =	sshrl.u32 s9, $0x3;
	s21 =	sadd.s32 s2, s19;
	[dreg:$0x8] =	wrdreg s20  }
0x11: {  	v0 =	vimm.f32 $0.0e+00;
	v1 =	vlaneseq.u32;
	v2 =	vimm.f32 $1.000000000e+00;
	s22 =	sadd.s32 $0x4E2, s19;
	s23 =	sadd.s32 s4, s19;
	[dreg:$0x9] =	wrdreg s21  }
0x12: {  	vm0 =	vmmov $0x1;
	vm1 =	vmmov $0x3;
	vm2 =	vmmov $0x7;
	s0 =	simm.s32 $0x2;
	[dreg:$0xa] =	wrdreg s23;
	s24 =	sadd.s32 s11, s22  }
0x13: {  	vm3 =	vmmov $0xf;
	vm4 =	vmmov $0x1f;
	vm5 =	vmmov $0x3f;
	s7 =	simm.s32 $0x0;
	s25 =	sadd.s32 s2, s22;
	[dreg:$0xb] =	wrdreg s24  }
0x14: {  	vm6 =	vmmov $0x7f;
	vm7 =	vmmov $0xff;
	vm8 =	vmmov $0x1ff;
	s6 =	sadd.s32 s9, s6;
	s26 =	sadd.s32 s4, s22;
	[dreg:$0xc] =	wrdreg s25  }
0x15: {  	vm9 =	vmmov $0x3ff;
	vm10 =	vmmov $0x7ff;
	vm11 =	vmmov $0xfff;
	s16 =	sadd.s32 $0x7530, s3;
	[dreg:$0xd] =	wrdreg s26;
	s28 =	sadd.s32 $0x1CC00, s6  }
0x16: {  	vm12 =	vmmov $0x1fff;
	vm13 =	vmmov $0x3fff;
	vm14 =	vmmov $0x7fff;
	s11 =	simm.s32 $0x2710;
	s3 =	simm.s32 $0x15C00;
	[dreg:$0xe] =	wrdreg s28  }
.LBB2_1:
0x17: {  	[dreg:$0x10] =	wrdreg s7  }
0x18: {  	s1 =	rddreg [dreg:$0x5];
	s6 =	simm.s32 $0xEB80  }
0x19: {  	[tilespmem:s6], [sflag:$0x3] =	stream.linear.gather [hbm4b:s1+s5], $0x3200, $0x38;
	[tilespmem:$0x19080] =	vst v63  }
0x1a: {  	s14 =	rddreg [dreg:$0x6];
	s17 =	simm.s32 $0x11D80  }
0x1b: {  	[tilespmem:s17], [sflag:$0x3] =	stream.linear.gather [hbm4b:s14+s5], $0x3200, $0x38;
	[tilespmem:$0x19080] =	vst v63  }
0x1c: {  	s18 =	rddreg [dreg:$0x7];
	s19 =	simm.s32 $0x14F80  }
0x1d: {  	[tilespmem:s19], [sflag:$0x3] =	stream.linear.gather [hbm4b:s18+s5], $0xC80, $0x38;
	[tilespmem:$0x19080] =	vst v63  }
0x1e: {  	s20 =	rddreg [dreg:$0x8]  }
0x1f: {  	[tilespmem:s5], [sflag:$0x1] =	stream.linear.gather [hbm4b:s20+s5], $0x2710, $0x38;
	[tilespmem:$0x19080] =	vst v63  }
0x20: {  	s21 =	rddreg [dreg:$0x9];
	s22 =	simm.s32 $0x4E80  }
0x21: {  	[tilespmem:s22], [sflag:$0x1] =	stream.linear.gather [hbm4b:s21+s5], $0x2710, $0x38;
	[tilespmem:$0x19080] =	vst v63  }
0x22: {  	s23 =	rddreg [dreg:$0xa];
	s24 =	simm.s32 $0x9D00  }
0x23: {  	[tilespmem:s24], [sflag:$0x1] =	stream.linear.gather [hbm4b:s23+s5], $0x2710, $0x38;
	[tilespmem:$0x19080] =	vst v63  }
0x24: {  	s25 =	rddreg [dreg:$0xb]  }
0x25: {  	[tilespmem:s11], [sflag:$0x2] =	stream.linear.gather [hbm4b:s25+s5], $0x2710, $0x38;
	[tilespmem:$0x19080] =	vst v63  }
0x26: {  	s26 =	rddreg [dreg:$0xc]  }
0x27: {  	[tilespmem:s12], [sflag:$0x2] =	stream.linear.gather [hbm4b:s26+s5], $0x2710, $0x38;
	[tilespmem:$0x19080] =	vst v63  }
0x28: {  	s28 =	rddreg [dreg:$0xd];
	s6 =	simm.s32 $0x0  }
0x29: {  	[tilespmem:s13], [sflag:$0x2] =	stream.linear.gather [hbm4b:s28+s5], $0x2710, $0x38;
	[tilespmem:$0x19080] =	vst v63  }
.LBB2_2:
0x2a: {  	p0 =	sne.s32 s6, $0x41C0  }
.Ltmp0:
0x2b: {  	_ = 	snop;
	(pc) =	sbr.rel @p0 .LBB2_2-.Ltmp0, $3  }
0x2c: {  	_ =	sdelay $0x1  }
0x2d: {  	s7 =	sshra.s32 s6, $0x2  }
0x2e: {  	s6 =	sadd.s32 $0x40, s6;
	[tilespmem:s7+$0x15C00] =	vst v0  }
0x2f: {  	s6 =	simm.s32 $0x40;
	s7 =	simm.s32 $0x0  }
.LBB2_4:
0x30: {  	p0 =	sne.s32 s6, $0x41C0;
	[tilespmem:s7+$0x16C80] =	vst v0;
	s8 =	smov.u32 s6;
	s6 =	sadd.s32 $0x40, s6  }
.Ltmp1:
0x31: {  	[tilespmem:s7+$0x17D00] =	vst v0;
	(pc) =	sbr.rel @p0 .LBB2_4-.Ltmp1, $2  }
0x32: {  	_ =	sdelay $0x2  }
0x33: {  	s7 =	sshra.s32 s8, $0x2  }
0x34: {  	[tilespmem:s7+$0x16C80] =	vst v0  }
0x35: {  	[tilespmem:s7+$0x17D00] =	vst v0;
	s1 =	simm.s32 $0x3  }
0x36: {  	_ =	swait.ge [sflag:s1], $0x3200  }
0x37: {  	[sflag:s1] =	ssyncset.done $0x0  }
0x38: {  	[sflag:s1] =	ssyncadd.s32 $0xFFFFCE00  }
0x39: {  	_ =	swait.ge [sflag:s1], $0x3200  }
0x3a: {  	[sflag:s1] =	ssyncset.done $0x0  }
0x3b: {  	[sflag:s1] =	ssyncadd.s32 $0xFFFFCE00  }
0x3c: {  	s19 =	simm.s32 $0x0;
	_ =	swait.ge [sflag:s1], $0xC80  }
0x3d: {  	s10 =	sand.u32 $0x40, s19;
	s9 =	sand.u32 $0x3E00, s19;
	[sflag:s1] =	ssyncset.done $0x0  }
0x3e: {  	s6 =	sor.u32 s10, s9;
	[sflag:s1] =	ssyncadd.s32 $0xFFFFF380  }
0x3f: {  	p0 =	por $0x0, $0x0;
	s12 =	simm.s32 $0x0;
	s8 =	simm.s32 $0x1;
	v3 =	vld [tilespmem:s6+$0xEC00]  }
0x40: {  	s8 =	simm.s32 @!p0 $0x0;
	v4 =	vld [tilespmem:s12+$0x14F80]  }
0x41: {  	s13 =	sshll.u32 s8, $0x6;
	v5 =	vld [tilespmem:s6+$0x11E00]  }
0x42: {  	s11 =	sadd.s32 $0x0, s13;
	v6 =	vld [tilespmem:s6+$0x11D80]  }
0x43: {  	s7 =	sor.u32 $0x100, s11;
	v7 =	vld [tilespmem:s6+$0xEB80]  }
0x44: {  	v8 =	vld [tilespmem:s7+$0x11D80]  }
0x45: {  	v9 =	vld [tilespmem:s7+$0xEB80];
	_ =	sdelay $0x2  }
0x46: {  	v3 =	vsub.f32 v3, v5;
	v5 =	vsub.f32 v7, v6  }
0x47: {  	v4 =	vshll.u32 v4, $0x4  }
0x48: {  	v6 =	vsub.f32 v9, v8;
	v3 =	vmul.f32 v3, v3;
	v5 =	vmul.f32 v5, v5  }
0x49: {  	v4 =	vor.u32 v1, v4  }
0x4a: {  	v3 =	vadd.f32 v3, v5;
	v5 =	vmul.f32 v6, v6;
	_ =	sdelay $0x1  }
0x4b: {  	v3 =	vadd.f32 v5, v3;
	_ =	sdelay $0x1  }
0x4c: {  	s14 =	sor.u32 $0x10, s10;
	[tilespmem:v4+s30+$0x0] =	vst.idx.add.f32.msk $0xffff, v3  }
0x4d: {  	s17 =	sor.u32 s9, s14;
	[tilespmem:v4+s31+$0x0] =	vst.idx.add.f32.msk $0xffff, v2  }
0x4e: {  	v3 =	vld [tilespmem:s17+$0xEB80]  }
0x4f: {  	s18 =	sand.u32 $0xF80, s19;
	v4 =	vld [tilespmem:s17+$0x11D80]  }
0x50: {  	s13 =	sadd.s32 $0x14F80, s18;
	v5 =	vld [tilespmem:s17+$0xEC00]  }
0x51: {  	s20 =	sadd.s32 $0x10, s11;
	s6 =	sor.u32 s14, s13;
	v6 =	vld [tilespmem:s17+$0x11E00]  }
0x52: {  	s21 =	sor.u32 $0x100, s20;
	v7 =	vld [tilespmem:s6+$0x0]  }
0x53: {  	p0 =	por !p0, !p0;
	s12 =	simm.s32 $0x1;
	v8 =	vld [tilespmem:s21+$0xEB80]  }
0x54: {  	s12 =	simm.s32 @!p0 $0x0;
	v9 =	vld [tilespmem:s21+$0x11D80]  }
0x55: {  	s25 =	sshll.u32 s12, $0x6  }
0x56: {  	s22 =	simm.s32 $0x100;
	s23 =	simm.s32 $0x40;
	s12 =	sadd.s32 $0x100, s25  }
0x57: {  	s20 =	sand.u32 $0x40, s23;
	s8 =	sor.u32 $0x100, s12;
	s21 =	sand.u32 $0x3E00, s22;
	v3 =	vsub.f32 v3, v4;
	v4 =	vsub.f32 v5, v6  }
0x58: {  	v11 =	vld [tilespmem:s8+$0x11D80];
	s6 =	sor.u32 s20, s21;
	v7 =	vshll.u32 v7, $0x4  }
0x59: {  	v10 =	vld [tilespmem:s6+$0x11D80];
	v8 =	vsub.f32 v8, v9;
	v3 =	vmul.f32 v3, v3;
	v4 =	vmul.f32 v4, v4  }
0x5a: {  	v5 =	vld [tilespmem:s6+$0xEC00];
	v7 =	vor.u32 v1, v7  }
0x5b: {  	v9 =	vld [tilespmem:s6+$0x11E00];
	v3 =	vadd.f32 v4, v3;
	v4 =	vmul.f32 v8, v8  }
0x5c: {  	s24 =	simm.s32 $0x40;
	v8 =	vld [tilespmem:s6+$0xEB80]  }
0x5d: {  	v6 =	vld [tilespmem:s24+$0x14F80];
	v3 =	vadd.f32 v4, v3  }
0x5e: {  	v4 =	vld [tilespmem:s8+$0xEB80]  }
0x5f: {  	s26 =	sadd.s32 $0x20, s11;
	[tilespmem:v7+s30+$0x0] =	vst.idx.add.f32.msk $0xffff, v3  }
0x60: {  	s28 =	sor.u32 $0x20, s10;
	s6 =	sor.u32 $0x100, s26;
	[tilespmem:v7+s31+$0x0] =	vst.idx.add.f32.msk $0xffff, v2  }
0x61: {  	s14 =	sor.u32 s9, s28;
	v3 =	vsub.f32 v5, v9;
	v5 =	vsub.f32 v8, v10;
	v7 =	vld [tilespmem:s6+$0x11D80]  }
0x62: {  	v6 =	vshll.u32 v6, $0x4;
	v8 =	vld [tilespmem:s14+$0x11D80]  }
0x63: {  	v3 =	vmul.f32 v3, v3;
	v9 =	vld [tilespmem:s14+$0xEC00];
	v4 =	vsub.f32 v4, v11;
	v5 =	vmul.f32 v5, v5  }
0x64: {  	v6 =	vor.u32 v1, v6;
	v10 =	vld [tilespmem:s14+$0x11E00]  }
0x65: {  	s8 =	sor.u32 s28, s13;
	v3 =	vadd.f32 v3, v5;
	v4 =	vmul.f32 v4, v4;
	v5 =	vld [tilespmem:s14+$0xEB80]  }
0x66: {  	v11 =	vld [tilespmem:s8+$0x0]  }
0x67: {  	v3 =	vadd.f32 v4, v3;
	v4 =	vld [tilespmem:s6+$0xEB80];
	_ =	sdelay $0x1  }
0x68: {  	s1 =	sor.u32 $0x10, s20;
	[tilespmem:v6+s30+$0x0] =	vst.idx.add.f32.msk $0xffff, v3  }
0x69: {  	s17 =	sor.u32 s21, s1;
	v3 =	vsub.f32 v9, v10;
	[tilespmem:v6+s31+$0x0] =	vst.idx.add.f32.msk $0xffff, v2;
	v5 =	vsub.f32 v5, v8  }
0x6a: {  	v8 =	vshll.u32 v11, $0x4;
	v6 =	vld [tilespmem:s17+$0xEB80]  }
0x6b: {  	v9 =	vld [tilespmem:s17+$0x11D80];
	v3 =	vmul.f32 v3, v3;
	v5 =	vmul.f32 v5, v5;
	v4 =	vsub.f32 v4, v7  }
0x6c: {  	s18 =	sand.u32 $0xF80, s23;
	s22 =	sadd.s32 $0x10, s12;
	v8 =	vor.u32 v1, v8;
	v10 =	vld [tilespmem:s17+$0x11E00]  }
0x6d: {  	s7 =	sor.u32 $0x100, s22;
	s6 =	sadd.s32 $0x14F80, s18;
	v7 =	vld [tilespmem:s17+$0xEC00];
	v3 =	vadd.f32 v3, v5;
	v4 =	vmul.f32 v4, v4  }
0x6e: {  	s8 =	sor.u32 s1, s6;
	v11 =	vld [tilespmem:s7+$0xEB80]  }
0x6f: {  	s23 =	simm.s32 $0x200;
	s17 =	simm.s32 $0x80;
	v5 =	vld [tilespmem:s8+$0x0];
	v3 =	vadd.f32 v4, v3  }
0x70: {  	s8 =	sand.u32 $0x40, s17;
	v4 =	vld [tilespmem:s7+$0x11D80];
	s7 =	sand.u32 $0x3E00, s23  }
0x71: {  	s18 =	sor.u32 s8, s7;
	[tilespmem:v8+s30+$0x0] =	vst.idx.add.f32.msk $0xffff, v3  }
0x72: {  	v3 =	vsub.f32 v7, v10;
	v7 =	vld [tilespmem:s18+$0xEC00]  }
0x73: {  	v6 =	vsub.f32 v6, v9;
	v9 =	vld [tilespmem:s18+$0x11E00]  }
0x74: {  	s10 =	sor.u32 $0x30, s10;
	v10 =	vld [tilespmem:s18+$0xEB80]  }
0x75: {  	p0 =	por !p0, !p0;
	s22 =	simm.s32 $0x1;
	s24 =	simm.s32 $0x80;
	[tilespmem:v8+s31+$0x0] =	vst.idx.add.f32.msk $0xffff, v2  }
0x76: {  	s9 =	sor.u32 s9, s10;
	s22 =	simm.s32 @!p0 $0x0;
	v8 =	vld [tilespmem:s24+$0x14F80]  }
0x77: {  	s11 =	sadd.s32 $0x30, s11;
	s25 =	sshll.u32 s22, $0x6;
	v6 =	vmul.f32 v6, v6;
	v15 =	vld [tilespmem:s9+$0xEC00]  }
0x78: {  	s11 =	sor.u32 $0x100, s11;
	s14 =	sadd.s32 $0x200, s25;
	v5 =	vshll.u32 v5, $0x4;
	v3 =	vmul.f32 v3, v3;
	v16 =	vld [tilespmem:s9+$0xEB80];
	v4 =	vsub.f32 v11, v4  }
0x79: {  	s26 =	sor.u32 $0x100, s14;
	v5 =	vor.u32 v1, v5;
	v17 =	vld [tilespmem:s11+$0x11D80]  }
0x7a: {  	v11 =	vld [tilespmem:s26+$0x11D80];
	v3 =	vadd.f32 v3, v6;
	v4 =	vmul.f32 v4, v4  }
0x7b: {  	v6 =	vld [tilespmem:s18+$0x11D80]  }
0x7c: {  	v7 =	vsub.f32 v7, v9;
	v9 =	vld [tilespmem:s9+$0x11E00];
	v3 =	vadd.f32 v4, v3  }
0x7d: {  	v4 =	vld [tilespmem:s26+$0xEB80]  }
0x7e: {  	s28 =	sadd.s32 $0x20, s12;
	[tilespmem:v5+s30+$0x0] =	vst.idx.add.f32.msk $0xffff, v3  }
0x7f: {  	s1 =	sor.u32 $0x20, s20;
	s18 =	sor.u32 $0x100, s28;
	[tilespmem:v5+s31+$0x0] =	vst.idx.add.f32.msk $0xffff, v2  }
0x80: {  	s28 =	sor.u32 s21, s1;
	v3 =	vld [tilespmem:s18+$0x11D80]  }
0x81: {  	v6 =	vsub.f32 v10, v6;
	v5 =	vld [tilespmem:s28+$0x11D80]  }
0x82: {  	v8 =	vshll.u32 v8, $0x4;
	v12 =	vld [tilespmem:s28+$0xEC00]  }
0x83: {  	s22 =	sor.u32 s1, s6;
	v7 =	vmul.f32 v7, v7;
	v13 =	vld [tilespmem:s28+$0x11E00];
	v6 =	vmul.f32 v6, v6;
	v4 =	vsub.f32 v4, v11  }
0x84: {  	v8 =	vor.u32 v1, v8;
	v14 =	vld [tilespmem:s22+$0x0]  }
0x85: {  	v10 =	vld [tilespmem:s28+$0xEB80];
	v6 =	vadd.f32 v7, v6;
	v4 =	vmul.f32 v4, v4  }
0x86: {  	v11 =	vld [tilespmem:s9+$0x11D80]  }
0x87: {  	v7 =	vld [tilespmem:s11+$0xEB80];
	v4 =	vadd.f32 v4, v6  }
0x88: {  	v6 =	vld [tilespmem:s18+$0xEB80]  }
0x89: {  	s23 =	sor.u32 s10, s13;
	[tilespmem:v8+s30+$0x0] =	vst.idx.add.f32.msk $0xffff, v4  }
0x8a: {  	s24 =	sor.u32 $0x10, s8;
	v12 =	vsub.f32 v12, v13;
	v5 =	vsub.f32 v10, v5;
	v4 =	vld [tilespmem:s23+$0x0]  }
0x8b: {  	s25 =	sor.u32 s7, s24;
	[tilespmem:v8+s31+$0x0] =	vst.idx.add.f32.msk $0xffff, v2;
	v8 =	vsub.f32 v15, v9  }
0x8c: {  	v5 =	vmul.f32 v5, v5;
	v9 =	vsub.f32 v16, v11;
	v11 =	vmul.f32 v12, v12;
	v10 =	vld [tilespmem:s25+$0xEB80]  }
0x8d: {  	s26 =	sand.u32 $0xF80, s17;
	v7 =	vsub.f32 v7, v17;
	v12 =	vld [tilespmem:s25+$0x11D80];
	v3 =	vsub.f32 v6, v3;
	v13 =	vmul.f32 v8, v8  }
0x8e: {  	s9 =	sadd.s32 $0x14F80, s26;
	v6 =	vld [tilespmem:s25+$0xEC00];
	v15 =	vmul.f32 v9, v9;
	v11 =	vadd.f32 v11, v5;
	v5 =	vshll.u32 v14, $0x4  }
0x8f: {  	s28 =	sadd.s32 $0x10, s14;
	s10 =	sor.u32 s24, s9;
	v8 =	vld [tilespmem:s25+$0x11E00];
	v5 =	vor.u32 v1, v5;
	v3 =	vmul.f32 v3, v3  }
0x90: {  	s13 =	sor.u32 $0x100, s28;
	v9 =	vld [tilespmem:s10+$0x0];
	v14 =	vmul.f32 v7, v7;
	v13 =	vadd.f32 v13, v15;
	v4 =	vshll.u32 v4, $0x4  }
0x91: {  	p0 =	por !p0, !p0;
	s11 =	sadd.s32 $0x30, s12;
	s12 =	sadd.s32 $0x20, s14;
	v7 =	vld [tilespmem:s13+$0xEB80];
	v11 =	vadd.f32 v3, v11;
	v3 =	vor.u32 v1, v4  }
0x92: {  	s18 =	simm.s32 $0x300;
	s10 =	sadd.s32 $0x30, s14;
	v12 =	vsub.f32 v10, v12;
	v10 =	vld [tilespmem:s13+$0x11D80];
	s13 =	simm.s32 $0xC0;
	v4 =	vadd.f32 v14, v13  }
.LBB2_6:
0x93: {  	s28 =	sand.u32 $0x40, s13;
	s22 =	sand.u32 $0x3E00, s18  }
0x94: {  	s23 =	sshra.s32 s18, $0x2;
	[tilespmem:v5+s30+$0x0] =	vst.idx.add.f32.msk $0xffff, v11;
	s24 =	smov.u32 s18;
	s14 =	sadd.s32 $0x100, s18  }
0x95: {  	s26 =	simm.s32 $0x1;
	s25 =	sor.u32 s28, s22;
	s17 =	sor.u32 $0x10, s28;
	v6 =	vsub.f32 v6, v8;
	v8 =	vmul.f32 v12, v12;
	[tilespmem:v5+s31+$0x0] =	vst.idx.add.f32.msk $0xffff, v2  }
0x96: {  	p1 =	sne.s32 s18, $0x3100;
	s26 =	simm.s32 @!p0 $0x0;
	v5 =	vshll.u32 v9, $0x4;
	[tilespmem:v3+s30+$0x0] =	vst.idx.add.f32.msk $0xffff, v4  }
0x97: {  	s18 =	sshll.u32 s26, $0x6;
	v4 =	vmul.f32 v6, v6;
	[tilespmem:v3+s31+$0x0] =	vst.idx.add.f32.msk $0xffff, v2  }
0x98: {  	s24 =	sadd.s32 s18, s24;
	v3 =	vld [tilespmem:s25+$0xEC00]  }
0x99: {  	s26 =	sor.u32 $0x100, s24;
	s18 =	sadd.s32 $0x10, s24;
	v7 =	vsub.f32 v7, v10;
	v6 =	vld [tilespmem:s23+$0x14F80];
	s23 =	sadd.s32 $0x20, s24;
	v4 =	vadd.f32 v4, v8  }
0x9a: {  	v5 =	vor.u32 v1, v5;
	s24 =	sadd.s32 $0x30, s24;
	v8 =	vld [tilespmem:s25+$0x11E00]  }
0x9b: {  	v7 =	vmul.f32 v7, v7;
	v9 =	vld [tilespmem:s25+$0x11D80]  }
0x9c: {  	v10 =	vld [tilespmem:s25+$0xEB80]  }
0x9d: {  	v4 =	vadd.f32 v7, v4;
	v11 =	vld [tilespmem:s26+$0x11D80]  }
0x9e: {  	v7 =	vld [tilespmem:s26+$0xEB80]  }
0x9f: {  	[tilespmem:v5+s30+$0x0] =	vst.idx.add.f32.msk $0xffff, v4  }
0xa0: {  	s25 =	sor.u32 $0x20, s8;
	s26 =	sor.u32 $0x100, s12;
	s12 =	smov.u32 s23;
	[tilespmem:v5+s31+$0x0] =	vst.idx.add.f32.msk $0xffff, v2  }
0xa1: {  	s23 =	sor.u32 s7, s25;
	v3 =	vsub.f32 v3, v8;
	v4 =	vld [tilespmem:s26+$0x11D80]  }
0xa2: {  	v5 =	vld [tilespmem:s23+$0x11D80]  }
0xa3: {  	v6 =	vshll.u32 v6, $0x4;
	v8 =	vld [tilespmem:s23+$0xEC00]  }
0xa4: {  	s1 =	sor.u32 $0x30, s20;
	s20 =	smov.u32 s8;
	s25 =	sor.u32 s25, s9;
	v6 =	vor.u32 v1, v6;
	v3 =	vmul.f32 v3, v3;
	v12 =	vld [tilespmem:s23+$0x11E00]  }
0xa5: {  	s8 =	smov.u32 s28;
	v9 =	vsub.f32 v10, v9;
	v10 =	vld [tilespmem:s25+$0x0];
	s25 =	sor.u32 s21, s1;
	s21 =	smov.u32 s7  }
0xa6: {  	s7 =	smov.u32 s22;
	v13 =	vld [tilespmem:s25+$0x11E00]  }
0xa7: {  	v7 =	vsub.f32 v7, v11;
	v9 =	vmul.f32 v9, v9;
	v11 =	vld [tilespmem:s23+$0xEB80]  }
0xa8: {  	v14 =	vld [tilespmem:s25+$0x11D80]  }
0xa9: {  	v3 =	vadd.f32 v3, v9;
	v7 =	vmul.f32 v7, v7;
	s22 =	sor.u32 $0x100, s11;
	s11 =	smov.u32 s10;
	s10 =	smov.u32 s24;
	v8 =	vsub.f32 v8, v12;
	v9 =	vld [tilespmem:s25+$0xEC00]  }
0xaa: {  	v10 =	vshll.u32 v10, $0x4;
	v12 =	vld [tilespmem:s22+$0xEB80]  }
0xab: {  	v3 =	vadd.f32 v7, v3;
	v7 =	vmul.f32 v8, v8;
	v8 =	vld [tilespmem:s25+$0xEB80]  }
0xac: {  	v5 =	vsub.f32 v11, v5;
	v11 =	vld [tilespmem:s26+$0xEB80]  }
0xad: {  	s1 =	sor.u32 s1, s6;
	s6 =	smov.u32 s9;
	v15 =	vld [tilespmem:s22+$0x11D80]  }
0xae: {  	v5 =	vmul.f32 v5, v5;
	v9 =	vsub.f32 v9, v13;
	v13 =	vld [tilespmem:s1+$0x0]  }
0xaf: {  	[tilespmem:v6+s30+$0x0] =	vst.idx.add.f32.msk $0xffff, v3  }
0xb0: {  	s1 =	sor.u32 s7, s17;
	[tilespmem:v6+s31+$0x0] =	vst.idx.add.f32.msk $0xffff, v2;
	v16 =	vadd.f32 v7, v5;
	v3 =	vmul.f32 v9, v9  }
0xb1: {  	v7 =	vsub.f32 v8, v14;
	v17 =	vld [tilespmem:s1+$0xEB80];
	v4 =	vsub.f32 v11, v4  }
0xb2: {  	s9 =	sand.u32 $0xF80, s13;
	v14 =	vld [tilespmem:s1+$0x11D80];
	v11 =	vsub.f32 v12, v15  }
.Ltmp2:
0xb3: {  	s9 =	sadd.s32 $0x14F80, s9;
	v5 =	vor.u32 v1, v10;
	v7 =	vmul.f32 v7, v7;
	v6 =	vld [tilespmem:s1+$0xEC00];
	v4 =	vmul.f32 v4, v4;
	(pc) =	sbr.rel @p1 .LBB2_6-.Ltmp2, $4  }
0xb4: {  	v10 =	vshll.u32 v13, $0x4;
	v8 =	vld [tilespmem:s1+$0x11E00];
	s1 =	sor.u32 s17, s9  }
0xb5: {  	s17 =	sor.u32 $0x100, s18;
	v13 =	vadd.f32 v3, v7;
	v15 =	vmul.f32 v11, v11;
	v3 =	vor.u32 v1, v10;
	v9 =	vld [tilespmem:s1+$0x0]  }
0xb6: {  	v11 =	vadd.f32 v4, v16;
	v7 =	vld [tilespmem:s17+$0xEB80]  }
0xb7: {  	p0 =	por !p0, !p0;
	s13 =	sadd.s32 $0x40, s13;
	s18 =	smov.u32 s14;
	v4 =	vadd.f32 v15, v13;
	v12 =	vsub.f32 v17, v14;
	v10 =	vld [tilespmem:s17+$0x11D80]  }
0xb8: {  	_ =	sdelay $0x1  }
0xb9: {  	v6 =	vsub.f32 v6, v8  }
0xba: {  	v45 =	vmul.f32 v12, v12  }
0xbb: {  	v9 =	vshll.u32 v9, $0x4;
	v6 =	vmul.f32 v6, v6;
	v7 =	vsub.f32 v7, v10  }
0xbc: {  	v9 =	vor.u32 v1, v9  }
0xbd: {  	v6 =	vadd.f32 v6, v45;
	v7 =	vmul.f32 v7, v7;
	_ =	sdelay $0x1  }
0xbe: {  	v6 =	vadd.f32 v7, v6;
	_ =	sdelay $0x1  }
0xbf: {  	[tilespmem:v9+s30+$0x0] =	vst.idx.add.f32.msk $0xffff, v6  }
0xc0: {  	s1 =	sor.u32 $0x20, s8;
	s12 =	sor.u32 $0x100, s12;
	[tilespmem:v9+s31+$0x0] =	vst.idx.add.f32.msk $0xffff, v2  }
0xc1: {  	s13 =	sor.u32 s7, s1;
	v6 =	vld [tilespmem:s12+$0x11D80]  }
0xc2: {  	v46 =	vld [tilespmem:s13+$0x11D80]  }
0xc3: {  	v47 =	vld [tilespmem:s13+$0xEC00]  }
0xc4: {  	v9 =	vld [tilespmem:s13+$0x11E00]  }
0xc5: {  	s1 =	sor.u32 s1, s9;
	v48 =	vld [tilespmem:s13+$0xEB80]  }
0xc6: {  	v49 =	vld [tilespmem:s1+$0x0]  }
0xc7: {  	v13 =	vld [tilespmem:s12+$0xEB80];
	_ =	sdelay $0x1  }
0xc8: {  	[tilespmem:v5+s30+$0x0] =	vst.idx.add.f32.msk $0xffff, v11;
	s23 =	sor.u32 $0x30, s20  }
0xc9: {  	[tilespmem:v5+s31+$0x0] =	vst.idx.add.f32.msk $0xffff, v2;
	s24 =	sor.u32 s21, s23;
	v50 =	vsub.f32 v47, v9;
	v7 =	vsub.f32 v48, v46  }
0xca: {  	v51 =	vld [tilespmem:s24+$0x11E00];
	v52 =	vshll.u32 v49, $0x4  }
0xcb: {  	v53 =	vld [tilespmem:s24+$0x11D80];
	v6 =	vsub.f32 v13, v6;
	v5 =	vmul.f32 v50, v50;
	v7 =	vmul.f32 v7, v7  }
0xcc: {  	s11 =	sor.u32 $0x100, s11;
	v11 =	vld [tilespmem:s24+$0xEC00];
	v9 =	vor.u32 v1, v52  }
0xcd: {  	v54 =	vld [tilespmem:s11+$0xEB80];
	v6 =	vmul.f32 v6, v6;
	v5 =	vadd.f32 v5, v7  }
0xce: {  	v55 =	vld [tilespmem:s24+$0xEB80]  }
0xcf: {  	v56 =	vld [tilespmem:s11+$0x11D80];
	s1 =	sor.u32 s23, s6;
	v5 =	vadd.f32 v6, v5  }
0xd0: {  	v57 =	vld [tilespmem:s1+$0x0]  }
0xd1: {  	s25 =	sor.u32 $0x30, s8;
	[tilespmem:v9+s30+$0x0] =	vst.idx.add.f32.msk $0xffff, v5  }
0xd2: {  	s26 =	sor.u32 s7, s25;
	[tilespmem:v9+s31+$0x0] =	vst.idx.add.f32.msk $0xffff, v2  }
0xd3: {  	v5 =	vld [tilespmem:s26+$0x11E00]  }
0xd4: {  	v9 =	vld [tilespmem:s26+$0x11D80]  }
0xd5: {  	s28 =	sor.u32 $0x100, s10;
	v14 =	vld [tilespmem:s26+$0xEC00]  }
0xd6: {  	v15 =	vld [tilespmem:s28+$0xEB80]  }
0xd7: {  	v16 =	vld [tilespmem:s26+$0xEB80]  }
0xd8: {  	v8 =	vsub.f32 v11, v51;
	s1 =	sor.u32 s25, s9;
	v58 =	vld [tilespmem:s28+$0x11D80]  }
0xd9: {  	v12 =	vsub.f32 v54, v56;
	v7 =	vsub.f32 v55, v53;
	v59 =	vld [tilespmem:s1+$0x0]  }
0xda: {  	v8 =	vmul.f32 v8, v8  }
0xdb: {  	v61 =	vmul.f32 v12, v12;
	v7 =	vmul.f32 v7, v7  }
0xdc: {  	v6 =	vshll.u32 v57, $0x4;
	v5 =	vsub.f32 v14, v5;
	v60 =	vsub.f32 v16, v9  }
0xdd: {  	v6 =	vor.u32 v1, v6;
	v7 =	vadd.f32 v8, v7;
	v10 =	vsub.f32 v15, v58  }
0xde: {  	v11 =	vshll.u32 v59, $0x4;
	v5 =	vmul.f32 v5, v5;
	v8 =	vmul.f32 v60, v60  }
0xdf: {  	[tilespmem:v3+s30+$0x0] =	vst.idx.add.f32.msk $0xffff, v4;
	v62 =	vor.u32 v1, v11  }
0xe0: {  	v7 =	vadd.f32 v61, v7;
	v63 =	vmul.f32 v10, v10;
	v5 =	vadd.f32 v5, v8  }
0xe1: {  	[tilespmem:v3+s31+$0x0] =	vst.idx.add.f32.msk $0xffff, v2  }
0xe2: {  	[tilespmem:v6+s30+$0x0] =	vst.idx.add.f32.msk $0xffff, v7;
	v3 =	vadd.f32 v63, v5  }
0xe3: {  	[tilespmem:v6+s31+$0x0] =	vst.idx.add.f32.msk $0xffff, v2  }
0xe4: {  	s10 =	rddreg [dreg:$0x0];
	[tilespmem:v62+s30+$0x0] =	vst.idx.add.f32.msk $0xffff, v3  }
0xe5: {  	s11 =	simm.s32 $0x2710;
	s12 =	simm.s32 $0x7590;
	s13 =	simm.s32 $0xC410;
	[tilespmem:v62+s31+$0x0] =	vst.idx.add.f32.msk $0xffff, v2  }
.LBB2_8:
0xe6: {  	_ =	swait.ge [sflag:s29], $0x2710  }
0xe7: {  	[sflag:s29] =	ssyncset.done $0x0  }
0xe8: {  	[sflag:s29] =	ssyncadd.s32 $0xFFFFD8F0  }
0xe9: {  	_ =	swait.ge [sflag:s29], $0x2710  }
0xea: {  	[sflag:s29] =	ssyncset.done $0x0  }
0xeb: {  	[sflag:s29] =	ssyncadd.s32 $0xFFFFD8F0  }
0xec: {  	_ =	swait.ge [sflag:s29], $0x2710  }
0xed: {  	[sflag:s29] =	ssyncset.done $0x0  }
0xee: {  	s6 =	simm.s32 $0x0;
	[sflag:s29] =	ssyncadd.s32 $0xFFFFD8F0  }
0xef: {  	v3 =	vld [tilespmem:s6+$0x9D00]  }
0xf0: {  	v4 =	vld [tilespmem:s6+$0x0]  }
0xf1: {  	v5 =	vld [tilespmem:s6+$0x4E80];
	_ =	sdelay $0x2  }
0xf2: {  	v3 =	vshll.u32 v3, $0x4  }
0xf3: {  	v3 =	vor.u32 v1, v3  }
0xf4: {  	v4 =	vsub.f32 v4, v5;
	_ =	sdelay $0x1  }
0xf5: {  	v4 =	vmul.f32 v4, v4;
	_ =	sdelay $0x1  }
0xf6: {  	[tilespmem:v3+s3+$0x0] =	vst.idx.add.f32.msk $0xffff, v4  }
0xf7: {  	v3 =	vld [tilespmem:s6+$0x9D10]  }
0xf8: {  	v4 =	vld [tilespmem:s6+$0x10]  }
0xf9: {  	v5 =	vld [tilespmem:s6+$0x4E90];
	_ =	sdelay $0x2  }
0xfa: {  	v3 =	vshll.u32 v3, $0x4  }
0xfb: {  	v3 =	vor.u32 v1, v3  }
0xfc: {  	s7 =	simm.s32 $0x50;
	v4 =	vsub.f32 v4, v5  }
0xfd: {  	v5 =	vld [tilespmem:s7+$0x9D00]  }
0xfe: {  	v6 =	vld [tilespmem:s7+$0x0];
	v4 =	vmul.f32 v4, v4  }
0xff: {  	v7 =	vld [tilespmem:s7+$0x4E80]  }
0x100: {  	[tilespmem:v3+s3+$0x0] =	vst.idx.add.f32.msk $0xffff, v4  }
0x101: {  	v3 =	vld [tilespmem:s6+$0x9D20]  }
0x102: {  	v4 =	vshll.u32 v5, $0x4;
	v5 =	vld [tilespmem:s6+$0x20]  }
0x103: {  	v4 =	vor.u32 v1, v4;
	v8 =	vld [tilespmem:s6+$0x4EA0]  }
0x104: {  	v6 =	vsub.f32 v6, v7;
	_ =	sdelay $0x1  }
0x105: {  	v6 =	vmul.f32 v6, v6;
	v3 =	vshll.u32 v3, $0x4  }
0x106: {  	v3 =	vor.u32 v1, v3  }
0x107: {  	[tilespmem:v4+s3+$0x0] =	vst.idx.add.f32.msk $0xffff, v6;
	v4 =	vsub.f32 v5, v8  }
0x108: {  	v5 =	vld [tilespmem:s7+$0x9D10]  }
0x109: {  	v7 =	vld [tilespmem:s7+$0x10];
	v4 =	vmul.f32 v4, v4  }
0x10a: {  	v8 =	vld [tilespmem:s7+$0x4E90]  }
0x10b: {  	[tilespmem:v3+s3+$0x0] =	vst.idx.add.f32.msk $0xffff, v4  }
0x10c: {  	v4 =	vld [tilespmem:s6+$0x9D30]  }
0x10d: {  	v5 =	vshll.u32 v5, $0x4;
	v3 =	vld [tilespmem:s6+$0x30]  }
0x10e: {  	v6 =	vor.u32 v1, v5;
	v5 =	vld [tilespmem:s6+$0x4EB0]  }
0x10f: {  	s8 =	simm.s32 $0xA0;
	s9 =	simm.s32 $0x3C0;
	v7 =	vsub.f32 v7, v8  }
.LBB2_9:
0x110: {  	p0 =	sne.s32 s9, $0x9B00;
	v8 =	vld [tilespmem:s8+$0x9D00]  }
0x111: {  	v9 =	vld [tilespmem:s8+$0x0];
	v7 =	vmul.f32 v7, v7;
	v4 =	vshll.u32 v4, $0x4  }
0x112: {  	v10 =	vld [tilespmem:s8+$0x4E80];
	v4 =	vor.u32 v1, v4  }
0x113: {  	[tilespmem:v6+s3+$0x0] =	vst.idx.add.f32.msk $0xffff, v7;
	v3 =	vsub.f32 v3, v5  }
0x114: {  	v5 =	vld [tilespmem:s7+$0x9D20]  }
0x115: {  	v6 =	vshll.u32 v8, $0x4;
	v7 =	vld [tilespmem:s7+$0x20];
	v3 =	vmul.f32 v3, v3  }
0x116: {  	v6 =	vor.u32 v1, v6;
	v8 =	vld [tilespmem:s7+$0x4EA0]  }
0x117: {  	v9 =	vsub.f32 v9, v10;
	[tilespmem:v4+s3+$0x0] =	vst.idx.add.f32.msk $0xffff, v3  }
0x118: {  	v3 =	vld [tilespmem:s6+$0x9D40]  }
0x119: {  	v4 =	vmul.f32 v9, v9;
	v5 =	vshll.u32 v5, $0x4;
	v9 =	vld [tilespmem:s6+$0x40]  }
0x11a: {  	v5 =	vor.u32 v1, v5;
	v10 =	vld [tilespmem:s6+$0x4EC0];
	s6 =	smov.u32 s7;
	s7 =	smov.u32 s8  }
0x11b: {  	[tilespmem:v6+s3+$0x0] =	vst.idx.add.f32.msk $0xffff, v4;
	v4 =	vsub.f32 v7, v8  }
0x11c: {  	v6 =	vld [tilespmem:s7+$0x9D10]  }
0x11d: {  	v7 =	vld [tilespmem:s7+$0x10];
	v4 =	vmul.f32 v4, v4;
	v3 =	vshll.u32 v3, $0x4  }
0x11e: {  	v8 =	vld [tilespmem:s7+$0x4E90];
	v11 =	vor.u32 v1, v3  }
.Ltmp3:
0x11f: {  	[tilespmem:v5+s3+$0x0] =	vst.idx.add.f32.msk $0xffff, v4;
	v5 =	vsub.f32 v9, v10;
	(pc) =	sbr.rel @p0 .LBB2_9-.Ltmp3, $4  }
0x120: {  	v4 =	vld [tilespmem:s6+$0x9D30]  }
0x121: {  	v6 =	vshll.u32 v6, $0x4;
	v3 =	vld [tilespmem:s6+$0x30];
	v9 =	vmul.f32 v5, v5  }
0x122: {  	v6 =	vor.u32 v1, v6;
	v5 =	vld [tilespmem:s6+$0x4EB0]  }
0x123: {  	s8 =	sshra.s32 s9, $0x2;
	s9 =	sadd.s32 $0x140, s9;
	v7 =	vsub.f32 v7, v8;
	[tilespmem:v11+s3+$0x0] =	vst.idx.add.f32.msk $0xffff, v9  }
0x124: {  	v8 =	vld [tilespmem:s8+$0x9D00]  }
0x125: {  	v9 =	vld [tilespmem:s8+$0x0]  }
0x126: {  	v10 =	vld [tilespmem:s8+$0x4E80];
	_ =	sdelay $0x2  }
0x127: {  	v8 =	vshll.u32 v8, $0x4  }
0x128: {  	v8 =	vor.u32 v1, v8  }
0x129: {  	v9 =	vsub.f32 v9, v10;
	_ =	sdelay $0x1  }
0x12a: {  	v9 =	vmul.f32 v9, v9;
	_ =	sdelay $0x1  }
0x12b: {  	[tilespmem:v8+s3+$0x0] =	vst.idx.add.f32.msk $0xffff, v9  }
0x12c: {  	v8 =	vld [tilespmem:s8+$0x9D10]  }
0x12d: {  	v9 =	vld [tilespmem:s8+$0x10]  }
0x12e: {  	v57 =	vld [tilespmem:s8+$0x4E90];
	_ =	sdelay $0x2  }
0x12f: {  	v7 =	vmul.f32 v7, v7;
	v8 =	vshll.u32 v8, $0x4  }
0x130: {  	v8 =	vor.u32 v1, v8  }
0x131: {  	[tilespmem:v6+s3+$0x0] =	vst.idx.add.f32.msk $0xffff, v7;
	v6 =	vsub.f32 v9, v57  }
0x132: {  	v7 =	vld [tilespmem:s7+$0x9D20]  }
0x133: {  	v58 =	vld [tilespmem:s7+$0x20];
	v6 =	vmul.f32 v6, v6  }
0x134: {  	v59 =	vld [tilespmem:s7+$0x4EA0]  }
0x135: {  	[tilespmem:v8+s3+$0x0] =	vst.idx.add.f32.msk $0xffff, v6  }
0x136: {  	v6 =	vld [tilespmem:s8+$0x9D20]  }
0x137: {  	v7 =	vshll.u32 v7, $0x4;
	v8 =	vld [tilespmem:s8+$0x20]  }
0x138: {  	v7 =	vor.u32 v1, v7;
	v11 =	vld [tilespmem:s8+$0x4EA0]  }
0x139: {  	v9 =	vsub.f32 v58, v59;
	_ =	sdelay $0x1  }
0x13a: {  	v9 =	vmul.f32 v9, v9;
	v6 =	vshll.u32 v6, $0x4  }
0x13b: {  	v6 =	vor.u32 v1, v6  }
0x13c: {  	[tilespmem:v7+s3+$0x0] =	vst.idx.add.f32.msk $0xffff, v9;
	v7 =	vsub.f32 v8, v11  }
0x13d: {  	v8 =	vld [tilespmem:s7+$0x9D30]  }
0x13e: {  	v4 =	vshll.u32 v4, $0x4;
	v9 =	vld [tilespmem:s7+$0x30];
	v7 =	vmul.f32 v7, v7  }
0x13f: {  	v4 =	vor.u32 v1, v4;
	v60 =	vld [tilespmem:s7+$0x4EB0]  }
0x140: {  	v3 =	vsub.f32 v3, v5;
	[tilespmem:v6+s3+$0x0] =	vst.idx.add.f32.msk $0xffff, v7  }
0x141: {  	v5 =	vld [tilespmem:s8+$0x9D30]  }
0x142: {  	v3 =	vmul.f32 v3, v3;
	v6 =	vshll.u32 v8, $0x4;
	v7 =	vld [tilespmem:s8+$0x30]  }
0x143: {  	v6 =	vor.u32 v1, v6;
	v8 =	vld [tilespmem:s8+$0x4EB0]  }
0x144: {  	[tilespmem:v4+s3+$0x0] =	vst.idx.add.f32.msk $0xffff, v3;
	v3 =	vsub.f32 v9, v60  }
0x145: {  	v4 =	vld [tilespmem:s6+$0x9D40]  }
0x146: {  	v61 =	vld [tilespmem:s6+$0x40];
	v3 =	vmul.f32 v3, v3;
	v5 =	vshll.u32 v5, $0x4  }
0x147: {  	v62 =	vld [tilespmem:s6+$0x4EC0];
	v5 =	vor.u32 v1, v5  }
0x148: {  	[tilespmem:v6+s3+$0x0] =	vst.idx.add.f32.msk $0xffff, v3;
	v3 =	vsub.f32 v7, v8  }
0x149: {  	v6 =	vld [tilespmem:s7+$0x9D40]  }
0x14a: {  	v7 =	vld [tilespmem:s7+$0x40];
	v3 =	vmul.f32 v3, v3  }
0x14b: {  	v8 =	vld [tilespmem:s7+$0x4EC0]  }
0x14c: {  	[tilespmem:v5+s3+$0x0] =	vst.idx.add.f32.msk $0xffff, v3  }
0x14d: {  	v3 =	vld [tilespmem:s8+$0x9D40]  }
0x14e: {  	v5 =	vld [tilespmem:s8+$0x40]  }
0x14f: {  	v63 =	vld [tilespmem:s8+$0x4EC0]  }
0x150: {  	v4 =	vshll.u32 v4, $0x4  }
0x151: {  	v4 =	vor.u32 v1, v4;
	v6 =	vshll.u32 v6, $0x4  }
0x152: {  	v9 =	vsub.f32 v61, v62;
	v6 =	vor.u32 v1, v6;
	v3 =	vshll.u32 v3, $0x4  }
0x153: {  	p0 =	seq.s32 s19, $0x9;
	v7 =	vsub.f32 v7, v8;
	v3 =	vor.u32 v1, v3  }
0x154: {  	s1 =	smul.u32 @!p0 $0x4E20, s19;
	v8 =	vmul.f32 v9, v9;
	v5 =	vsub.f32 v5, v63  }
0x155: {  	v7 =	vmul.f32 v7, v7  }
0x156: {  	s1 =	sadd.s32 @!p0 s1, s15;
	[tilespmem:v4+s3+$0x0] =	vst.idx.add.f32.msk $0xffff, v8;
	v4 =	vmul.f32 v5, v5  }
0x157: {  	s1 =	sshrl.u32 @!p0 s1, $0x3;
	[tilespmem:v6+s3+$0x0] =	vst.idx.add.f32.msk $0xffff, v7  }
0x158: {  	s6 =	sadd.s32 @!p0 s10, s1;
	s7 =	simm.s32 @!p0 $0x0;
	[tilespmem:v3+s3+$0x0] =	vst.idx.add.f32.msk $0xffff, v4  }
0x159: {  	[tilespmem:s7], [sflag:$0x1] =	stream.linear.gather @!p0 [hbm4b:s6+s7], $0x2710, $0x38;
	[tilespmem:$0x19080] =	vst v63  }
0x15a: {  	s8 =	simm.s32 @!p0 $0x4E80;
	s6 =	sadd.s32 @!p0 s2, s1  }
0x15b: {  	[tilespmem:s8], [sflag:$0x1] =	stream.linear.gather @!p0 [hbm4b:s6+s7], $0x2710, $0x38;
	[tilespmem:$0x19080] =	vst v63  }
0x15c: {  	s1 =	sadd.s32 @!p0 s4, s1;
	s6 =	simm.s32 @!p0 $0x9D00  }
0x15d: {  	[tilespmem:s6], [sflag:$0x1] =	stream.linear.gather @!p0 [hbm4b:s1+s7], $0x2710, $0x38;
	[tilespmem:$0x19080] =	vst v63  }
0x15e: {  	_ =	swait.ge [sflag:s0], $0x2710  }
0x15f: {  	[sflag:s0] =	ssyncset.done $0x0  }
0x160: {  	[sflag:s0] =	ssyncadd.s32 $0xFFFFD8F0  }
0x161: {  	_ =	swait.ge [sflag:s0], $0x2710  }
0x162: {  	[sflag:s0] =	ssyncset.done $0x0  }
0x163: {  	[sflag:s0] =	ssyncadd.s32 $0xFFFFD8F0  }
0x164: {  	_ =	swait.ge [sflag:s0], $0x2710  }
0x165: {  	[sflag:s0] =	ssyncset.done $0x0  }
0x166: {  	s6 =	simm.s32 $0x0;
	[sflag:s0] =	ssyncadd.s32 $0xFFFFD8F0  }
0x167: {  	v3 =	vld [tilespmem:s6+$0xC410]  }
0x168: {  	v4 =	vld [tilespmem:s6+$0x2710]  }
0x169: {  	v5 =	vld [tilespmem:s6+$0x7590];
	_ =	sdelay $0x2  }
0x16a: {  	v3 =	vshll.u32 v3, $0x4  }
0x16b: {  	v3 =	vor.u32 v1, v3  }
0x16c: {  	v4 =	vsub.f32 v4, v5;
	_ =	sdelay $0x1  }
0x16d: {  	v4 =	vmul.f32 v4, v4;
	_ =	sdelay $0x1  }
0x16e: {  	[tilespmem:v3+s3+$0x0] =	vst.idx.add.f32.msk $0xffff, v4  }
0x16f: {  	v3 =	vld [tilespmem:s6+$0xC420]  }
0x170: {  	v4 =	vld [tilespmem:s6+$0x2720]  }
0x171: {  	v5 =	vld [tilespmem:s6+$0x75A0];
	_ =	sdelay $0x2  }
0x172: {  	v3 =	vshll.u32 v3, $0x4  }
0x173: {  	v3 =	vor.u32 v1, v3  }
0x174: {  	s7 =	simm.s32 $0x50;
	v4 =	vsub.f32 v4, v5  }
0x175: {  	v5 =	vld [tilespmem:s7+$0xC410]  }
0x176: {  	v6 =	vld [tilespmem:s7+$0x2710];
	v4 =	vmul.f32 v4, v4  }
0x177: {  	v7 =	vld [tilespmem:s7+$0x7590]  }
0x178: {  	[tilespmem:v3+s3+$0x0] =	vst.idx.add.f32.msk $0xffff, v4  }
0x179: {  	v3 =	vld [tilespmem:s6+$0xC430]  }
0x17a: {  	v4 =	vshll.u32 v5, $0x4;
	v5 =	vld [tilespmem:s6+$0x2730]  }
0x17b: {  	v4 =	vor.u32 v1, v4;
	v8 =	vld [tilespmem:s6+$0x75B0]  }
0x17c: {  	v6 =	vsub.f32 v6, v7;
	_ =	sdelay $0x1  }
0x17d: {  	v6 =	vmul.f32 v6, v6;
	v3 =	vshll.u32 v3, $0x4  }
0x17e: {  	v3 =	vor.u32 v1, v3  }
0x17f: {  	[tilespmem:v4+s3+$0x0] =	vst.idx.add.f32.msk $0xffff, v6;
	v4 =	vsub.f32 v5, v8  }
0x180: {  	v5 =	vld [tilespmem:s7+$0xC420]  }
0x181: {  	v7 =	vld [tilespmem:s7+$0x2720];
	v4 =	vmul.f32 v4, v4  }
0x182: {  	v8 =	vld [tilespmem:s7+$0x75A0]  }
0x183: {  	[tilespmem:v3+s3+$0x0] =	vst.idx.add.f32.msk $0xffff, v4  }
0x184: {  	v4 =	vld [tilespmem:s6+$0xC440]  }
0x185: {  	v5 =	vshll.u32 v5, $0x4;
	v3 =	vld [tilespmem:s6+$0x2740]  }
0x186: {  	v6 =	vor.u32 v1, v5;
	v5 =	vld [tilespmem:s6+$0x75C0]  }
0x187: {  	s9 =	simm.s32 $0x3C0;
	s8 =	simm.s32 $0xA0;
	v7 =	vsub.f32 v7, v8  }
.LBB2_11:
0x188: {  	p1 =	sne.s32 s9, $0x9B00;
	v8 =	vld [tilespmem:s8+$0xC410]  }
0x189: {  	v9 =	vld [tilespmem:s8+$0x2710];
	v7 =	vmul.f32 v7, v7;
	v4 =	vshll.u32 v4, $0x4  }
0x18a: {  	v10 =	vld [tilespmem:s8+$0x7590];
	v4 =	vor.u32 v1, v4  }
0x18b: {  	[tilespmem:v6+s3+$0x0] =	vst.idx.add.f32.msk $0xffff, v7;
	v3 =	vsub.f32 v3, v5  }
0x18c: {  	v5 =	vld [tilespmem:s7+$0xC430]  }
0x18d: {  	v6 =	vshll.u32 v8, $0x4;
	v7 =	vld [tilespmem:s7+$0x2730];
	v3 =	vmul.f32 v3, v3  }
0x18e: {  	v6 =	vor.u32 v1, v6;
	v8 =	vld [tilespmem:s7+$0x75B0]  }
0x18f: {  	v9 =	vsub.f32 v9, v10;
	[tilespmem:v4+s3+$0x0] =	vst.idx.add.f32.msk $0xffff, v3  }
0x190: {  	v3 =	vld [tilespmem:s6+$0xC450]  }
0x191: {  	v4 =	vmul.f32 v9, v9;
	v5 =	vshll.u32 v5, $0x4;
	v9 =	vld [tilespmem:s6+$0x2750]  }
0x192: {  	v5 =	vor.u32 v1, v5;
	v10 =	vld [tilespmem:s6+$0x75D0];
	s6 =	smov.u32 s7;
	s7 =	smov.u32 s8  }
0x193: {  	[tilespmem:v6+s3+$0x0] =	vst.idx.add.f32.msk $0xffff, v4;
	v4 =	vsub.f32 v7, v8  }
0x194: {  	v6 =	vld [tilespmem:s7+$0xC420]  }
0x195: {  	v7 =	vld [tilespmem:s7+$0x2720];
	v4 =	vmul.f32 v4, v4;
	v3 =	vshll.u32 v3, $0x4  }
0x196: {  	v8 =	vld [tilespmem:s7+$0x75A0];
	v11 =	vor.u32 v1, v3  }
.Ltmp4:
0x197: {  	[tilespmem:v5+s3+$0x0] =	vst.idx.add.f32.msk $0xffff, v4;
	v5 =	vsub.f32 v9, v10;
	(pc) =	sbr.rel @p1 .LBB2_11-.Ltmp4, $4  }
0x198: {  	v4 =	vld [tilespmem:s6+$0xC440]  }
0x199: {  	v6 =	vshll.u32 v6, $0x4;
	v3 =	vld [tilespmem:s6+$0x2740];
	v9 =	vmul.f32 v5, v5  }
0x19a: {  	v6 =	vor.u32 v1, v6;
	v5 =	vld [tilespmem:s6+$0x75C0]  }
0x19b: {  	s8 =	sshra.s32 s9, $0x2;
	s9 =	sadd.s32 $0x140, s9;
	v7 =	vsub.f32 v7, v8;
	[tilespmem:v11+s3+$0x0] =	vst.idx.add.f32.msk $0xffff, v9  }
0x19c: {  	v8 =	vld [tilespmem:s8+$0xC410]  }
0x19d: {  	v9 =	vld [tilespmem:s8+$0x2710]  }
0x19e: {  	v10 =	vld [tilespmem:s8+$0x7590];
	_ =	sdelay $0x2  }
0x19f: {  	v8 =	vshll.u32 v8, $0x4  }
0x1a0: {  	v8 =	vor.u32 v1, v8  }
0x1a1: {  	v9 =	vsub.f32 v9, v10;
	_ =	sdelay $0x1  }
0x1a2: {  	v9 =	vmul.f32 v9, v9;
	_ =	sdelay $0x1  }
0x1a3: {  	[tilespmem:v8+s3+$0x0] =	vst.idx.add.f32.msk $0xffff, v9  }
0x1a4: {  	v8 =	vld [tilespmem:s8+$0xC420]  }
0x1a5: {  	v9 =	vld [tilespmem:s8+$0x2720]  }
0x1a6: {  	v47 =	vld [tilespmem:s8+$0x75A0];
	_ =	sdelay $0x2  }
0x1a7: {  	v7 =	vmul.f32 v7, v7;
	v8 =	vshll.u32 v8, $0x4  }
0x1a8: {  	v8 =	vor.u32 v1, v8  }
0x1a9: {  	[tilespmem:v6+s3+$0x0] =	vst.idx.add.f32.msk $0xffff, v7;
	v48 =	vsub.f32 v9, v47  }
0x1aa: {  	v7 =	vld [tilespmem:s7+$0xC430]  }
0x1ab: {  	v49 =	vld [tilespmem:s7+$0x2730];
	v6 =	vmul.f32 v48, v48  }
0x1ac: {  	v50 =	vld [tilespmem:s7+$0x75B0]  }
0x1ad: {  	[tilespmem:v8+s3+$0x0] =	vst.idx.add.f32.msk $0xffff, v6  }
0x1ae: {  	v6 =	vld [tilespmem:s8+$0xC430]  }
0x1af: {  	v7 =	vshll.u32 v7, $0x4;
	v8 =	vld [tilespmem:s8+$0x2730]  }
0x1b0: {  	v7 =	vor.u32 v1, v7;
	v11 =	vld [tilespmem:s8+$0x75B0]  }
0x1b1: {  	v9 =	vsub.f32 v49, v50;
	_ =	sdelay $0x1  }
0x1b2: {  	v9 =	vmul.f32 v9, v9;
	v6 =	vshll.u32 v6, $0x4  }
0x1b3: {  	v6 =	vor.u32 v1, v6  }
0x1b4: {  	[tilespmem:v7+s3+$0x0] =	vst.idx.add.f32.msk $0xffff, v9;
	v51 =	vsub.f32 v8, v11  }
0x1b5: {  	v52 =	vld [tilespmem:s7+$0xC440]  }
0x1b6: {  	v4 =	vshll.u32 v4, $0x4;
	v9 =	vld [tilespmem:s7+$0x2740];
	v7 =	vmul.f32 v51, v51  }
0x1b7: {  	v4 =	vor.u32 v1, v4;
	v53 =	vld [tilespmem:s7+$0x75C0]  }
0x1b8: {  	v3 =	vsub.f32 v3, v5;
	[tilespmem:v6+s3+$0x0] =	vst.idx.add.f32.msk $0xffff, v7  }
0x1b9: {  	v54 =	vld [tilespmem:s8+$0xC440]  }
0x1ba: {  	v3 =	vmul.f32 v3, v3;
	v55 =	vshll.u32 v52, $0x4;
	v7 =	vld [tilespmem:s8+$0x2740]  }
0x1bb: {  	v6 =	vor.u32 v1, v55;
	v56 =	vld [tilespmem:s8+$0x75C0]  }
0x1bc: {  	[tilespmem:v4+s3+$0x0] =	vst.idx.add.f32.msk $0xffff, v3;
	v3 =	vsub.f32 v9, v53  }
0x1bd: {  	v4 =	vld [tilespmem:s6+$0xC450]  }
0x1be: {  	v57 =	vld [tilespmem:s6+$0x2750];
	v3 =	vmul.f32 v3, v3;
	v5 =	vshll.u32 v54, $0x4  }
0x1bf: {  	v58 =	vld [tilespmem:s6+$0x75D0];
	v5 =	vor.u32 v1, v5  }
0x1c0: {  	[tilespmem:v6+s3+$0x0] =	vst.idx.add.f32.msk $0xffff, v3;
	v3 =	vsub.f32 v7, v56  }
0x1c1: {  	v6 =	vld [tilespmem:s7+$0xC450]  }
0x1c2: {  	v59 =	vld [tilespmem:s7+$0x2750];
	v3 =	vmul.f32 v3, v3  }
0x1c3: {  	v60 =	vld [tilespmem:s7+$0x75D0]  }
0x1c4: {  	[tilespmem:v5+s3+$0x0] =	vst.idx.add.f32.msk $0xffff, v3  }
0x1c5: {  	v3 =	vld [tilespmem:s8+$0xC450]  }
0x1c6: {  	v5 =	vld [tilespmem:s8+$0x2750]  }
0x1c7: {  	v61 =	vld [tilespmem:s8+$0x75D0]  }
0x1c8: {  	v4 =	vshll.u32 v4, $0x4  }
0x1c9: {  	v4 =	vor.u32 v1, v4;
	v6 =	vshll.u32 v6, $0x4  }
0x1ca: {  	v9 =	vsub.f32 v57, v58;
	v6 =	vor.u32 v1, v6;
	v3 =	vshll.u32 v3, $0x4  }
0x1cb: {  	v7 =	vsub.f32 v59, v60;
	v3 =	vor.u32 v1, v3  }
.Ltmp5:
0x1cc: {  	v62 =	vmul.f32 v9, v9;
	v5 =	vsub.f32 v5, v61;
	(pc) =	sbr.rel @p0 .LBB2_13-.Ltmp5, $4  }
0x1cd: {  	v7 =	vmul.f32 v7, v7  }
0x1ce: {  	[tilespmem:v4+s3+$0x0] =	vst.idx.add.f32.msk $0xffff, v62;
	v63 =	vmul.f32 v5, v5  }
0x1cf: {  	[tilespmem:v6+s3+$0x0] =	vst.idx.add.f32.msk $0xffff, v7  }
0x1d0: {  	[tilespmem:v3+s3+$0x0] =	vst.idx.add.f32.msk $0xffff, v63  }
0x1d1: {  	s1 =	smul.u32 $0x4E20, s19;
	_ =	sdelay $0x1  }
0x1d2: {  	s1 =	sadd.s32 s1, s16  }
0x1d3: {  	s1 =	sshrl.u32 s1, $0x3  }
0x1d4: {  	s6 =	sadd.s32 s10, s1  }
0x1d5: {  	[tilespmem:s11], [sflag:$0x2] =	stream.linear.gather [hbm4b:s6+s5], $0x2710, $0x38;
	[tilespmem:$0x19080] =	vst v63  }
.Ltmp6:
0x1d6: {  	_ = 	snop;
	(pc) =	sbr.rel .LBB2_8-.Ltmp6, $4  }
0x1d7: {  	s28 =	sadd.s32 s2, s1  }
0x1d8: {  	[tilespmem:s12], [sflag:$0x2] =	stream.linear.gather [hbm4b:s28+s5], $0x2710, $0x38;
	[tilespmem:$0x19080] =	vst v63  }
0x1d9: {  	s19 =	sadd.s32 $0x1, s19;
	s1 =	sadd.s32 s4, s1  }
0x1da: {  	[tilespmem:s13], [sflag:$0x2] =	stream.linear.gather [hbm4b:s1+s5], $0x2710, $0x38;
	[tilespmem:$0x19080] =	vst v63  }
.LBB2_13:
0x1db: {  	s6 =	simm.s32 $0x0;
	s7 =	simm.s32 $0x15C80;
	s8 =	simm.s32 $0x0  }
.LBB2_14:
0x1dc: {  	v3 =	vld [tilespmem:s7+$0xFFFFFF80]  }
0x1dd: {  	v4 =	vld [tilespmem:s7+$0xFFFFFF90]  }
0x1de: {  	v5 =	vld [tilespmem:s7+$0xFFFFFFA0]  }
0x1df: {  	v6 =	vld [tilespmem:s7+$0xFFFFFFB0]  }
0x1e0: {  	v7 =	vld [tilespmem:s7+$0xFFFFFFC0]  }
0x1e1: {  	(xrf2) =	vadd.scan.msk.f32 $0xffff, v3;
	v3 =	vld [tilespmem:s7+$0xFFFFFFD0]  }
0x1e2: {  	v29 =	vld [tilespmem:s7+$0xFFFFFFE0];
	(xrf2) =	vadd.scan.msk.f32 $0xffff, v4  }
0x1e3: {  	v30 =	vld [tilespmem:s7+$0xFFFFFFF0];
	(xrf2) =	vadd.scan.msk.f32 $0xffff, v5  }
0x1e4: {  	v31 =	vld [tilespmem:s7+$0x0];
	(xrf2) =	vadd.scan.msk.f32 $0xffff, v6  }
0x1e5: {  	v32 =	vld [tilespmem:s7+$0x10];
	(xrf2) =	vadd.scan.msk.f32 $0xffff, v7  }
0x1e6: {  	(xrf2) =	vadd.scan.msk.f32 $0xffff, v3;
	v3 =	vld [tilespmem:s7+$0x20]  }
0x1e7: {  	v33 =	vld [tilespmem:s7+$0x30];
	(xrf2) =	vadd.scan.msk.f32 $0xffff, v29  }
0x1e8: {  	v34 =	vld [tilespmem:s7+$0x40];
	(xrf2) =	vadd.scan.msk.f32 $0xffff, v30  }
0x1e9: {  	v35 =	vld [tilespmem:s7+$0x50];
	(xrf2) =	vadd.scan.msk.f32 $0xffff, v31  }
0x1ea: {  	v36 =	vld [tilespmem:s7+$0x60];
	(xrf2) =	vadd.scan.msk.f32 $0xffff, v32  }
0x1eb: {  	v8, _, _ =	vpop (xrf2);
	(xrf2) =	vadd.scan.msk.f32 $0xffff, v3  }
0x1ec: {  	v3, _, _ =	vpop (xrf2);
	(xrf2) =	vadd.scan.msk.f32 $0xffff, v33  }
0x1ed: {  	v39 =	vld [tilespmem:s7+$0x70];
	v37 =	vbroadcast v8, $0xF;
	v3 =	vbroadcast v3, $0xF;
	v38, _, _ =	vpop (xrf2);
	(xrf2) =	vadd.scan.msk.f32 $0xffff, v34  }
0x1ee: {  	v9, _, _ =	vpop (xrf2);
	(xrf2) =	vadd.scan.msk.f32 $0xffff, v35;
	v40 =	vbroadcast v38, $0xF  }
0x1ef: {  	v3 =	vsel vm0, v37, v3;
	v41 =	vbroadcast v9, $0xF;
	v42, _, _ =	vpop (xrf2);
	(xrf2) =	vadd.scan.msk.f32 $0xffff, v36  }
0x1f0: {  	v43, _, _ =	vpop (xrf2);
	v3 =	vsel vm1, v3, v40;
	v44 =	vbroadcast v42, $0xF  }
0x1f1: {  	v45, _, _ =	vpop (xrf2);
	v3 =	vsel vm2, v3, v41;
	v46 =	vbroadcast v43, $0xF  }
0x1f2: {  	(xrf2) =	vadd.scan.msk.f32 $0xffff, v39;
	v3 =	vsel vm3, v3, v44;
	v47 =	vbroadcast v45, $0xF;
	v48, _, _ =	vpop (xrf2)  }
0x1f3: {  	v49, _, _ =	vpop (xrf2);
	v3 =	vsel vm4, v3, v46;
	v50 =	vbroadcast v48, $0xF  }
0x1f4: {  	v51, _, _ =	vpop (xrf2);
	v3 =	vsel vm5, v3, v47;
	v5 =	vbroadcast v49, $0xF  }
0x1f5: {  	v52, _, _ =	vpop (xrf2);
	v3 =	vsel vm6, v3, v50;
	v53 =	vbroadcast v51, $0xF  }
0x1f6: {  	v54, _, _ =	vpop (xrf2);
	v3 =	vsel vm7, v3, v5;
	v55 =	vbroadcast v52, $0xF  }
0x1f7: {  	v56, _, _ =	vpop (xrf2);
	v3 =	vsel vm8, v3, v53;
	v57 =	vbroadcast v54, $0xF  }
0x1f8: {  	v58, _, _ =	vpop (xrf2);
	v3 =	vsel vm9, v3, v55;
	v59 =	vbroadcast v56, $0xF  }
0x1f9: {  	p0 =	sne.s32 s8, $0x3C0;
	v60, _, _ =	vpop (xrf2);
	v3 =	vsel vm10, v3, v57;
	v61 =	vbroadcast v58, $0xF  }
.Ltmp7:
0x1fa: {  	v3 =	vsel vm11, v3, v59;
	v62 =	vbroadcast v60, $0xF;
	(pc) =	sbr.rel @p0 .LBB2_14-.Ltmp7, $4  }
0x1fb: {  	v3 =	vsel vm12, v3, v61  }
0x1fc: {  	v63, _, _ =	vpop (xrf2);
	v3 =	vsel vm13, v3, v62  }
0x1fd: {  	s1 =	sshra.s32 s8, $0x2;
	v3 =	vsel vm14, v3, v63  }
0x1fe: {  	s8 =	sadd.s32 $0x40, s8;
	s7 =	sadd.s32 $0x100, s7;
	[tilespmem:s1+$0x18D80] =	vst v3  }
0x1ff: {  	s7 =	simm.s32 $0x16D00  }
.LBB2_16:
0x200: {  	v3 =	vld [tilespmem:s7+$0xFFFFFF80]  }
0x201: {  	v4 =	vld [tilespmem:s7+$0xFFFFFF90]  }
0x202: {  	v5 =	vld [tilespmem:s7+$0xFFFFFFA0]  }
0x203: {  	v6 =	vld [tilespmem:s7+$0xFFFFFFB0]  }
0x204: {  	v7 =	vld [tilespmem:s7+$0xFFFFFFC0]  }
0x205: {  	(xrf2) =	vadd.scan.msk.f32 $0xffff, v3;
	v3 =	vld [tilespmem:s7+$0xFFFFFFD0]  }
0x206: {  	v29 =	vld [tilespmem:s7+$0xFFFFFFE0];
	(xrf2) =	vadd.scan.msk.f32 $0xffff, v4  }
0x207: {  	v30 =	vld [tilespmem:s7+$0xFFFFFFF0];
	(xrf2) =	vadd.scan.msk.f32 $0xffff, v5  }
0x208: {  	v31 =	vld [tilespmem:s7+$0x0];
	(xrf2) =	vadd.scan.msk.f32 $0xffff, v6  }
0x209: {  	v32 =	vld [tilespmem:s7+$0x10];
	(xrf2) =	vadd.scan.msk.f32 $0xffff, v7  }
0x20a: {  	(xrf2) =	vadd.scan.msk.f32 $0xffff, v3;
	v3 =	vld [tilespmem:s7+$0x20]  }
0x20b: {  	v33 =	vld [tilespmem:s7+$0x30];
	(xrf2) =	vadd.scan.msk.f32 $0xffff, v29  }
0x20c: {  	v34 =	vld [tilespmem:s7+$0x40];
	(xrf2) =	vadd.scan.msk.f32 $0xffff, v30  }
0x20d: {  	v35 =	vld [tilespmem:s7+$0x50];
	(xrf2) =	vadd.scan.msk.f32 $0xffff, v31  }
0x20e: {  	v36 =	vld [tilespmem:s7+$0x60];
	(xrf2) =	vadd.scan.msk.f32 $0xffff, v32  }
0x20f: {  	v8, _, _ =	vpop (xrf2);
	(xrf2) =	vadd.scan.msk.f32 $0xffff, v3  }
0x210: {  	v3, _, _ =	vpop (xrf2);
	(xrf2) =	vadd.scan.msk.f32 $0xffff, v33  }
0x211: {  	v39 =	vld [tilespmem:s7+$0x70];
	v37 =	vbroadcast v8, $0xF;
	v3 =	vbroadcast v3, $0xF;
	v38, _, _ =	vpop (xrf2);
	(xrf2) =	vadd.scan.msk.f32 $0xffff, v34  }
0x212: {  	v9, _, _ =	vpop (xrf2);
	(xrf2) =	vadd.scan.msk.f32 $0xffff, v35;
	v40 =	vbroadcast v38, $0xF  }
0x213: {  	v3 =	vsel vm0, v37, v3;
	v41 =	vbroadcast v9, $0xF;
	v42, _, _ =	vpop (xrf2);
	(xrf2) =	vadd.scan.msk.f32 $0xffff, v36  }
0x214: {  	v43, _, _ =	vpop (xrf2);
	v3 =	vsel vm1, v3, v40;
	v44 =	vbroadcast v42, $0xF  }
0x215: {  	v45, _, _ =	vpop (xrf2);
	v3 =	vsel vm2, v3, v41;
	v46 =	vbroadcast v43, $0xF  }
0x216: {  	(xrf2) =	vadd.scan.msk.f32 $0xffff, v39;
	v3 =	vsel vm3, v3, v44;
	v47 =	vbroadcast v45, $0xF;
	v48, _, _ =	vpop (xrf2)  }
0x217: {  	v49, _, _ =	vpop (xrf2);
	v3 =	vsel vm4, v3, v46;
	v50 =	vbroadcast v48, $0xF  }
0x218: {  	v51, _, _ =	vpop (xrf2);
	v3 =	vsel vm5, v3, v47;
	v5 =	vbroadcast v49, $0xF  }
0x219: {  	v52, _, _ =	vpop (xrf2);
	v3 =	vsel vm6, v3, v50;
	v53 =	vbroadcast v51, $0xF  }
0x21a: {  	v54, _, _ =	vpop (xrf2);
	v3 =	vsel vm7, v3, v5;
	v55 =	vbroadcast v52, $0xF  }
0x21b: {  	v56, _, _ =	vpop (xrf2);
	v3 =	vsel vm8, v3, v53;
	v57 =	vbroadcast v54, $0xF  }
0x21c: {  	v58, _, _ =	vpop (xrf2);
	v3 =	vsel vm9, v3, v55;
	v59 =	vbroadcast v56, $0xF  }
0x21d: {  	p0 =	sne.s32 s6, $0xF0;
	v60, _, _ =	vpop (xrf2);
	v3 =	vsel vm10, v3, v57;
	v61 =	vbroadcast v58, $0xF  }
.Ltmp8:
0x21e: {  	v3 =	vsel vm11, v3, v59;
	v62 =	vbroadcast v60, $0xF;
	(pc) =	sbr.rel @p0 .LBB2_16-.Ltmp8, $4  }
0x21f: {  	v3 =	vsel vm12, v3, v61  }
0x220: {  	v63, _, _ =	vpop (xrf2);
	v3 =	vsel vm13, v3, v62  }
0x221: {  	s1 =	sand.u32 $0xF0, s6;
	v3 =	vsel vm14, v3, v63  }
0x222: {  	s6 =	sadd.s32 $0x10, s6;
	s7 =	sadd.s32 $0x100, s7;
	[tilespmem:s1+$0x18E80] =	vst v3  }
0x223: {  	s6 =	simm.s32 $0x0;
	s7 =	simm.s32 $0x17D80  }
.LBB2_18:
0x224: {  	v3 =	vld [tilespmem:s7+$0xFFFFFF80]  }
0x225: {  	v4 =	vld [tilespmem:s7+$0xFFFFFF90]  }
0x226: {  	v5 =	vld [tilespmem:s7+$0xFFFFFFA0]  }
0x227: {  	v6 =	vld [tilespmem:s7+$0xFFFFFFB0]  }
0x228: {  	v7 =	vld [tilespmem:s7+$0xFFFFFFC0]  }
0x229: {  	(xrf2) =	vadd.scan.msk.f32 $0xffff, v3;
	v3 =	vld [tilespmem:s7+$0xFFFFFFD0]  }
0x22a: {  	v29 =	vld [tilespmem:s7+$0xFFFFFFE0];
	(xrf2) =	vadd.scan.msk.f32 $0xffff, v4  }
0x22b: {  	v30 =	vld [tilespmem:s7+$0xFFFFFFF0];
	(xrf2) =	vadd.scan.msk.f32 $0xffff, v5  }
0x22c: {  	v31 =	vld [tilespmem:s7+$0x0];
	(xrf2) =	vadd.scan.msk.f32 $0xffff, v6  }
0x22d: {  	v32 =	vld [tilespmem:s7+$0x10];
	(xrf2) =	vadd.scan.msk.f32 $0xffff, v7  }
0x22e: {  	(xrf2) =	vadd.scan.msk.f32 $0xffff, v3;
	v3 =	vld [tilespmem:s7+$0x20]  }
0x22f: {  	v33 =	vld [tilespmem:s7+$0x30];
	(xrf2) =	vadd.scan.msk.f32 $0xffff, v29  }
0x230: {  	v34 =	vld [tilespmem:s7+$0x40];
	(xrf2) =	vadd.scan.msk.f32 $0xffff, v30  }
0x231: {  	v35 =	vld [tilespmem:s7+$0x50];
	(xrf2) =	vadd.scan.msk.f32 $0xffff, v31  }
0x232: {  	v36 =	vld [tilespmem:s7+$0x60];
	(xrf2) =	vadd.scan.msk.f32 $0xffff, v32  }
0x233: {  	v8, _, _ =	vpop (xrf2);
	(xrf2) =	vadd.scan.msk.f32 $0xffff, v3  }
0x234: {  	v3, _, _ =	vpop (xrf2);
	(xrf2) =	vadd.scan.msk.f32 $0xffff, v33  }
0x235: {  	v39 =	vld [tilespmem:s7+$0x70];
	v37 =	vbroadcast v8, $0xF;
	v3 =	vbroadcast v3, $0xF;
	v38, _, _ =	vpop (xrf2);
	(xrf2) =	vadd.scan.msk.f32 $0xffff, v34  }
0x236: {  	v9, _, _ =	vpop (xrf2);
	(xrf2) =	vadd.scan.msk.f32 $0xffff, v35;
	v40 =	vbroadcast v38, $0xF  }
0x237: {  	v3 =	vsel vm0, v37, v3;
	v41 =	vbroadcast v9, $0xF;
	v42, _, _ =	vpop (xrf2);
	(xrf2) =	vadd.scan.msk.f32 $0xffff, v36  }
0x238: {  	v43, _, _ =	vpop (xrf2);
	v3 =	vsel vm1, v3, v40;
	v44 =	vbroadcast v42, $0xF  }
0x239: {  	v45, _, _ =	vpop (xrf2);
	v3 =	vsel vm2, v3, v41;
	v46 =	vbroadcast v43, $0xF  }
0x23a: {  	(xrf2) =	vadd.scan.msk.f32 $0xffff, v39;
	v3 =	vsel vm3, v3, v44;
	v47 =	vbroadcast v45, $0xF;
	v48, _, _ =	vpop (xrf2)  }
0x23b: {  	v49, _, _ =	vpop (xrf2);
	v3 =	vsel vm4, v3, v46;
	v50 =	vbroadcast v48, $0xF  }
0x23c: {  	v51, _, _ =	vpop (xrf2);
	v3 =	vsel vm5, v3, v47;
	v5 =	vbroadcast v49, $0xF  }
0x23d: {  	v52, _, _ =	vpop (xrf2);
	v3 =	vsel vm6, v3, v50;
	v53 =	vbroadcast v51, $0xF  }
0x23e: {  	v54, _, _ =	vpop (xrf2);
	v3 =	vsel vm7, v3, v5;
	v55 =	vbroadcast v52, $0xF  }
0x23f: {  	v56, _, _ =	vpop (xrf2);
	v3 =	vsel vm8, v3, v53;
	v57 =	vbroadcast v54, $0xF  }
0x240: {  	v58, _, _ =	vpop (xrf2);
	v3 =	vsel vm9, v3, v55;
	v59 =	vbroadcast v56, $0xF  }
0x241: {  	p0 =	sne.s32 s6, $0xF0;
	v60, _, _ =	vpop (xrf2);
	v3 =	vsel vm10, v3, v57;
	v61 =	vbroadcast v58, $0xF  }
.Ltmp9:
0x242: {  	v3 =	vsel vm11, v3, v59;
	v62 =	vbroadcast v60, $0xF;
	(pc) =	sbr.rel @p0 .LBB2_18-.Ltmp9, $4  }
0x243: {  	v3 =	vsel vm12, v3, v61  }
0x244: {  	v63, _, _ =	vpop (xrf2);
	v3 =	vsel vm13, v3, v62  }
0x245: {  	s1 =	sand.u32 $0xF0, s6;
	v3 =	vsel vm14, v3, v63  }
0x246: {  	s6 =	sadd.s32 $0x10, s6;
	s7 =	sadd.s32 $0x100, s7;
	[tilespmem:s1+$0x18F80] =	vst v3  }
0x247: {  	s1 =	rddreg [dreg:$0xe];
	s6 =	simm.s32 $0x80  }
0x248: {  	s7 =	simm.s32 $0x400;
	s8 =	simm.s32 $0x18D80;
	s25 =	simm.s32 $0x4  }
0x249: {  	[hbm4b:s1+s6] =	stream.strided.scatter [tilespmem:s8], [sflag:$0x4], $0x300, s7, s6, $0x38;
	[tilespmem:$0x19080] =	vst v63  }
0x24a: {  	_ =	swait.ge [sflag:s25], $0x300  }
0x24b: {  	s26 =	rddreg [dreg:$0x10]  }
0x24c: {  	s28 =	rddreg [dreg:$0xf];
	s7 =	sadd.s32 $0x1, s26  }
0x24d: {  	p0 =	sne.s32 s7, s28  }
.Ltmp10:
0x24e: {  	_ = 	snop;
	(pc) =	sbr.rel @p0 .LBB2_1-.Ltmp10, $3  }
0x24f: {  	_ =	sdelay $0x1  }
0x250: {  	[sflag:s25] =	ssyncset.done $0x0  }
0x251: {  	[sflag:s25] =	ssyncadd.s32 $0xFFFFFD00  }
0x252: {  	_ =	sfence.sel $0x180000  }
0x253: {  	[bflag:$0x0] =	sbarrier.arrive $0xFFFF  }
0x254: {  	_ =	strace $0x90000047  }
0x255: {  	s0 =	stileid.u32;
	[bflag:$0x2] =	sbarrier.arrive $0xFFFF  }
0x256: {  	p0 =	sne.s32 s0, $0x0;
	s0 =	rddreg [dreg:$0x4]  }
0x257: {  	s0 =	sadd.s32 @!p0 $0x100000, s0  }
0x258: {  	[sflag:s0] =	ssyncadd.tile.s32 @!p0 $0x1;
	_ =	shalt  }
.Lfunc_end2:
_tile_overlayer_lowered:
.L_overlay_start_2:
0x259: {  	(tag) =	ssettag $0x2  }
0x25a: {  	s0 =	rddreg [dreg:$0x0];
	s2 =	stileid.u32  }
0x25b: {  	s1 =	rddreg [dreg:$0x1];
	p0 =	sne.s32 s2, $0x0  }
0x25c: {  	s3 =	rddreg [dreg:$0x2];
	[bflag:$0x3] =	sbarrier.arrive $0xFFFF;
	s2 =	simm.s32 @!p0 $0x1C04  }
0x25d: {  	[timem:s3], [sflag:s2] =	dma.local @!p0 [hbm:s0], s1  }
0x25e: {  	s0 =	simm.s32 @!p0 $0x4  }
0x25f: {  	_ =	swait.ge @!p0 [sflag:s0], s1  }
0x260: {  	s1 =	ssub.s32 @!p0 $0x0, s1;
	[sflag:s0] =	ssyncset.done @!p0 $0x0  }
0x261: {  	[sflag:s0] =	ssyncadd.s32 @!p0 s1  }
0x262: {  	[bflag:$0x3] =	sbarrier.arrive $0xFFFF  }
0x263: {  	_ =	shalt  }

</sc_bundles>
